<compile_context>
chip_gen: v7x
topology: tpu7x:2x2x1
jax: 0.10.2.dev20260603
libtpu: 0.0.44.dev20260713+nightly
codegen_flags: <defaults>
</compile_context>

<pallas_src>
import functools

import jax
import jax.numpy as jnp
from jax import lax
from jax.experimental import pallas as pl
from jax.experimental.pallas import tpu as pltpu
from jax.experimental.pallas import tpu_sc as plsc

_MIN_NORM = 1e-15
_BALL_EPS = 4e-3
_N, _E, _D = 10000, 320000, 128

_NC, _NS = 2, 16
_N_PAD = 10240
_ROWS_PER_TILE = _N_PAD // _NS
_CHUNK = 80
_BLK = 5
_NR = 5
_E_PER_CORE = _E // _NC
_E_PER_TILE = _E_PER_CORE // _NS
_NPT = _E_PER_TILE // _CHUNK
_NBLK = _NPT // _BLK
_ZROWS = 80
_DEG_W = 16


def _rnorm(v):
    return jnp.maximum(jnp.sqrt(jnp.sum(v * v, axis=-1, keepdims=True)), _MIN_NORM)


def _artanh(v):
    v = jnp.clip(v, -1.0 + 1e-7, 1.0 - 1e-7)
    return 0.5 * (jnp.log1p(v) - jnp.log1p(-v))


def _proj(v):
    n = _rnorm(v)
    maxnorm = 1.0 - _BALL_EPS
    return jnp.where(n > maxnorm, v / n * maxnorm, v)


def _expmap0(v):
    n = _rnorm(v)
    return jnp.tanh(n) * v / n


def _logmap0(v):
    n = _rnorm(v)
    return v / n * _artanh(n)


def _phase_a_body(x_ref, w_ref, b_ref, o_ref):
    x = x_ref[...]
    w = w_ref[...]
    b = b_ref[...]

    x_hyp = _proj(_expmap0(x))

    xn = _rnorm(x_hyp)
    mx = lax.dot_general(x_hyp, w, (((1,), (1,)), ((), ())),
                         preferred_element_type=jnp.float32,
                         precision=lax.Precision.HIGHEST)
    mxn = _rnorm(mx)
    res = jnp.tanh(mxn / xn * _artanh(xn)) * mx / mxn
    res = jnp.where(jnp.all(mx == 0.0, axis=-1, keepdims=True), 0.0, res)
    res = _proj(res)

    hb = _proj(_expmap0(b))

    x2 = jnp.sum(res * res, axis=-1, keepdims=True)
    y2 = jnp.sum(hb * hb, axis=-1, keepdims=True)
    xy = jnp.sum(res * hb, axis=-1, keepdims=True)
    num = (1.0 + 2.0 * xy + y2) * res + (1.0 - x2) * hb
    den = jnp.maximum(1.0 + 2.0 * xy + x2 * y2, _MIN_NORM)
    ma = _proj(num / den)

    o_ref[...] = _logmap0(ma).astype(jnp.bfloat16)


def _phase_a(x, W, b2):
    blk = 1000
    return pl.pallas_call(
        _phase_a_body,
        grid=(_N // blk,),
        in_specs=[
            pl.BlockSpec((blk, _D), lambda i: (i, 0)),
            pl.BlockSpec((_D, _D), lambda i: (0, 0)),
            pl.BlockSpec((1, _D), lambda i: (0, 0)),
        ],
        out_specs=pl.BlockSpec((blk, _D), lambda i: (i, 0)),
        out_shape=jax.ShapeDtypeStruct((_N, _D), jnp.bfloat16),
    )(x, W, b2)


def _sc_agg(h_tan, edge_index):
    @functools.partial(
        pl.kernel,
        out_type=[
            jax.ShapeDtypeStruct((_NC, _N_PAD, _D), jnp.bfloat16),
            jax.ShapeDtypeStruct((_NC, _N_PAD, _DEG_W), jnp.float32),
        ],
        mesh=plsc.VectorSubcoreMesh(core_axis_name="c", subcore_axis_name="s"),
        compiler_params=pltpu.CompilerParams(use_tc_tiling_on_sc=False),
        scratch_types=[
            pltpu.VMEM_SHARED((_N_PAD, _D), jnp.bfloat16),
            pltpu.VMEM_SHARED((_N_PAD, _DEG_W), jnp.float32),
            pltpu.VMEM((2, _BLK, _CHUNK), jnp.int32),
            pltpu.VMEM((2, _BLK, _CHUNK), jnp.int32),
            pltpu.VMEM((_NR, _CHUNK, _D), jnp.bfloat16),
            pltpu.VMEM((_ZROWS, _DEG_W), jnp.float32),
            pltpu.VMEM((_CHUNK, _DEG_W), jnp.float32),
            pltpu.SemaphoreType.DMA,
            pltpu.SemaphoreType.DMA,
            pltpu.SemaphoreType.DMA,
            pltpu.SemaphoreType.DMA,
            pltpu.SemaphoreType.DMA,
            pltpu.SemaphoreType.DMA,
            pltpu.SemaphoreType.DMA,
            pltpu.SemaphoreType.DMA,
            pltpu.SemaphoreType.DMA,
            pltpu.SemaphoreType.DMA,
            pltpu.SemaphoreType.DMA,
            pltpu.SemaphoreType.DMA,
            pltpu.SemaphoreType.DMA,
            pltpu.SemaphoreType.DMA,
            pltpu.SemaphoreType.DMA,
            pltpu.SemaphoreType.DMA,
            pltpu.SemaphoreType.DMA,
        ],
    )
    def sc_kernel(h_hbm, ei_hbm, acc_out, deg_out,
                  acc_sp, deg_sp, ib0, ib1, rowsb, zdeg, ones,
                  is0, is1, g0, g1, g2, g3, g4, s0, s1, s2, s3, s4,
                  d0, d1, d2, d3, d4):
        c = lax.axis_index("c")
        s = lax.axis_index("s")
        ib = (ib0, ib1)
        isem = (is0, is1)
        gs = (g0, g1, g2, g3, g4)
        ss = (s0, s1, s2, s3, s4)
        ds = (d0, d1, d2, d3, d4)

        zfb = jnp.zeros((32,), jnp.bfloat16)
        zf = jnp.zeros((16,), jnp.float32)
        onesv = jnp.ones((16,), jnp.float32)

        def zbody(i, _):
            for j in range(_D // 32):
                rowsb[0, i, pl.ds(j * 32, 32)] = zfb
            zdeg[i, :] = zf
            ones[i, :] = onesv
            return 0

        lax.fori_loop(0, _ZROWS, zbody, 0)

        for k in range(_ROWS_PER_TILE // _ZROWS):
            off = s * _ROWS_PER_TILE + k * _ZROWS
            pltpu.sync_copy(rowsb.at[0], acc_sp.at[pl.ds(off, _ZROWS)])
            pltpu.sync_copy(zdeg, deg_sp.at[pl.ds(off, _ZROWS)])
        plsc.subcore_barrier()

        chunk0 = (c * _NS + s) * _NPT

        def idx_start(b, p):
            pltpu.async_copy(
                ei_hbm.at[pl.ds(0, 2), pl.ds(chunk0 + b * _BLK, _BLK)],
                ib[p], isem[p])

        def idx_wait(b, p):
            pltpu.make_async_copy(
                ei_hbm.at[pl.ds(0, 2), pl.ds(chunk0 + b * _BLK, _BLK)],
                ib[p], isem[p]).wait()

        def _refs(pos):
            p = (pos // _BLK) % 2
            k = pos % _BLK
            r = pos % _NR
            return p, k, r

        def gather_start(pos):
            p, k, r = _refs(pos)
            pltpu.async_copy(h_hbm.at[ib[p].at[0, k]], rowsb.at[r], gs[r])

        def gather_wait(pos):
            p, k, r = _refs(pos)
            pltpu.make_async_copy(h_hbm.at[ib[p].at[0, k]], rowsb.at[r],
                                  gs[r]).wait()

        def scatter_start(pos):
            p, k, r = _refs(pos)
            pltpu.async_copy(rowsb.at[r], acc_sp.at[ib[p].at[1, k]], ss[r],
                             add=True)
            pltpu.async_copy(ones, deg_sp.at[ib[p].at[1, k]], ds[r],
                             add=True)

        def scatter_wait(pos):
            p, k, r = _refs(pos)
            pltpu.make_async_copy(rowsb.at[r], acc_sp.at[ib[p].at[1, k]],
                                  ss[r]).wait()
            pltpu.make_async_copy(ones, deg_sp.at[ib[p].at[1, k]],
                                  ds[r]).wait()

        pltpu.sync_copy(ei_hbm.at[pl.ds(0, 2), pl.ds(chunk0, _BLK)], ib[0])
        idx_start(1, 1)
        gather_start(0)
        gather_start(1)
        for j in range(_BLK):
            gather_wait(j)
            scatter_start(j)
            if j >= 3:
                scatter_wait(j - 3)
            if j == 3:
                idx_wait(1, 1)
            gather_start(j + 2)

        def pair_body(u, _):
            for j in range(2 * _BLK):
                pos = _BLK + j
                gather_wait(pos)
                scatter_start(pos)
                scatter_wait(pos - 3)
                if j == 2:
                    idx_start(2 * u + 2, 0)
                if j == 3:
                    idx_wait(2 * u + 2, 0)
                if j == 7:
                    @pl.when(u < _NBLK // 2 - 1)
                    def _():
                        idx_start(2 * u + 3, 1)
                if j == 8:
                    @pl.when(u < _NBLK // 2 - 1)
                    def _():
                        idx_wait(2 * u + 3, 1)
                if j < 8:
                    gather_start(pos + 2)
                else:
                    @pl.when(u < _NBLK // 2 - 1)
                    def _():
                        gather_start(pos + 2)
            return 0

        lax.fori_loop(0, _NBLK // 2, pair_body, 0)

        scatter_wait(_BLK + 7)
        scatter_wait(_BLK + 8)
        scatter_wait(_BLK + 9)
        plsc.subcore_barrier()

        off = s * _ROWS_PER_TILE
        pltpu.sync_copy(acc_sp.at[pl.ds(off, _ROWS_PER_TILE)],
                        acc_out.at[c, pl.ds(off, _ROWS_PER_TILE)])
        pltpu.sync_copy(deg_sp.at[pl.ds(off, _ROWS_PER_TILE)],
                        deg_out.at[c, pl.ds(off, _ROWS_PER_TILE)])

    return sc_kernel(h_tan, edge_index)


def _phase_c_body(a0_ref, a1_ref, d0_ref, d1_ref, o_ref):
    agg = a0_ref[0].astype(jnp.float32) + a1_ref[0].astype(jnp.float32)
    deg = d0_ref[0][:, :1] + d1_ref[0][:, :1]
    agg = agg / jnp.maximum(deg, 1.0)
    out = _proj(_expmap0(agg))
    xt = jnp.maximum(_logmap0(out), 0.0)
    o_ref[...] = _proj(_expmap0(xt))


def _phase_c(acc, deg):
    blk = 1000
    return pl.pallas_call(
        _phase_c_body,
        grid=(_N // blk,),
        in_specs=[
            pl.BlockSpec((1, blk, _D), lambda i: (0, i, 0)),
            pl.BlockSpec((1, blk, _D), lambda i: (1, i, 0)),
            pl.BlockSpec((1, blk, _DEG_W), lambda i: (0, i, 0)),
            pl.BlockSpec((1, blk, _DEG_W), lambda i: (1, i, 0)),
        ],
        out_specs=pl.BlockSpec((blk, _D), lambda i: (i, 0)),
        out_shape=jax.ShapeDtypeStruct((_N, _D), jnp.float32),
    )(acc, acc, deg, deg)


def kernel(x, edge_index, W, b):
    h_tan = _phase_a(x, W, b.reshape(1, -1))
    acc, deg = _sc_agg(h_tan, edge_index.reshape(2, _E // _CHUNK, _CHUNK))
    return _phase_c(acc, deg)

# --- scband reference (transcript-rebuilt; emitter-appended) ---
"""Pipeline reference for scband-hgcn-15522011808429 (READ-ONLY COPY).

The authoritative reference and input builder live on the scoring server;
editing this copy changes nothing except your own understanding.
"""

import jax, jax.numpy as jnp
import numpy as np

MIN_NORM = 1e-15
BALL_EPS = 4e-3  # float32 eps used by PoincareBall.proj
N_NODES, N_EDGES, D = 10000, 320000, 128
C0 = 1.0  # curvature layer input
C1 = 1.0  # curvature layer output (self.c)


def artanh(x):
    x = jnp.clip(x, -1.0 + 1e-7, 1.0 - 1e-7)
    return 0.5 * (jnp.log1p(x) - jnp.log1p(-x))


def _norm(x):
    return jnp.maximum(jnp.linalg.norm(x, axis=-1, keepdims=True), MIN_NORM)


def proj(x, c):
    norm = _norm(x)
    maxnorm = (1.0 - BALL_EPS) / jnp.sqrt(c)
    projected = x / norm * maxnorm
    return jnp.where(norm > maxnorm, projected, x)


def proj_tan0(u, c):
    return u  # identity on the Poincare ball


def expmap0(u, c):
    sqrt_c = jnp.sqrt(c)
    u_norm = _norm(u)
    return jnp.tanh(sqrt_c * u_norm) * u / (sqrt_c * u_norm)


def logmap0(p, c):
    sqrt_c = jnp.sqrt(c)
    p_norm = _norm(p)
    return p / p_norm / sqrt_c * artanh(sqrt_c * p_norm)


def mobius_add(x, y, c):
    x2 = jnp.sum(x * x, axis=-1, keepdims=True)
    y2 = jnp.sum(y * y, axis=-1, keepdims=True)
    xy = jnp.sum(x * y, axis=-1, keepdims=True)
    num = (1.0 + 2.0 * c * xy + c * y2) * x + (1.0 - c * x2) * y
    denom = 1.0 + 2.0 * c * xy + c * c * x2 * y2
    return num / jnp.maximum(denom, MIN_NORM)


def mobius_matvec(m, x, c):
    sqrt_c = jnp.sqrt(c)
    x_norm = _norm(x)
    mx = x @ m.T
    mx_norm = _norm(mx)
    res_c = jnp.tanh(mx_norm / x_norm * artanh(sqrt_c * x_norm)) * mx / (mx_norm * sqrt_c)
    cond = jnp.all(mx == 0, axis=-1, keepdims=True)
    return jnp.where(cond, jnp.zeros_like(res_c), res_c)


def setup_inputs(seed: int = 0) -> dict:
    key = jax.random.key(seed)
    k1, k2, k3, k4 = jax.random.split(key, 4)
    x = jax.random.normal(k1, (N_NODES, D), dtype=jnp.float32)
    edge_index = jax.random.randint(k2, (2, N_EDGES), 0, N_NODES, dtype=jnp.int32)
    W = jax.random.normal(k3, (D, D), dtype=jnp.float32) * (1.0 / np.sqrt(D))  # HypLinear weight (xavier-like)
    b = jax.random.normal(k4, (D,), dtype=jnp.float32) * 0.01  # HypLinear bias
    return {"x": x, "edge_index": edge_index, "W": W, "b": b}


def reference(x, edge_index, W, b):
    # HGCN.encode prologue: map euclidean features onto the ball
    x_tan = proj_tan0(x, C0)
    x_hyp = proj(expmap0(x_tan, C0), C0)

    # HyperbolicGraphConvolution layer 0
    # --- HypLinear (dropout p=0.0 -> identity on weights) ---
    mv = mobius_matvec(W, x_hyp, C0)
    res = proj(mv, C0)
    bias = proj_tan0(b.reshape(1, -1), C0)
    hyp_bias = proj(expmap0(bias, C0), C0)
    res = proj(mobius_add(res, hyp_bias, C0), C0)

    # --- HypAgg (use_att=0, local_agg=0): spmm(adj_norm, logmap0(x)) ---
    h_tan = logmap0(res, C0)
    src = edge_index[0]
    dst = edge_index[1]
    msgs = jnp.take(h_tan, src, axis=0)
    agg = jax.ops.segment_sum(msgs, dst, num_segments=N_NODES)
    deg = jax.ops.segment_sum(jnp.ones((N_EDGES,), dtype=h_tan.dtype), dst, num_segments=N_NODES)
    agg = agg / jnp.maximum(deg, 1.0)[:, None]  # row-normalized adjacency
    out = proj(expmap0(agg, C0), C0)

    # --- HypAct: act in tangent space at origin, re-map with output curvature ---
    xt = jax.nn.relu(logmap0(out, C0))
    xt = proj_tan0(xt, C1)
    out = proj(expmap0(xt, C1), C1)
    return out

if __name__ == "__main__":
    import jax
    _d = setup_inputs()
    print(jax.jit(kernel)(*tuple(_d.values())))

</pallas_src>

<mosaic_0001>
#map = affine_map<(d0, d1) -> (0, 0)>
#map1 = affine_map<(d0, d1) -> (0, 0, 0)>
module attributes {stable_mosaic.version = 14 : i64} {
  func.func @sc_kernel(%arg0: i32, %arg1: i32, %arg2: memref<10000x128xbf16, #tpu.memory_space<hbm>>, %arg3: memref<2x4000x80xi32, #tpu.memory_space<hbm>>, %arg4: memref<2x10240x128xbf16, #tpu.memory_space<hbm>>, %arg5: memref<2x10240x16xf32, #tpu.memory_space<hbm>>, %arg6: memref<10240x128xbf16, #tpu.memory_space<vmem_shared>>, %arg7: memref<10240x16xf32, #tpu.memory_space<vmem_shared>>, %arg8: memref<2x5x80xi32, #tpu.memory_space<vmem>>, %arg9: memref<2x5x80xi32, #tpu.memory_space<vmem>>, %arg10: memref<5x80x128xbf16, #tpu.memory_space<vmem>>, %arg11: memref<80x16xf32, #tpu.memory_space<vmem>>, %arg12: memref<80x16xf32, #tpu.memory_space<vmem>>, %arg13: memref<!tpu.dma_semaphore, #tpu.memory_space<semaphore_mem>>, %arg14: memref<!tpu.dma_semaphore, #tpu.memory_space<semaphore_mem>>, %arg15: memref<!tpu.dma_semaphore, #tpu.memory_space<semaphore_mem>>, %arg16: memref<!tpu.dma_semaphore, #tpu.memory_space<semaphore_mem>>, %arg17: memref<!tpu.dma_semaphore, #tpu.memory_space<semaphore_mem>>, %arg18: memref<!tpu.dma_semaphore, #tpu.memory_space<semaphore_mem>>, %arg19: memref<!tpu.dma_semaphore, #tpu.memory_space<semaphore_mem>>, %arg20: memref<!tpu.dma_semaphore, #tpu.memory_space<semaphore_mem>>, %arg21: memref<!tpu.dma_semaphore, #tpu.memory_space<semaphore_mem>>, %arg22: memref<!tpu.dma_semaphore, #tpu.memory_space<semaphore_mem>>, %arg23: memref<!tpu.dma_semaphore, #tpu.memory_space<semaphore_mem>>, %arg24: memref<!tpu.dma_semaphore, #tpu.memory_space<semaphore_mem>>, %arg25: memref<!tpu.dma_semaphore, #tpu.memory_space<semaphore_mem>>, %arg26: memref<!tpu.dma_semaphore, #tpu.memory_space<semaphore_mem>>, %arg27: memref<!tpu.dma_semaphore, #tpu.memory_space<semaphore_mem>>, %arg28: memref<!tpu.dma_semaphore, #tpu.memory_space<semaphore_mem>>, %arg29: memref<!tpu.dma_semaphore, #tpu.memory_space<semaphore_mem>>) attributes {dimension_semantics = [#tpu.dimension_semantics<core_parallel>, #tpu.dimension_semantics<subcore_parallel>], iteration_bounds = array<i64: 2, 16>, scalar_prefetch = 0 : i64, scratch_operands = 24 : i64, tpu.core_type = #tpu.core_type<sc_vector_subcore>, window_params = [{transform_indices = #map}, {transform_indices = #map1}, {transform_indices = #map1}, {transform_indices = #map1}]} {
    %broadcast_in_dim3A = arith.constant 0.000000e+00 : bf16
    %broadcast_in_dim3A_0 = vector.broadcast %broadcast_in_dim3A : bf16 to vector<32xbf16>
    %broadcast_in_dim3A_1 = arith.constant 0.000000e+00 : f32
    %broadcast_in_dim3A_2 = vector.broadcast %broadcast_in_dim3A_1 : f32 to vector<16xf32>
    %broadcast_in_dim3A_3 = arith.constant 1.000000e+00 : f32
    %broadcast_in_dim3A_4 = vector.broadcast %broadcast_in_dim3A_3 : f32 to vector<16xf32>
    %scan3A = arith.constant 0 : i32
    %scan3A_5 = arith.constant 0 : i32
    %scan3A_6 = arith.constant 80 : i32
    %scan3A_7 = arith.addi %scan3A_5, %scan3A_6 : i32
    %scan3A_8 = arith.constant 1 : i32
    %scan3A_9 = scf.for %scan3A_443 = %scan3A_5 to %scan3A_7 step %scan3A_8 iter_args(%scan3A_444 = %scan3A) -> (i32)  : i32 {
      %swap3A = arith.constant 0 : i32
      %swap3A_445 = arith.index_cast %swap3A : i32 to index
      %swap3A_446 = arith.index_cast %scan3A_443 : i32 to index
      %swap3A_447 = arith.constant 0 : index
      %swap3A_448 = tpu.vector_load %arg10[%swap3A_445, %swap3A_446, %swap3A_447] {strides = array<i32>} : memref<5x80x128xbf16, #tpu.memory_space<vmem>>, vector<1x1x32xbf16>,
      %swap3A_449 = vector.shape_cast %swap3A_448 : vector<1x1x32xbf16> to vector<32xbf16>
      %swap3A_450 = vector.shape_cast %broadcast_in_dim3A_0 : vector<32xbf16> to vector<1x1x32xbf16>
      tpu.vector_store %arg10[%swap3A_445, %swap3A_446, %swap3A_447], %swap3A_450 {strides = array<i32>} : memref<5x80x128xbf16, #tpu.memory_space<vmem>>, vector<1x1x32xbf16>,
      %swap3A_451 = arith.constant 0 : i32
      %swap3A_452 = arith.index_cast %swap3A_451 : i32 to index
      %swap3A_453 = arith.index_cast %scan3A_443 : i32 to index
      %swap3A_454 = arith.constant 32 : index
      %swap3A_455 = tpu.vector_load %arg10[%swap3A_452, %swap3A_453, %swap3A_454] {strides = array<i32>} : memref<5x80x128xbf16, #tpu.memory_space<vmem>>, vector<1x1x32xbf16>,
      %swap3A_456 = vector.shape_cast %swap3A_455 : vector<1x1x32xbf16> to vector<32xbf16>
      %swap3A_457 = vector.shape_cast %broadcast_in_dim3A_0 : vector<32xbf16> to vector<1x1x32xbf16>
      tpu.vector_store %arg10[%swap3A_452, %swap3A_453, %swap3A_454], %swap3A_457 {strides = array<i32>} : memref<5x80x128xbf16, #tpu.memory_space<vmem>>, vector<1x1x32xbf16>,
      %swap3A_458 = arith.constant 0 : i32
      %swap3A_459 = arith.index_cast %swap3A_458 : i32 to index
      %swap3A_460 = arith.index_cast %scan3A_443 : i32 to index
      %swap3A_461 = arith.constant 64 : index
      %swap3A_462 = tpu.vector_load %arg10[%swap3A_459, %swap3A_460, %swap3A_461] {strides = array<i32>} : memref<5x80x128xbf16, #tpu.memory_space<vmem>>, vector<1x1x32xbf16>,
      %swap3A_463 = vector.shape_cast %swap3A_462 : vector<1x1x32xbf16> to vector<32xbf16>
      %swap3A_464 = vector.shape_cast %broadcast_in_dim3A_0 : vector<32xbf16> to vector<1x1x32xbf16>
      tpu.vector_store %arg10[%swap3A_459, %swap3A_460, %swap3A_461], %swap3A_464 {strides = array<i32>} : memref<5x80x128xbf16, #tpu.memory_space<vmem>>, vector<1x1x32xbf16>,
      %swap3A_465 = arith.constant 0 : i32
      %swap3A_466 = arith.index_cast %swap3A_465 : i32 to index
      %swap3A_467 = arith.index_cast %scan3A_443 : i32 to index
      %swap3A_468 = arith.constant 96 : index
      %swap3A_469 = tpu.vector_load %arg10[%swap3A_466, %swap3A_467, %swap3A_468] {strides = array<i32>} : memref<5x80x128xbf16, #tpu.memory_space<vmem>>, vector<1x1x32xbf16>,
      %swap3A_470 = vector.shape_cast %swap3A_469 : vector<1x1x32xbf16> to vector<32xbf16>
      %swap3A_471 = vector.shape_cast %broadcast_in_dim3A_0 : vector<32xbf16> to vector<1x1x32xbf16>
      tpu.vector_store %arg10[%swap3A_466, %swap3A_467, %swap3A_468], %swap3A_471 {strides = array<i32>} : memref<5x80x128xbf16, #tpu.memory_space<vmem>>, vector<1x1x32xbf16>,
      %swap3A_472 = arith.index_cast %scan3A_443 : i32 to index
      %swap3A_473 = arith.constant 0 : index
      %swap3A_474 = tpu.vector_load %arg11[%swap3A_472, %swap3A_473] {strides = array<i32>} : memref<80x16xf32, #tpu.memory_space<vmem>>, vector<1x16xf32>,
      %swap3A_475 = vector.shape_cast %swap3A_474 : vector<1x16xf32> to vector<16xf32>
      %swap3A_476 = vector.shape_cast %broadcast_in_dim3A_2 : vector<16xf32> to vector<1x16xf32>
      tpu.vector_store %arg11[%swap3A_472, %swap3A_473], %swap3A_476 {strides = array<i32>} : memref<80x16xf32, #tpu.memory_space<vmem>>, vector<1x16xf32>,
      %swap3A_477 = arith.index_cast %scan3A_443 : i32 to index
      %swap3A_478 = arith.constant 0 : index
      %swap3A_479 = tpu.vector_load %arg12[%swap3A_477, %swap3A_478] {strides = array<i32>} : memref<80x16xf32, #tpu.memory_space<vmem>>, vector<1x16xf32>,
      %swap3A_480 = vector.shape_cast %swap3A_479 : vector<1x16xf32> to vector<16xf32>
      %swap3A_481 = vector.shape_cast %broadcast_in_dim3A_4 : vector<16xf32> to vector<1x16xf32>
      tpu.vector_store %arg12[%swap3A_477, %swap3A_478], %swap3A_481 {strides = array<i32>} : memref<80x16xf32, #tpu.memory_space<vmem>>, vector<1x16xf32>,
      %scan3A_482 = arith.constant 0 : i32
      scf.yield %scan3A_482 : i32
    }
    %scan3A_10 = arith.constant 80 : i32
    %mul3A = arith.constant 640 : i32
    %mul3A_11 = arith.muli %arg1, %mul3A : i32
    %add3A = arith.constant 0 : i32
    %add3A_12 = arith.addi %mul3A_11, %add3A : i32
    %run_scoped3A = arith.constant 0 : i32
    "tpu.region"() ({
      %run_scoped3A_443 = tpu.sem_alloc : memref<!tpu.dma_semaphore, #tpu.memory_space<semaphore_mem>>
      %dma_start3A_444 = arith.constant 0 : i32
      %dma_start3A_445 = arith.constant 0 : i32
      %dma_start3A_446 = tpu.memref_slice %arg10[%run_scoped3A, %dma_start3A_444, %dma_start3A_445] : memref<5x80x128xbf16, #tpu.memory_space<vmem>> -> memref<1x80x128xbf16, #tpu.memory_space<vmem>>
      %dma_start3A_447 = tpu.memref_squeeze %dma_start3A_446 : memref<1x80x128xbf16, #tpu.memory_space<vmem>> -> memref<80x128xbf16, #tpu.memory_space<vmem>>
      %dma_start3A_448 = arith.constant 0 : i32
      %dma_start3A_449 = tpu.memref_slice %arg6[%add3A_12, %dma_start3A_448] : memref<10240x128xbf16, #tpu.memory_space<vmem_shared>> -> memref<80x128xbf16, #tpu.memory_space<vmem_shared>>
      %dma_start3A_450 = arith.constant 0 : i32
      %dma_start3A_451 = tpu.memref_slice %arg6[%add3A_12, %dma_start3A_450] : memref<10240x128xbf16, #tpu.memory_space<vmem_shared>> -> memref<80x128xbf16, #tpu.memory_space<vmem_shared>>
      %dma_start3A_452 = arith.constant 0 : i32
      %dma_start3A_453 = arith.constant 0 : i32
      %dma_start3A_454 = tpu.memref_slice %arg10[%run_scoped3A, %dma_start3A_452, %dma_start3A_453] : memref<5x80x128xbf16, #tpu.memory_space<vmem>> -> memref<1x80x128xbf16, #tpu.memory_space<vmem>>
      %dma_start3A_455 = tpu.memref_squeeze %dma_start3A_454 : memref<1x80x128xbf16, #tpu.memory_space<vmem>> -> memref<80x128xbf16, #tpu.memory_space<vmem>>
      tpu.enqueue_dma source(%dma_start3A_455 : memref<80x128xbf16, #tpu.memory_space<vmem>>) target(%dma_start3A_451 : memref<80x128xbf16, #tpu.memory_space<vmem_shared>>) target_semaphore(%run_scoped3A_443 : memref<!tpu.dma_semaphore, #tpu.memory_space<semaphore_mem>>)
      %dma_wait3A_456 = arith.constant 0 : i32
      %dma_wait3A_457 = arith.constant 0 : i32
      %dma_wait3A_458 = tpu.memref_slice %arg10[%run_scoped3A, %dma_wait3A_456, %dma_wait3A_457] : memref<5x80x128xbf16, #tpu.memory_space<vmem>> -> memref<1x80x128xbf16, #tpu.memory_space<vmem>>
      %dma_wait3A_459 = tpu.memref_squeeze %dma_wait3A_458 : memref<1x80x128xbf16, #tpu.memory_space<vmem>> -> memref<80x128xbf16, #tpu.memory_space<vmem>>
      %dma_wait3A_460 = arith.constant 0 : i32
      %dma_wait3A_461 = tpu.memref_slice %arg6[%add3A_12, %dma_wait3A_460] : memref<10240x128xbf16, #tpu.memory_space<vmem_shared>> -> memref<80x128xbf16, #tpu.memory_space<vmem_shared>>
      %dma_wait3A_462 = arith.constant 0 : i32
      %dma_wait3A_463 = tpu.memref_slice %arg6[%add3A_12, %dma_wait3A_462] : memref<10240x128xbf16, #tpu.memory_space<vmem_shared>> -> memref<80x128xbf16, #tpu.memory_space<vmem_shared>>
      %dma_wait3A_464 = arith.constant 0 : i32
      %dma_wait3A_465 = arith.constant 0 : i32
      %dma_wait3A_466 = tpu.memref_slice %arg10[%run_scoped3A, %dma_wait3A_464, %dma_wait3A_465] : memref<5x80x128xbf16, #tpu.memory_space<vmem>> -> memref<1x80x128xbf16, #tpu.memory_space<vmem>>
      %dma_wait3A_467 = tpu.memref_squeeze %dma_wait3A_466 : memref<1x80x128xbf16, #tpu.memory_space<vmem>> -> memref<80x128xbf16, #tpu.memory_space<vmem>>
      tpu.wait_dma2 semaphore(%run_scoped3A_443 : memref<!tpu.dma_semaphore, #tpu.memory_space<semaphore_mem>>) src(%dma_wait3A_467 : memref<80x128xbf16, #tpu.memory_space<vmem>>) dst(%dma_wait3A_463 : memref<80x128xbf16, #tpu.memory_space<vmem_shared>>)
      tpu.yield
    }) : () -> ()
    "tpu.region"() ({
      %run_scoped3A_443 = tpu.sem_alloc : memref<!tpu.dma_semaphore, #tpu.memory_space<semaphore_mem>>
      %dma_start3A_444 = arith.constant 0 : i32
      %dma_start3A_445 = tpu.memref_slice %arg7[%add3A_12, %dma_start3A_444] : memref<10240x16xf32, #tpu.memory_space<vmem_shared>> -> memref<80x16xf32, #tpu.memory_space<vmem_shared>>
      %dma_start3A_446 = arith.constant 0 : i32
      %dma_start3A_447 = tpu.memref_slice %arg7[%add3A_12, %dma_start3A_446] : memref<10240x16xf32, #tpu.memory_space<vmem_shared>> -> memref<80x16xf32, #tpu.memory_space<vmem_shared>>
      tpu.enqueue_dma source(%arg11 : memref<80x16xf32, #tpu.memory_space<vmem>>) target(%dma_start3A_447 : memref<80x16xf32, #tpu.memory_space<vmem_shared>>) target_semaphore(%run_scoped3A_443 : memref<!tpu.dma_semaphore, #tpu.memory_space<semaphore_mem>>)
      %dma_wait3A_448 = arith.constant 0 : i32
      %dma_wait3A_449 = tpu.memref_slice %arg7[%add3A_12, %dma_wait3A_448] : memref<10240x16xf32, #tpu.memory_space<vmem_shared>> -> memref<80x16xf32, #tpu.memory_space<vmem_shared>>
      %dma_wait3A_450 = arith.constant 0 : i32
      %dma_wait3A_451 = tpu.memref_slice %arg7[%add3A_12, %dma_wait3A_450] : memref<10240x16xf32, #tpu.memory_space<vmem_shared>> -> memref<80x16xf32, #tpu.memory_space<vmem_shared>>
      tpu.wait_dma2 semaphore(%run_scoped3A_443 : memref<!tpu.dma_semaphore, #tpu.memory_space<semaphore_mem>>) src(%arg11 : memref<80x16xf32, #tpu.memory_space<vmem>>) dst(%dma_wait3A_451 : memref<80x16xf32, #tpu.memory_space<vmem_shared>>)
      tpu.yield
    }) : () -> ()
    %mul3A_13 = arith.constant 640 : i32
    %mul3A_14 = arith.muli %arg1, %mul3A_13 : i32
    %add3A_15 = arith.constant 80 : i32
    %add3A_16 = arith.addi %mul3A_14, %add3A_15 : i32
    %run_scoped3A_17 = arith.constant 0 : i32
    "tpu.region"() ({
      %run_scoped3A_443 = tpu.sem_alloc : memref<!tpu.dma_semaphore, #tpu.memory_space<semaphore_mem>>
      %dma_start3A_444 = arith.constant 0 : i32
      %dma_start3A_445 = arith.constant 0 : i32
      %dma_start3A_446 = tpu.memref_slice %arg10[%run_scoped3A_17, %dma_start3A_444, %dma_start3A_445] : memref<5x80x128xbf16, #tpu.memory_space<vmem>> -> memref<1x80x128xbf16, #tpu.memory_space<vmem>>
      %dma_start3A_447 = tpu.memref_squeeze %dma_start3A_446 : memref<1x80x128xbf16, #tpu.memory_space<vmem>> -> memref<80x128xbf16, #tpu.memory_space<vmem>>
      %dma_start3A_448 = arith.constant 0 : i32
      %dma_start3A_449 = tpu.memref_slice %arg6[%add3A_16, %dma_start3A_448] : memref<10240x128xbf16, #tpu.memory_space<vmem_shared>> -> memref<80x128xbf16, #tpu.memory_space<vmem_shared>>
      %dma_start3A_450 = arith.constant 0 : i32
      %dma_start3A_451 = tpu.memref_slice %arg6[%add3A_16, %dma_start3A_450] : memref<10240x128xbf16, #tpu.memory_space<vmem_shared>> -> memref<80x128xbf16, #tpu.memory_space<vmem_shared>>
      %dma_start3A_452 = arith.constant 0 : i32
      %dma_start3A_453 = arith.constant 0 : i32
      %dma_start3A_454 = tpu.memref_slice %arg10[%run_scoped3A_17, %dma_start3A_452, %dma_start3A_453] : memref<5x80x128xbf16, #tpu.memory_space<vmem>> -> memref<1x80x128xbf16, #tpu.memory_space<vmem>>
      %dma_start3A_455 = tpu.memref_squeeze %dma_start3A_454 : memref<1x80x128xbf16, #tpu.memory_space<vmem>> -> memref<80x128xbf16, #tpu.memory_space<vmem>>
      tpu.enqueue_dma source(%dma_start3A_455 : memref<80x128xbf16, #tpu.memory_space<vmem>>) target(%dma_start3A_451 : memref<80x128xbf16, #tpu.memory_space<vmem_shared>>) target_semaphore(%run_scoped3A_443 : memref<!tpu.dma_semaphore, #tpu.memory_space<semaphore_mem>>)
      %dma_wait3A_456 = arith.constant 0 : i32
      %dma_wait3A_457 = arith.constant 0 : i32
      %dma_wait3A_458 = tpu.memref_slice %arg10[%run_scoped3A_17, %dma_wait3A_456, %dma_wait3A_457] : memref<5x80x128xbf16, #tpu.memory_space<vmem>> -> memref<1x80x128xbf16, #tpu.memory_space<vmem>>
      %dma_wait3A_459 = tpu.memref_squeeze %dma_wait3A_458 : memref<1x80x128xbf16, #tpu.memory_space<vmem>> -> memref<80x128xbf16, #tpu.memory_space<vmem>>
      %dma_wait3A_460 = arith.constant 0 : i32
      %dma_wait3A_461 = tpu.memref_slice %arg6[%add3A_16, %dma_wait3A_460] : memref<10240x128xbf16, #tpu.memory_space<vmem_shared>> -> memref<80x128xbf16, #tpu.memory_space<vmem_shared>>
      %dma_wait3A_462 = arith.constant 0 : i32
      %dma_wait3A_463 = tpu.memref_slice %arg6[%add3A_16, %dma_wait3A_462] : memref<10240x128xbf16, #tpu.memory_space<vmem_shared>> -> memref<80x128xbf16, #tpu.memory_space<vmem_shared>>
      %dma_wait3A_464 = arith.constant 0 : i32
      %dma_wait3A_465 = arith.constant 0 : i32
      %dma_wait3A_466 = tpu.memref_slice %arg10[%run_scoped3A_17, %dma_wait3A_464, %dma_wait3A_465] : memref<5x80x128xbf16, #tpu.memory_space<vmem>> -> memref<1x80x128xbf16, #tpu.memory_space<vmem>>
      %dma_wait3A_467 = tpu.memref_squeeze %dma_wait3A_466 : memref<1x80x128xbf16, #tpu.memory_space<vmem>> -> memref<80x128xbf16, #tpu.memory_space<vmem>>
      tpu.wait_dma2 semaphore(%run_scoped3A_443 : memref<!tpu.dma_semaphore, #tpu.memory_space<semaphore_mem>>) src(%dma_wait3A_467 : memref<80x128xbf16, #tpu.memory_space<vmem>>) dst(%dma_wait3A_463 : memref<80x128xbf16, #tpu.memory_space<vmem_shared>>)
      tpu.yield
    }) : () -> ()
    "tpu.region"() ({
      %run_scoped3A_443 = tpu.sem_alloc : memref<!tpu.dma_semaphore, #tpu.memory_space<semaphore_mem>>
      %dma_start3A_444 = arith.constant 0 : i32
      %dma_start3A_445 = tpu.memref_slice %arg7[%add3A_16, %dma_start3A_444] : memref<10240x16xf32, #tpu.memory_space<vmem_shared>> -> memref<80x16xf32, #tpu.memory_space<vmem_shared>>
      %dma_start3A_446 = arith.constant 0 : i32
      %dma_start3A_447 = tpu.memref_slice %arg7[%add3A_16, %dma_start3A_446] : memref<10240x16xf32, #tpu.memory_space<vmem_shared>> -> memref<80x16xf32, #tpu.memory_space<vmem_shared>>
      tpu.enqueue_dma source(%arg11 : memref<80x16xf32, #tpu.memory_space<vmem>>) target(%dma_start3A_447 : memref<80x16xf32, #tpu.memory_space<vmem_shared>>) target_semaphore(%run_scoped3A_443 : memref<!tpu.dma_semaphore, #tpu.memory_space<semaphore_mem>>)
      %dma_wait3A_448 = arith.constant 0 : i32
      %dma_wait3A_449 = tpu.memref_slice %arg7[%add3A_16, %dma_wait3A_448] : memref<10240x16xf32, #tpu.memory_space<vmem_shared>> -> memref<80x16xf32, #tpu.memory_space<vmem_shared>>
      %dma_wait3A_450 = arith.constant 0 : i32
      %dma_wait3A_451 = tpu.memref_slice %arg7[%add3A_16, %dma_wait3A_450] : memref<10240x16xf32, #tpu.memory_space<vmem_shared>> -> memref<80x16xf32, #tpu.memory_space<vmem_shared>>
      tpu.wait_dma2 semaphore(%run_scoped3A_443 : memref<!tpu.dma_semaphore, #tpu.memory_space<semaphore_mem>>) src(%arg11 : memref<80x16xf32, #tpu.memory_space<vmem>>) dst(%dma_wait3A_451 : memref<80x16xf32, #tpu.memory_space<vmem_shared>>)
      tpu.yield
    }) : () -> ()
    %mul3A_18 = arith.constant 640 : i32
    %mul3A_19 = arith.muli %arg1, %mul3A_18 : i32
    %add3A_20 = arith.constant 160 : i32
    %add3A_21 = arith.addi %mul3A_19, %add3A_20 : i32
    %run_scoped3A_22 = arith.constant 0 : i32
    "tpu.region"() ({
      %run_scoped3A_443 = tpu.sem_alloc : memref<!tpu.dma_semaphore, #tpu.memory_space<semaphore_mem>>
      %dma_start3A_444 = arith.constant 0 : i32
      %dma_start3A_445 = arith.constant 0 : i32
      %dma_start3A_446 = tpu.memref_slice %arg10[%run_scoped3A_22, %dma_start3A_444, %dma_start3A_445] : memref<5x80x128xbf16, #tpu.memory_space<vmem>> -> memref<1x80x128xbf16, #tpu.memory_space<vmem>>
      %dma_start3A_447 = tpu.memref_squeeze %dma_start3A_446 : memref<1x80x128xbf16, #tpu.memory_space<vmem>> -> memref<80x128xbf16, #tpu.memory_space<vmem>>
      %dma_start3A_448 = arith.constant 0 : i32
      %dma_start3A_449 = tpu.memref_slice %arg6[%add3A_21, %dma_start3A_448] : memref<10240x128xbf16, #tpu.memory_space<vmem_shared>> -> memref<80x128xbf16, #tpu.memory_space<vmem_shared>>
      %dma_start3A_450 = arith.constant 0 : i32
      %dma_start3A_451 = tpu.memref_slice %arg6[%add3A_21, %dma_start3A_450] : memref<10240x128xbf16, #tpu.memory_space<vmem_shared>> -> memref<80x128xbf16, #tpu.memory_space<vmem_shared>>
      %dma_start3A_452 = arith.constant 0 : i32
      %dma_start3A_453 = arith.constant 0 : i32
      %dma_start3A_454 = tpu.memref_slice %arg10[%run_scoped3A_22, %dma_start3A_452, %dma_start3A_453] : memref<5x80x128xbf16, #tpu.memory_space<vmem>> -> memref<1x80x128xbf16, #tpu.memory_space<vmem>>
      %dma_start3A_455 = tpu.memref_squeeze %dma_start3A_454 : memref<1x80x128xbf16, #tpu.memory_space<vmem>> -> memref<80x128xbf16, #tpu.memory_space<vmem>>
      tpu.enqueue_dma source(%dma_start3A_455 : memref<80x128xbf16, #tpu.memory_space<vmem>>) target(%dma_start3A_451 : memref<80x128xbf16, #tpu.memory_space<vmem_shared>>) target_semaphore(%run_scoped3A_443 : memref<!tpu.dma_semaphore, #tpu.memory_space<semaphore_mem>>)
      %dma_wait3A_456 = arith.constant 0 : i32
      %dma_wait3A_457 = arith.constant 0 : i32
      %dma_wait3A_458 = tpu.memref_slice %arg10[%run_scoped3A_22, %dma_wait3A_456, %dma_wait3A_457] : memref<5x80x128xbf16, #tpu.memory_space<vmem>> -> memref<1x80x128xbf16, #tpu.memory_space<vmem>>
      %dma_wait3A_459 = tpu.memref_squeeze %dma_wait3A_458 : memref<1x80x128xbf16, #tpu.memory_space<vmem>> -> memref<80x128xbf16, #tpu.memory_space<vmem>>
      %dma_wait3A_460 = arith.constant 0 : i32
      %dma_wait3A_461 = tpu.memref_slice %arg6[%add3A_21, %dma_wait3A_460] : memref<10240x128xbf16, #tpu.memory_space<vmem_shared>> -> memref<80x128xbf16, #tpu.memory_space<vmem_shared>>
      %dma_wait3A_462 = arith.constant 0 : i32
      %dma_wait3A_463 = tpu.memref_slice %arg6[%add3A_21, %dma_wait3A_462] : memref<10240x128xbf16, #tpu.memory_space<vmem_shared>> -> memref<80x128xbf16, #tpu.memory_space<vmem_shared>>
      %dma_wait3A_464 = arith.constant 0 : i32
      %dma_wait3A_465 = arith.constant 0 : i32
      %dma_wait3A_466 = tpu.memref_slice %arg10[%run_scoped3A_22, %dma_wait3A_464, %dma_wait3A_465] : memref<5x80x128xbf16, #tpu.memory_space<vmem>> -> memref<1x80x128xbf16, #tpu.memory_space<vmem>>
      %dma_wait3A_467 = tpu.memref_squeeze %dma_wait3A_466 : memref<1x80x128xbf16, #tpu.memory_space<vmem>> -> memref<80x128xbf16, #tpu.memory_space<vmem>>
      tpu.wait_dma2 semaphore(%run_scoped3A_443 : memref<!tpu.dma_semaphore, #tpu.memory_space<semaphore_mem>>) src(%dma_wait3A_467 : memref<80x128xbf16, #tpu.memory_space<vmem>>) dst(%dma_wait3A_463 : memref<80x128xbf16, #tpu.memory_space<vmem_shared>>)
      tpu.yield
    }) : () -> ()
    "tpu.region"() ({
      %run_scoped3A_443 = tpu.sem_alloc : memref<!tpu.dma_semaphore, #tpu.memory_space<semaphore_mem>>
      %dma_start3A_444 = arith.constant 0 : i32
      %dma_start3A_445 = tpu.memref_slice %arg7[%add3A_21, %dma_start3A_444] : memref<10240x16xf32, #tpu.memory_space<vmem_shared>> -> memref<80x16xf32, #tpu.memory_space<vmem_shared>>
      %dma_start3A_446 = arith.constant 0 : i32
      %dma_start3A_447 = tpu.memref_slice %arg7[%add3A_21, %dma_start3A_446] : memref<10240x16xf32, #tpu.memory_space<vmem_shared>> -> memref<80x16xf32, #tpu.memory_space<vmem_shared>>
      tpu.enqueue_dma source(%arg11 : memref<80x16xf32, #tpu.memory_space<vmem>>) target(%dma_start3A_447 : memref<80x16xf32, #tpu.memory_space<vmem_shared>>) target_semaphore(%run_scoped3A_443 : memref<!tpu.dma_semaphore, #tpu.memory_space<semaphore_mem>>)
      %dma_wait3A_448 = arith.constant 0 : i32
      %dma_wait3A_449 = tpu.memref_slice %arg7[%add3A_21, %dma_wait3A_448] : memref<10240x16xf32, #tpu.memory_space<vmem_shared>> -> memref<80x16xf32, #tpu.memory_space<vmem_shared>>
      %dma_wait3A_450 = arith.constant 0 : i32
      %dma_wait3A_451 = tpu.memref_slice %arg7[%add3A_21, %dma_wait3A_450] : memref<10240x16xf32, #tpu.memory_space<vmem_shared>> -> memref<80x16xf32, #tpu.memory_space<vmem_shared>>
      tpu.wait_dma2 semaphore(%run_scoped3A_443 : memref<!tpu.dma_semaphore, #tpu.memory_space<semaphore_mem>>) src(%arg11 : memref<80x16xf32, #tpu.memory_space<vmem>>) dst(%dma_wait3A_451 : memref<80x16xf32, #tpu.memory_space<vmem_shared>>)
      tpu.yield
    }) : () -> ()
    %mul3A_23 = arith.constant 640 : i32
    %mul3A_24 = arith.muli %arg1, %mul3A_23 : i32
    %add3A_25 = arith.constant 240 : i32
    %add3A_26 = arith.addi %mul3A_24, %add3A_25 : i32
    %run_scoped3A_27 = arith.constant 0 : i32
    "tpu.region"() ({
      %run_scoped3A_443 = tpu.sem_alloc : memref<!tpu.dma_semaphore, #tpu.memory_space<semaphore_mem>>
      %dma_start3A_444 = arith.constant 0 : i32
      %dma_start3A_445 = arith.constant 0 : i32
      %dma_start3A_446 = tpu.memref_slice %arg10[%run_scoped3A_27, %dma_start3A_444, %dma_start3A_445] : memref<5x80x128xbf16, #tpu.memory_space<vmem>> -> memref<1x80x128xbf16, #tpu.memory_space<vmem>>
      %dma_start3A_447 = tpu.memref_squeeze %dma_start3A_446 : memref<1x80x128xbf16, #tpu.memory_space<vmem>> -> memref<80x128xbf16, #tpu.memory_space<vmem>>
      %dma_start3A_448 = arith.constant 0 : i32
      %dma_start3A_449 = tpu.memref_slice %arg6[%add3A_26, %dma_start3A_448] : memref<10240x128xbf16, #tpu.memory_space<vmem_shared>> -> memref<80x128xbf16, #tpu.memory_space<vmem_shared>>
      %dma_start3A_450 = arith.constant 0 : i32
      %dma_start3A_451 = tpu.memref_slice %arg6[%add3A_26, %dma_start3A_450] : memref<10240x128xbf16, #tpu.memory_space<vmem_shared>> -> memref<80x128xbf16, #tpu.memory_space<vmem_shared>>
      %dma_start3A_452 = arith.constant 0 : i32
      %dma_start3A_453 = arith.constant 0 : i32
      %dma_start3A_454 = tpu.memref_slice %arg10[%run_scoped3A_27, %dma_start3A_452, %dma_start3A_453] : memref<5x80x128xbf16, #tpu.memory_space<vmem>> -> memref<1x80x128xbf16, #tpu.memory_space<vmem>>
      %dma_start3A_455 = tpu.memref_squeeze %dma_start3A_454 : memref<1x80x128xbf16, #tpu.memory_space<vmem>> -> memref<80x128xbf16, #tpu.memory_space<vmem>>
      tpu.enqueue_dma source(%dma_start3A_455 : memref<80x128xbf16, #tpu.memory_space<vmem>>) target(%dma_start3A_451 : memref<80x128xbf16, #tpu.memory_space<vmem_shared>>) target_semaphore(%run_scoped3A_443 : memref<!tpu.dma_semaphore, #tpu.memory_space<semaphore_mem>>)
      %dma_wait3A_456 = arith.constant 0 : i32
      %dma_wait3A_457 = arith.constant 0 : i32
      %dma_wait3A_458 = tpu.memref_slice %arg10[%run_scoped3A_27, %dma_wait3A_456, %dma_wait3A_457] : memref<5x80x128xbf16, #tpu.memory_space<vmem>> -> memref<1x80x128xbf16, #tpu.memory_space<vmem>>
      %dma_wait3A_459 = tpu.memref_squeeze %dma_wait3A_458 : memref<1x80x128xbf16, #tpu.memory_space<vmem>> -> memref<80x128xbf16, #tpu.memory_space<vmem>>
      %dma_wait3A_460 = arith.constant 0 : i32
      %dma_wait3A_461 = tpu.memref_slice %arg6[%add3A_26, %dma_wait3A_460] : memref<10240x128xbf16, #tpu.memory_space<vmem_shared>> -> memref<80x128xbf16, #tpu.memory_space<vmem_shared>>
      %dma_wait3A_462 = arith.constant 0 : i32
      %dma_wait3A_463 = tpu.memref_slice %arg6[%add3A_26, %dma_wait3A_462] : memref<10240x128xbf16, #tpu.memory_space<vmem_shared>> -> memref<80x128xbf16, #tpu.memory_space<vmem_shared>>
      %dma_wait3A_464 = arith.constant 0 : i32
      %dma_wait3A_465 = arith.constant 0 : i32
      %dma_wait3A_466 = tpu.memref_slice %arg10[%run_scoped3A_27, %dma_wait3A_464, %dma_wait3A_465] : memref<5x80x128xbf16, #tpu.memory_space<vmem>> -> memref<1x80x128xbf16, #tpu.memory_space<vmem>>
      %dma_wait3A_467 = tpu.memref_squeeze %dma_wait3A_466 : memref<1x80x128xbf16, #tpu.memory_space<vmem>> -> memref<80x128xbf16, #tpu.memory_space<vmem>>
      tpu.wait_dma2 semaphore(%run_scoped3A_443 : memref<!tpu.dma_semaphore, #tpu.memory_space<semaphore_mem>>) src(%dma_wait3A_467 : memref<80x128xbf16, #tpu.memory_space<vmem>>) dst(%dma_wait3A_463 : memref<80x128xbf16, #tpu.memory_space<vmem_shared>>)
      tpu.yield
    }) : () -> ()
    "tpu.region"() ({
      %run_scoped3A_443 = tpu.sem_alloc : memref<!tpu.dma_semaphore, #tpu.memory_space<semaphore_mem>>
      %dma_start3A_444 = arith.constant 0 : i32
      %dma_start3A_445 = tpu.memref_slice %arg7[%add3A_26, %dma_start3A_444] : memref<10240x16xf32, #tpu.memory_space<vmem_shared>> -> memref<80x16xf32, #tpu.memory_space<vmem_shared>>
      %dma_start3A_446 = arith.constant 0 : i32
      %dma_start3A_447 = tpu.memref_slice %arg7[%add3A_26, %dma_start3A_446] : memref<10240x16xf32, #tpu.memory_space<vmem_shared>> -> memref<80x16xf32, #tpu.memory_space<vmem_shared>>
      tpu.enqueue_dma source(%arg11 : memref<80x16xf32, #tpu.memory_space<vmem>>) target(%dma_start3A_447 : memref<80x16xf32, #tpu.memory_space<vmem_shared>>) target_semaphore(%run_scoped3A_443 : memref<!tpu.dma_semaphore, #tpu.memory_space<semaphore_mem>>)
      %dma_wait3A_448 = arith.constant 0 : i32
      %dma_wait3A_449 = tpu.memref_slice %arg7[%add3A_26, %dma_wait3A_448] : memref<10240x16xf32, #tpu.memory_space<vmem_shared>> -> memref<80x16xf32, #tpu.memory_space<vmem_shared>>
      %dma_wait3A_450 = arith.constant 0 : i32
      %dma_wait3A_451 = tpu.memref_slice %arg7[%add3A_26, %dma_wait3A_450] : memref<10240x16xf32, #tpu.memory_space<vmem_shared>> -> memref<80x16xf32, #tpu.memory_space<vmem_shared>>
      tpu.wait_dma2 semaphore(%run_scoped3A_443 : memref<!tpu.dma_semaphore, #tpu.memory_space<semaphore_mem>>) src(%arg11 : memref<80x16xf32, #tpu.memory_space<vmem>>) dst(%dma_wait3A_451 : memref<80x16xf32, #tpu.memory_space<vmem_shared>>)
      tpu.yield
    }) : () -> ()
    %mul3A_28 = arith.constant 640 : i32
    %mul3A_29 = arith.muli %arg1, %mul3A_28 : i32
    %add3A_30 = arith.constant 320 : i32
    %add3A_31 = arith.addi %mul3A_29, %add3A_30 : i32
    %run_scoped3A_32 = arith.constant 0 : i32
    "tpu.region"() ({
      %run_scoped3A_443 = tpu.sem_alloc : memref<!tpu.dma_semaphore, #tpu.memory_space<semaphore_mem>>
      %dma_start3A_444 = arith.constant 0 : i32
      %dma_start3A_445 = arith.constant 0 : i32
      %dma_start3A_446 = tpu.memref_slice %arg10[%run_scoped3A_32, %dma_start3A_444, %dma_start3A_445] : memref<5x80x128xbf16, #tpu.memory_space<vmem>> -> memref<1x80x128xbf16, #tpu.memory_space<vmem>>
      %dma_start3A_447 = tpu.memref_squeeze %dma_start3A_446 : memref<1x80x128xbf16, #tpu.memory_space<vmem>> -> memref<80x128xbf16, #tpu.memory_space<vmem>>
      %dma_start3A_448 = arith.constant 0 : i32
      %dma_start3A_449 = tpu.memref_slice %arg6[%add3A_31, %dma_start3A_448] : memref<10240x128xbf16, #tpu.memory_space<vmem_shared>> -> memref<80x128xbf16, #tpu.memory_space<vmem_shared>>
      %dma_start3A_450 = arith.constant 0 : i32
      %dma_start3A_451 = tpu.memref_slice %arg6[%add3A_31, %dma_start3A_450] : memref<10240x128xbf16, #tpu.memory_space<vmem_shared>> -> memref<80x128xbf16, #tpu.memory_space<vmem_shared>>
      %dma_start3A_452 = arith.constant 0 : i32
      %dma_start3A_453 = arith.constant 0 : i32
      %dma_start3A_454 = tpu.memref_slice %arg10[%run_scoped3A_32, %dma_start3A_452, %dma_start3A_453] : memref<5x80x128xbf16, #tpu.memory_space<vmem>> -> memref<1x80x128xbf16, #tpu.memory_space<vmem>>
      %dma_start3A_455 = tpu.memref_squeeze %dma_start3A_454 : memref<1x80x128xbf16, #tpu.memory_space<vmem>> -> memref<80x128xbf16, #tpu.memory_space<vmem>>
      tpu.enqueue_dma source(%dma_start3A_455 : memref<80x128xbf16, #tpu.memory_space<vmem>>) target(%dma_start3A_451 : memref<80x128xbf16, #tpu.memory_space<vmem_shared>>) target_semaphore(%run_scoped3A_443 : memref<!tpu.dma_semaphore, #tpu.memory_space<semaphore_mem>>)
      %dma_wait3A_456 = arith.constant 0 : i32
      %dma_wait3A_457 = arith.constant 0 : i32
      %dma_wait3A_458 = tpu.memref_slice %arg10[%run_scoped3A_32, %dma_wait3A_456, %dma_wait3A_457] : memref<5x80x128xbf16, #tpu.memory_space<vmem>> -> memref<1x80x128xbf16, #tpu.memory_space<vmem>>
      %dma_wait3A_459 = tpu.memref_squeeze %dma_wait3A_458 : memref<1x80x128xbf16, #tpu.memory_space<vmem>> -> memref<80x128xbf16, #tpu.memory_space<vmem>>
      %dma_wait3A_460 = arith.constant 0 : i32
      %dma_wait3A_461 = tpu.memref_slice %arg6[%add3A_31, %dma_wait3A_460] : memref<10240x128xbf16, #tpu.memory_space<vmem_shared>> -> memref<80x128xbf16, #tpu.memory_space<vmem_shared>>
      %dma_wait3A_462 = arith.constant 0 : i32
      %dma_wait3A_463 = tpu.memref_slice %arg6[%add3A_31, %dma_wait3A_462] : memref<10240x128xbf16, #tpu.memory_space<vmem_shared>> -> memref<80x128xbf16, #tpu.memory_space<vmem_shared>>
      %dma_wait3A_464 = arith.constant 0 : i32
      %dma_wait3A_465 = arith.constant 0 : i32
      %dma_wait3A_466 = tpu.memref_slice %arg10[%run_scoped3A_32, %dma_wait3A_464, %dma_wait3A_465] : memref<5x80x128xbf16, #tpu.memory_space<vmem>> -> memref<1x80x128xbf16, #tpu.memory_space<vmem>>
      %dma_wait3A_467 = tpu.memref_squeeze %dma_wait3A_466 : memref<1x80x128xbf16, #tpu.memory_space<vmem>> -> memref<80x128xbf16, #tpu.memory_space<vmem>>
      tpu.wait_dma2 semaphore(%run_scoped3A_443 : memref<!tpu.dma_semaphore, #tpu.memory_space<semaphore_mem>>) src(%dma_wait3A_467 : memref<80x128xbf16, #tpu.memory_space<vmem>>) dst(%dma_wait3A_463 : memref<80x128xbf16, #tpu.memory_space<vmem_shared>>)
      tpu.yield
    }) : () -> ()
    "tpu.region"() ({
      %run_scoped3A_443 = tpu.sem_alloc : memref<!tpu.dma_semaphore, #tpu.memory_space<semaphore_mem>>
      %dma_start3A_444 = arith.constant 0 : i32
      %dma_start3A_445 = tpu.memref_slice %arg7[%add3A_31, %dma_start3A_444] : memref<10240x16xf32, #tpu.memory_space<vmem_shared>> -> memref<80x16xf32, #tpu.memory_space<vmem_shared>>
      %dma_start3A_446 = arith.constant 0 : i32
      %dma_start3A_447 = tpu.memref_slice %arg7[%add3A_31, %dma_start3A_446] : memref<10240x16xf32, #tpu.memory_space<vmem_shared>> -> memref<80x16xf32, #tpu.memory_space<vmem_shared>>
      tpu.enqueue_dma source(%arg11 : memref<80x16xf32, #tpu.memory_space<vmem>>) target(%dma_start3A_447 : memref<80x16xf32, #tpu.memory_space<vmem_shared>>) target_semaphore(%run_scoped3A_443 : memref<!tpu.dma_semaphore, #tpu.memory_space<semaphore_mem>>)
      %dma_wait3A_448 = arith.constant 0 : i32
      %dma_wait3A_449 = tpu.memref_slice %arg7[%add3A_31, %dma_wait3A_448] : memref<10240x16xf32, #tpu.memory_space<vmem_shared>> -> memref<80x16xf32, #tpu.memory_space<vmem_shared>>
      %dma_wait3A_450 = arith.constant 0 : i32
      %dma_wait3A_451 = tpu.memref_slice %arg7[%add3A_31, %dma_wait3A_450] : memref<10240x16xf32, #tpu.memory_space<vmem_shared>> -> memref<80x16xf32, #tpu.memory_space<vmem_shared>>
      tpu.wait_dma2 semaphore(%run_scoped3A_443 : memref<!tpu.dma_semaphore, #tpu.memory_space<semaphore_mem>>) src(%arg11 : memref<80x16xf32, #tpu.memory_space<vmem>>) dst(%dma_wait3A_451 : memref<80x16xf32, #tpu.memory_space<vmem_shared>>)
      tpu.yield
    }) : () -> ()
    %mul3A_33 = arith.constant 640 : i32
    %mul3A_34 = arith.muli %arg1, %mul3A_33 : i32
    %add3A_35 = arith.constant 400 : i32
    %add3A_36 = arith.addi %mul3A_34, %add3A_35 : i32
    %run_scoped3A_37 = arith.constant 0 : i32
    "tpu.region"() ({
      %run_scoped3A_443 = tpu.sem_alloc : memref<!tpu.dma_semaphore, #tpu.memory_space<semaphore_mem>>
      %dma_start3A_444 = arith.constant 0 : i32
      %dma_start3A_445 = arith.constant 0 : i32
      %dma_start3A_446 = tpu.memref_slice %arg10[%run_scoped3A_37, %dma_start3A_444, %dma_start3A_445] : memref<5x80x128xbf16, #tpu.memory_space<vmem>> -> memref<1x80x128xbf16, #tpu.memory_space<vmem>>
      %dma_start3A_447 = tpu.memref_squeeze %dma_start3A_446 : memref<1x80x128xbf16, #tpu.memory_space<vmem>> -> memref<80x128xbf16, #tpu.memory_space<vmem>>
      %dma_start3A_448 = arith.constant 0 : i32
      %dma_start3A_449 = tpu.memref_slice %arg6[%add3A_36, %dma_start3A_448] : memref<10240x128xbf16, #tpu.memory_space<vmem_shared>> -> memref<80x128xbf16, #tpu.memory_space<vmem_shared>>
      %dma_start3A_450 = arith.constant 0 : i32
      %dma_start3A_451 = tpu.memref_slice %arg6[%add3A_36, %dma_start3A_450] : memref<10240x128xbf16, #tpu.memory_space<vmem_shared>> -> memref<80x128xbf16, #tpu.memory_space<vmem_shared>>
      %dma_start3A_452 = arith.constant 0 : i32
      %dma_start3A_453 = arith.constant 0 : i32
      %dma_start3A_454 = tpu.memref_slice %arg10[%run_scoped3A_37, %dma_start3A_452, %dma_start3A_453] : memref<5x80x128xbf16, #tpu.memory_space<vmem>> -> memref<1x80x128xbf16, #tpu.memory_space<vmem>>
      %dma_start3A_455 = tpu.memref_squeeze %dma_start3A_454 : memref<1x80x128xbf16, #tpu.memory_space<vmem>> -> memref<80x128xbf16, #tpu.memory_space<vmem>>
      tpu.enqueue_dma source(%dma_start3A_455 : memref<80x128xbf16, #tpu.memory_space<vmem>>) target(%dma_start3A_451 : memref<80x128xbf16, #tpu.memory_space<vmem_shared>>) target_semaphore(%run_scoped3A_443 : memref<!tpu.dma_semaphore, #tpu.memory_space<semaphore_mem>>)
      %dma_wait3A_456 = arith.constant 0 : i32
      %dma_wait3A_457 = arith.constant 0 : i32
      %dma_wait3A_458 = tpu.memref_slice %arg10[%run_scoped3A_37, %dma_wait3A_456, %dma_wait3A_457] : memref<5x80x128xbf16, #tpu.memory_space<vmem>> -> memref<1x80x128xbf16, #tpu.memory_space<vmem>>
      %dma_wait3A_459 = tpu.memref_squeeze %dma_wait3A_458 : memref<1x80x128xbf16, #tpu.memory_space<vmem>> -> memref<80x128xbf16, #tpu.memory_space<vmem>>
      %dma_wait3A_460 = arith.constant 0 : i32
      %dma_wait3A_461 = tpu.memref_slice %arg6[%add3A_36, %dma_wait3A_460] : memref<10240x128xbf16, #tpu.memory_space<vmem_shared>> -> memref<80x128xbf16, #tpu.memory_space<vmem_shared>>
      %dma_wait3A_462 = arith.constant 0 : i32
      %dma_wait3A_463 = tpu.memref_slice %arg6[%add3A_36, %dma_wait3A_462] : memref<10240x128xbf16, #tpu.memory_space<vmem_shared>> -> memref<80x128xbf16, #tpu.memory_space<vmem_shared>>
      %dma_wait3A_464 = arith.constant 0 : i32
      %dma_wait3A_465 = arith.constant 0 : i32
      %dma_wait3A_466 = tpu.memref_slice %arg10[%run_scoped3A_37, %dma_wait3A_464, %dma_wait3A_465] : memref<5x80x128xbf16, #tpu.memory_space<vmem>> -> memref<1x80x128xbf16, #tpu.memory_space<vmem>>
      %dma_wait3A_467 = tpu.memref_squeeze %dma_wait3A_466 : memref<1x80x128xbf16, #tpu.memory_space<vmem>> -> memref<80x128xbf16, #tpu.memory_space<vmem>>
      tpu.wait_dma2 semaphore(%run_scoped3A_443 : memref<!tpu.dma_semaphore, #tpu.memory_space<semaphore_mem>>) src(%dma_wait3A_467 : memref<80x128xbf16, #tpu.memory_space<vmem>>) dst(%dma_wait3A_463 : memref<80x128xbf16, #tpu.memory_space<vmem_shared>>)
      tpu.yield
    }) : () -> ()
    "tpu.region"() ({
      %run_scoped3A_443 = tpu.sem_alloc : memref<!tpu.dma_semaphore, #tpu.memory_space<semaphore_mem>>
      %dma_start3A_444 = arith.constant 0 : i32
      %dma_start3A_445 = tpu.memref_slice %arg7[%add3A_36, %dma_start3A_444] : memref<10240x16xf32, #tpu.memory_space<vmem_shared>> -> memref<80x16xf32, #tpu.memory_space<vmem_shared>>
      %dma_start3A_446 = arith.constant 0 : i32
      %dma_start3A_447 = tpu.memref_slice %arg7[%add3A_36, %dma_start3A_446] : memref<10240x16xf32, #tpu.memory_space<vmem_shared>> -> memref<80x16xf32, #tpu.memory_space<vmem_shared>>
      tpu.enqueue_dma source(%arg11 : memref<80x16xf32, #tpu.memory_space<vmem>>) target(%dma_start3A_447 : memref<80x16xf32, #tpu.memory_space<vmem_shared>>) target_semaphore(%run_scoped3A_443 : memref<!tpu.dma_semaphore, #tpu.memory_space<semaphore_mem>>)
      %dma_wait3A_448 = arith.constant 0 : i32
      %dma_wait3A_449 = tpu.memref_slice %arg7[%add3A_36, %dma_wait3A_448] : memref<10240x16xf32, #tpu.memory_space<vmem_shared>> -> memref<80x16xf32, #tpu.memory_space<vmem_shared>>
      %dma_wait3A_450 = arith.constant 0 : i32
      %dma_wait3A_451 = tpu.memref_slice %arg7[%add3A_36, %dma_wait3A_450] : memref<10240x16xf32, #tpu.memory_space<vmem_shared>> -> memref<80x16xf32, #tpu.memory_space<vmem_shared>>
      tpu.wait_dma2 semaphore(%run_scoped3A_443 : memref<!tpu.dma_semaphore, #tpu.memory_space<semaphore_mem>>) src(%arg11 : memref<80x16xf32, #tpu.memory_space<vmem>>) dst(%dma_wait3A_451 : memref<80x16xf32, #tpu.memory_space<vmem_shared>>)
      tpu.yield
    }) : () -> ()
    %mul3A_38 = arith.constant 640 : i32
    %mul3A_39 = arith.muli %arg1, %mul3A_38 : i32
    %add3A_40 = arith.constant 480 : i32
    %add3A_41 = arith.addi %mul3A_39, %add3A_40 : i32
    %run_scoped3A_42 = arith.constant 0 : i32
    "tpu.region"() ({
      %run_scoped3A_443 = tpu.sem_alloc : memref<!tpu.dma_semaphore, #tpu.memory_space<semaphore_mem>>
      %dma_start3A_444 = arith.constant 0 : i32
      %dma_start3A_445 = arith.constant 0 : i32
      %dma_start3A_446 = tpu.memref_slice %arg10[%run_scoped3A_42, %dma_start3A_444, %dma_start3A_445] : memref<5x80x128xbf16, #tpu.memory_space<vmem>> -> memref<1x80x128xbf16, #tpu.memory_space<vmem>>
      %dma_start3A_447 = tpu.memref_squeeze %dma_start3A_446 : memref<1x80x128xbf16, #tpu.memory_space<vmem>> -> memref<80x128xbf16, #tpu.memory_space<vmem>>
      %dma_start3A_448 = arith.constant 0 : i32
      %dma_start3A_449 = tpu.memref_slice %arg6[%add3A_41, %dma_start3A_448] : memref<10240x128xbf16, #tpu.memory_space<vmem_shared>> -> memref<80x128xbf16, #tpu.memory_space<vmem_shared>>
      %dma_start3A_450 = arith.constant 0 : i32
      %dma_start3A_451 = tpu.memref_slice %arg6[%add3A_41, %dma_start3A_450] : memref<10240x128xbf16, #tpu.memory_space<vmem_shared>> -> memref<80x128xbf16, #tpu.memory_space<vmem_shared>>
      %dma_start3A_452 = arith.constant 0 : i32
      %dma_start3A_453 = arith.constant 0 : i32
      %dma_start3A_454 = tpu.memref_slice %arg10[%run_scoped3A_42, %dma_start3A_452, %dma_start3A_453] : memref<5x80x128xbf16, #tpu.memory_space<vmem>> -> memref<1x80x128xbf16, #tpu.memory_space<vmem>>
      %dma_start3A_455 = tpu.memref_squeeze %dma_start3A_454 : memref<1x80x128xbf16, #tpu.memory_space<vmem>> -> memref<80x128xbf16, #tpu.memory_space<vmem>>
      tpu.enqueue_dma source(%dma_start3A_455 : memref<80x128xbf16, #tpu.memory_space<vmem>>) target(%dma_start3A_451 : memref<80x128xbf16, #tpu.memory_space<vmem_shared>>) target_semaphore(%run_scoped3A_443 : memref<!tpu.dma_semaphore, #tpu.memory_space<semaphore_mem>>)
      %dma_wait3A_456 = arith.constant 0 : i32
      %dma_wait3A_457 = arith.constant 0 : i32
      %dma_wait3A_458 = tpu.memref_slice %arg10[%run_scoped3A_42, %dma_wait3A_456, %dma_wait3A_457] : memref<5x80x128xbf16, #tpu.memory_space<vmem>> -> memref<1x80x128xbf16, #tpu.memory_space<vmem>>
      %dma_wait3A_459 = tpu.memref_squeeze %dma_wait3A_458 : memref<1x80x128xbf16, #tpu.memory_space<vmem>> -> memref<80x128xbf16, #tpu.memory_space<vmem>>
      %dma_wait3A_460 = arith.constant 0 : i32
      %dma_wait3A_461 = tpu.memref_slice %arg6[%add3A_41, %dma_wait3A_460] : memref<10240x128xbf16, #tpu.memory_space<vmem_shared>> -> memref<80x128xbf16, #tpu.memory_space<vmem_shared>>
      %dma_wait3A_462 = arith.constant 0 : i32
      %dma_wait3A_463 = tpu.memref_slice %arg6[%add3A_41, %dma_wait3A_462] : memref<10240x128xbf16, #tpu.memory_space<vmem_shared>> -> memref<80x128xbf16, #tpu.memory_space<vmem_shared>>
      %dma_wait3A_464 = arith.constant 0 : i32
      %dma_wait3A_465 = arith.constant 0 : i32
      %dma_wait3A_466 = tpu.memref_slice %arg10[%run_scoped3A_42, %dma_wait3A_464, %dma_wait3A_465] : memref<5x80x128xbf16, #tpu.memory_space<vmem>> -> memref<1x80x128xbf16, #tpu.memory_space<vmem>>
      %dma_wait3A_467 = tpu.memref_squeeze %dma_wait3A_466 : memref<1x80x128xbf16, #tpu.memory_space<vmem>> -> memref<80x128xbf16, #tpu.memory_space<vmem>>
      tpu.wait_dma2 semaphore(%run_scoped3A_443 : memref<!tpu.dma_semaphore, #tpu.memory_space<semaphore_mem>>) src(%dma_wait3A_467 : memref<80x128xbf16, #tpu.memory_space<vmem>>) dst(%dma_wait3A_463 : memref<80x128xbf16, #tpu.memory_space<vmem_shared>>)
      tpu.yield
    }) : () -> ()
    "tpu.region"() ({
      %run_scoped3A_443 = tpu.sem_alloc : memref<!tpu.dma_semaphore, #tpu.memory_space<semaphore_mem>>
      %dma_start3A_444 = arith.constant 0 : i32
      %dma_start3A_445 = tpu.memref_slice %arg7[%add3A_41, %dma_start3A_444] : memref<10240x16xf32, #tpu.memory_space<vmem_shared>> -> memref<80x16xf32, #tpu.memory_space<vmem_shared>>
      %dma_start3A_446 = arith.constant 0 : i32
      %dma_start3A_447 = tpu.memref_slice %arg7[%add3A_41, %dma_start3A_446] : memref<10240x16xf32, #tpu.memory_space<vmem_shared>> -> memref<80x16xf32, #tpu.memory_space<vmem_shared>>
      tpu.enqueue_dma source(%arg11 : memref<80x16xf32, #tpu.memory_space<vmem>>) target(%dma_start3A_447 : memref<80x16xf32, #tpu.memory_space<vmem_shared>>) target_semaphore(%run_scoped3A_443 : memref<!tpu.dma_semaphore, #tpu.memory_space<semaphore_mem>>)
      %dma_wait3A_448 = arith.constant 0 : i32
      %dma_wait3A_449 = tpu.memref_slice %arg7[%add3A_41, %dma_wait3A_448] : memref<10240x16xf32, #tpu.memory_space<vmem_shared>> -> memref<80x16xf32, #tpu.memory_space<vmem_shared>>
      %dma_wait3A_450 = arith.constant 0 : i32
      %dma_wait3A_451 = tpu.memref_slice %arg7[%add3A_41, %dma_wait3A_450] : memref<10240x16xf32, #tpu.memory_space<vmem_shared>> -> memref<80x16xf32, #tpu.memory_space<vmem_shared>>
      tpu.wait_dma2 semaphore(%run_scoped3A_443 : memref<!tpu.dma_semaphore, #tpu.memory_space<semaphore_mem>>) src(%arg11 : memref<80x16xf32, #tpu.memory_space<vmem>>) dst(%dma_wait3A_451 : memref<80x16xf32, #tpu.memory_space<vmem_shared>>)
      tpu.yield
    }) : () -> ()
    %mul3A_43 = arith.constant 640 : i32
    %mul3A_44 = arith.muli %arg1, %mul3A_43 : i32
    %add3A_45 = arith.constant 560 : i32
    %add3A_46 = arith.addi %mul3A_44, %add3A_45 : i32
    %run_scoped3A_47 = arith.constant 0 : i32
    "tpu.region"() ({
      %run_scoped3A_443 = tpu.sem_alloc : memref<!tpu.dma_semaphore, #tpu.memory_space<semaphore_mem>>
      %dma_start3A_444 = arith.constant 0 : i32
      %dma_start3A_445 = arith.constant 0 : i32
      %dma_start3A_446 = tpu.memref_slice %arg10[%run_scoped3A_47, %dma_start3A_444, %dma_start3A_445] : memref<5x80x128xbf16, #tpu.memory_space<vmem>> -> memref<1x80x128xbf16, #tpu.memory_space<vmem>>
      %dma_start3A_447 = tpu.memref_squeeze %dma_start3A_446 : memref<1x80x128xbf16, #tpu.memory_space<vmem>> -> memref<80x128xbf16, #tpu.memory_space<vmem>>
      %dma_start3A_448 = arith.constant 0 : i32
      %dma_start3A_449 = tpu.memref_slice %arg6[%add3A_46, %dma_start3A_448] : memref<10240x128xbf16, #tpu.memory_space<vmem_shared>> -> memref<80x128xbf16, #tpu.memory_space<vmem_shared>>
      %dma_start3A_450 = arith.constant 0 : i32
      %dma_start3A_451 = tpu.memref_slice %arg6[%add3A_46, %dma_start3A_450] : memref<10240x128xbf16, #tpu.memory_space<vmem_shared>> -> memref<80x128xbf16, #tpu.memory_space<vmem_shared>>
      %dma_start3A_452 = arith.constant 0 : i32
      %dma_start3A_453 = arith.constant 0 : i32
      %dma_start3A_454 = tpu.memref_slice %arg10[%run_scoped3A_47, %dma_start3A_452, %dma_start3A_453] : memref<5x80x128xbf16, #tpu.memory_space<vmem>> -> memref<1x80x128xbf16, #tpu.memory_space<vmem>>
      %dma_start3A_455 = tpu.memref_squeeze %dma_start3A_454 : memref<1x80x128xbf16, #tpu.memory_space<vmem>> -> memref<80x128xbf16, #tpu.memory_space<vmem>>
      tpu.enqueue_dma source(%dma_start3A_455 : memref<80x128xbf16, #tpu.memory_space<vmem>>) target(%dma_start3A_451 : memref<80x128xbf16, #tpu.memory_space<vmem_shared>>) target_semaphore(%run_scoped3A_443 : memref<!tpu.dma_semaphore, #tpu.memory_space<semaphore_mem>>)
      %dma_wait3A_456 = arith.constant 0 : i32
      %dma_wait3A_457 = arith.constant 0 : i32
      %dma_wait3A_458 = tpu.memref_slice %arg10[%run_scoped3A_47, %dma_wait3A_456, %dma_wait3A_457] : memref<5x80x128xbf16, #tpu.memory_space<vmem>> -> memref<1x80x128xbf16, #tpu.memory_space<vmem>>
      %dma_wait3A_459 = tpu.memref_squeeze %dma_wait3A_458 : memref<1x80x128xbf16, #tpu.memory_space<vmem>> -> memref<80x128xbf16, #tpu.memory_space<vmem>>
      %dma_wait3A_460 = arith.constant 0 : i32
      %dma_wait3A_461 = tpu.memref_slice %arg6[%add3A_46, %dma_wait3A_460] : memref<10240x128xbf16, #tpu.memory_space<vmem_shared>> -> memref<80x128xbf16, #tpu.memory_space<vmem_shared>>
      %dma_wait3A_462 = arith.constant 0 : i32
      %dma_wait3A_463 = tpu.memref_slice %arg6[%add3A_46, %dma_wait3A_462] : memref<10240x128xbf16, #tpu.memory_space<vmem_shared>> -> memref<80x128xbf16, #tpu.memory_space<vmem_shared>>
      %dma_wait3A_464 = arith.constant 0 : i32
      %dma_wait3A_465 = arith.constant 0 : i32
      %dma_wait3A_466 = tpu.memref_slice %arg10[%run_scoped3A_47, %dma_wait3A_464, %dma_wait3A_465] : memref<5x80x128xbf16, #tpu.memory_space<vmem>> -> memref<1x80x128xbf16, #tpu.memory_space<vmem>>
      %dma_wait3A_467 = tpu.memref_squeeze %dma_wait3A_466 : memref<1x80x128xbf16, #tpu.memory_space<vmem>> -> memref<80x128xbf16, #tpu.memory_space<vmem>>
      tpu.wait_dma2 semaphore(%run_scoped3A_443 : memref<!tpu.dma_semaphore, #tpu.memory_space<semaphore_mem>>) src(%dma_wait3A_467 : memref<80x128xbf16, #tpu.memory_space<vmem>>) dst(%dma_wait3A_463 : memref<80x128xbf16, #tpu.memory_space<vmem_shared>>)
      tpu.yield
    }) : () -> ()
    "tpu.region"() ({
      %run_scoped3A_443 = tpu.sem_alloc : memref<!tpu.dma_semaphore, #tpu.memory_space<semaphore_mem>>
      %dma_start3A_444 = arith.constant 0 : i32
      %dma_start3A_445 = tpu.memref_slice %arg7[%add3A_46, %dma_start3A_444] : memref<10240x16xf32, #tpu.memory_space<vmem_shared>> -> memref<80x16xf32, #tpu.memory_space<vmem_shared>>
      %dma_start3A_446 = arith.constant 0 : i32
      %dma_start3A_447 = tpu.memref_slice %arg7[%add3A_46, %dma_start3A_446] : memref<10240x16xf32, #tpu.memory_space<vmem_shared>> -> memref<80x16xf32, #tpu.memory_space<vmem_shared>>
      tpu.enqueue_dma source(%arg11 : memref<80x16xf32, #tpu.memory_space<vmem>>) target(%dma_start3A_447 : memref<80x16xf32, #tpu.memory_space<vmem_shared>>) target_semaphore(%run_scoped3A_443 : memref<!tpu.dma_semaphore, #tpu.memory_space<semaphore_mem>>)
      %dma_wait3A_448 = arith.constant 0 : i32
      %dma_wait3A_449 = tpu.memref_slice %arg7[%add3A_46, %dma_wait3A_448] : memref<10240x16xf32, #tpu.memory_space<vmem_shared>> -> memref<80x16xf32, #tpu.memory_space<vmem_shared>>
      %dma_wait3A_450 = arith.constant 0 : i32
      %dma_wait3A_451 = tpu.memref_slice %arg7[%add3A_46, %dma_wait3A_450] : memref<10240x16xf32, #tpu.memory_space<vmem_shared>> -> memref<80x16xf32, #tpu.memory_space<vmem_shared>>
      tpu.wait_dma2 semaphore(%run_scoped3A_443 : memref<!tpu.dma_semaphore, #tpu.memory_space<semaphore_mem>>) src(%arg11 : memref<80x16xf32, #tpu.memory_space<vmem>>) dst(%dma_wait3A_451 : memref<80x16xf32, #tpu.memory_space<vmem_shared>>)
      tpu.yield
    }) : () -> ()
    %barrier3A = arith.constant 0 : index
    tpu.barrier barrier_id(%barrier3A)
    %mul3A_48 = arith.constant 16 : i32
    %mul3A_49 = arith.muli %arg0, %mul3A_48 : i32
    %add3A_50 = arith.addi %mul3A_49, %arg1 : i32
    %mul3A_51 = arith.constant 125 : i32
    %mul3A_52 = arith.muli %add3A_50, %mul3A_51 : i32
    "tpu.region"() ({
      %run_scoped3A_443 = tpu.sem_alloc : memref<!tpu.dma_semaphore, #tpu.memory_space<semaphore_mem>>
      %dma_start3A_444 = arith.constant 0 : i32
      %dma_start3A_445 = arith.constant 0 : i32
      %dma_start3A_446 = tpu.memref_slice %arg3[%dma_start3A_444, %mul3A_52, %dma_start3A_445] : memref<2x4000x80xi32, #tpu.memory_space<hbm>> -> memref<2x5x80xi32, #tpu.memory_space<hbm>>
      %dma_start3A_447 = arith.constant 0 : i32
      %dma_start3A_448 = arith.constant 0 : i32
      %dma_start3A_449 = tpu.memref_slice %arg3[%dma_start3A_447, %mul3A_52, %dma_start3A_448] : memref<2x4000x80xi32, #tpu.memory_space<hbm>> -> memref<2x5x80xi32, #tpu.memory_space<hbm>>
      tpu.enqueue_dma source(%dma_start3A_449 : memref<2x5x80xi32, #tpu.memory_space<hbm>>) target(%arg8 : memref<2x5x80xi32, #tpu.memory_space<vmem>>) target_semaphore(%run_scoped3A_443 : memref<!tpu.dma_semaphore, #tpu.memory_space<semaphore_mem>>)
      %dma_wait3A_450 = arith.constant 0 : i32
      %dma_wait3A_451 = arith.constant 0 : i32
      %dma_wait3A_452 = tpu.memref_slice %arg3[%dma_wait3A_450, %mul3A_52, %dma_wait3A_451] : memref<2x4000x80xi32, #tpu.memory_space<hbm>> -> memref<2x5x80xi32, #tpu.memory_space<hbm>>
      %dma_wait3A_453 = arith.constant 0 : i32
      %dma_wait3A_454 = arith.constant 0 : i32
      %dma_wait3A_455 = tpu.memref_slice %arg3[%dma_wait3A_453, %mul3A_52, %dma_wait3A_454] : memref<2x4000x80xi32, #tpu.memory_space<hbm>> -> memref<2x5x80xi32, #tpu.memory_space<hbm>>
      tpu.wait_dma2 semaphore(%run_scoped3A_443 : memref<!tpu.dma_semaphore, #tpu.memory_space<semaphore_mem>>) src(%dma_wait3A_455 : memref<2x5x80xi32, #tpu.memory_space<hbm>>) dst(%arg8 : memref<2x5x80xi32, #tpu.memory_space<vmem>>)
      tpu.yield
    }) : () -> ()
    %add3A_53 = arith.constant 5 : i32
    %add3A_54 = arith.addi %mul3A_52, %add3A_53 : i32
    %dma_start3A = arith.constant 0 : i32
    %dma_start3A_55 = arith.constant 0 : i32
    %dma_start3A_56 = tpu.memref_slice %arg3[%dma_start3A, %add3A_54, %dma_start3A_55] : memref<2x4000x80xi32, #tpu.memory_space<hbm>> -> memref<2x5x80xi32, #tpu.memory_space<hbm>>
    %dma_start3A_57 = arith.constant 0 : i32
    %dma_start3A_58 = arith.constant 0 : i32
    %dma_start3A_59 = tpu.memref_slice %arg3[%dma_start3A_57, %add3A_54, %dma_start3A_58] : memref<2x4000x80xi32, #tpu.memory_space<hbm>> -> memref<2x5x80xi32, #tpu.memory_space<hbm>>
    tpu.enqueue_dma source(%dma_start3A_59 : memref<2x5x80xi32, #tpu.memory_space<hbm>>) target(%arg9 : memref<2x5x80xi32, #tpu.memory_space<vmem>>) target_semaphore(%arg14 : memref<!tpu.dma_semaphore, #tpu.memory_space<semaphore_mem>>)
    %dma_start3A_60 = arith.constant 0 : i32
    %dma_start3A_61 = arith.constant 0 : i32
    %dma_start3A_62 = arith.constant 0 : i32
    %dma_start3A_63 = arith.constant 0 : i32
    %dma_start3A_64 = arith.constant 0 : i32
    %dma_start3A_65 = tpu.memref_slice %arg10[%dma_start3A_62, %dma_start3A_63, %dma_start3A_64] : memref<5x80x128xbf16, #tpu.memory_space<vmem>> -> memref<1x80x128xbf16, #tpu.memory_space<vmem>>
    %dma_start3A_66 = tpu.memref_squeeze %dma_start3A_65 : memref<1x80x128xbf16, #tpu.memory_space<vmem>> -> memref<80x128xbf16, #tpu.memory_space<vmem>>
    %dma_start3A_67 = arith.constant 0 : i32
    %dma_start3A_68 = tpu.memref_slice %arg8[%dma_start3A_60, %dma_start3A_61, %dma_start3A_67] : memref<2x5x80xi32, #tpu.memory_space<vmem>> -> memref<1x1x80xi32, #tpu.memory_space<vmem>>
    %dma_start3A_69 = tpu.memref_squeeze %dma_start3A_68 : memref<1x1x80xi32, #tpu.memory_space<vmem>> -> memref<80xi32, #tpu.memory_space<vmem>>
    %dma_start3A_70 = arith.constant 0 : i32
    %dma_start3A_71 = arith.constant 0 : i32
    %dma_start3A_72 = tpu.memref_slice %arg2[%dma_start3A_70, %dma_start3A_71] : memref<10000x128xbf16, #tpu.memory_space<hbm>> -> memref<10000x128xbf16, #tpu.memory_space<hbm>>
    tpu.enqueue_indirect_dma source(%dma_start3A_72 : memref<10000x128xbf16, #tpu.memory_space<hbm>>) target(%dma_start3A_66 : memref<80x128xbf16, #tpu.memory_space<vmem>>) offsets(%dma_start3A_69 : memref<80xi32, #tpu.memory_space<vmem>>) semaphore(%arg15 : memref<!tpu.dma_semaphore, #tpu.memory_space<semaphore_mem>>)
    %dma_start3A_73 = arith.constant 0 : i32
    %dma_start3A_74 = arith.constant 1 : i32
    %dma_start3A_75 = arith.constant 1 : i32
    %dma_start3A_76 = arith.constant 0 : i32
    %dma_start3A_77 = arith.constant 0 : i32
    %dma_start3A_78 = tpu.memref_slice %arg10[%dma_start3A_75, %dma_start3A_76, %dma_start3A_77] : memref<5x80x128xbf16, #tpu.memory_space<vmem>> -> memref<1x80x128xbf16, #tpu.memory_space<vmem>>
    %dma_start3A_79 = tpu.memref_squeeze %dma_start3A_78 : memref<1x80x128xbf16, #tpu.memory_space<vmem>> -> memref<80x128xbf16, #tpu.memory_space<vmem>>
    %dma_start3A_80 = arith.constant 0 : i32
    %dma_start3A_81 = tpu.memref_slice %arg8[%dma_start3A_73, %dma_start3A_74, %dma_start3A_80] : memref<2x5x80xi32, #tpu.memory_space<vmem>> -> memref<1x1x80xi32, #tpu.memory_space<vmem>>
    %dma_start3A_82 = tpu.memref_squeeze %dma_start3A_81 : memref<1x1x80xi32, #tpu.memory_space<vmem>> -> memref<80xi32, #tpu.memory_space<vmem>>
    %dma_start3A_83 = arith.constant 0 : i32
    %dma_start3A_84 = arith.constant 0 : i32
    %dma_start3A_85 = tpu.memref_slice %arg2[%dma_start3A_83, %dma_start3A_84] : memref<10000x128xbf16, #tpu.memory_space<hbm>> -> memref<10000x128xbf16, #tpu.memory_space<hbm>>
    tpu.enqueue_indirect_dma source(%dma_start3A_85 : memref<10000x128xbf16, #tpu.memory_space<hbm>>) target(%dma_start3A_79 : memref<80x128xbf16, #tpu.memory_space<vmem>>) offsets(%dma_start3A_82 : memref<80xi32, #tpu.memory_space<vmem>>) semaphore(%arg16 : memref<!tpu.dma_semaphore, #tpu.memory_space<semaphore_mem>>)
    %dma_wait3A = arith.constant 0 : i32
    %dma_wait3A_86 = arith.constant 0 : i32
    %dma_wait3A_87 = arith.constant 0 : i32
    %dma_wait3A_88 = arith.constant 0 : i32
    %dma_wait3A_89 = arith.constant 0 : i32
    %dma_wait3A_90 = tpu.memref_slice %arg10[%dma_wait3A_87, %dma_wait3A_88, %dma_wait3A_89] : memref<5x80x128xbf16, #tpu.memory_space<vmem>> -> memref<1x80x128xbf16, #tpu.memory_space<vmem>>
    %dma_wait3A_91 = tpu.memref_squeeze %dma_wait3A_90 : memref<1x80x128xbf16, #tpu.memory_space<vmem>> -> memref<80x128xbf16, #tpu.memory_space<vmem>>
    %dma_wait3A_92 = arith.constant 0 : i32
    %dma_wait3A_93 = tpu.memref_slice %arg8[%dma_wait3A, %dma_wait3A_86, %dma_wait3A_92] : memref<2x5x80xi32, #tpu.memory_space<vmem>> -> memref<1x1x80xi32, #tpu.memory_space<vmem>>
    %dma_wait3A_94 = tpu.memref_squeeze %dma_wait3A_93 : memref<1x1x80xi32, #tpu.memory_space<vmem>> -> memref<80xi32, #tpu.memory_space<vmem>>
    %dma_wait3A_95 = arith.constant 0 : i32
    %dma_wait3A_96 = arith.constant 0 : i32
    %dma_wait3A_97 = tpu.memref_slice %arg2[%dma_wait3A_95, %dma_wait3A_96] : memref<10000x128xbf16, #tpu.memory_space<hbm>> -> memref<10000x128xbf16, #tpu.memory_space<hbm>>
    tpu.wait_indirect_dma semaphore(%arg15 : memref<!tpu.dma_semaphore, #tpu.memory_space<semaphore_mem>>) src(%dma_wait3A_97 : memref<10000x128xbf16, #tpu.memory_space<hbm>>) dst(%dma_wait3A_91 : memref<80x128xbf16, #tpu.memory_space<vmem>>)
    %dma_start3A_98 = arith.constant 0 : i32
    %dma_start3A_99 = arith.constant 1 : i32
    %dma_start3A_100 = arith.constant 0 : i32
    %dma_start3A_101 = arith.constant 0 : i32
    %dma_start3A_102 = arith.constant 0 : i32
    %dma_start3A_103 = tpu.memref_slice %arg10[%dma_start3A_98, %dma_start3A_101, %dma_start3A_102] : memref<5x80x128xbf16, #tpu.memory_space<vmem>> -> memref<1x80x128xbf16, #tpu.memory_space<vmem>>
    %dma_start3A_104 = tpu.memref_squeeze %dma_start3A_103 : memref<1x80x128xbf16, #tpu.memory_space<vmem>> -> memref<80x128xbf16, #tpu.memory_space<vmem>>
    %dma_start3A_105 = arith.constant 0 : i32
    %dma_start3A_106 = tpu.memref_slice %arg8[%dma_start3A_99, %dma_start3A_100, %dma_start3A_105] : memref<2x5x80xi32, #tpu.memory_space<vmem>> -> memref<1x1x80xi32, #tpu.memory_space<vmem>>
    %dma_start3A_107 = tpu.memref_squeeze %dma_start3A_106 : memref<1x1x80xi32, #tpu.memory_space<vmem>> -> memref<80xi32, #tpu.memory_space<vmem>>
    %dma_start3A_108 = arith.constant 0 : i32
    %dma_start3A_109 = arith.constant 0 : i32
    %dma_start3A_110 = tpu.memref_slice %arg6[%dma_start3A_108, %dma_start3A_109] : memref<10240x128xbf16, #tpu.memory_space<vmem_shared>> -> memref<10240x128xbf16, #tpu.memory_space<vmem_shared>>
    tpu.enqueue_indirect_dma source(%dma_start3A_104 : memref<80x128xbf16, #tpu.memory_space<vmem>>) target(%dma_start3A_110 : memref<10240x128xbf16, #tpu.memory_space<vmem_shared>>) offsets(%dma_start3A_107 : memref<80xi32, #tpu.memory_space<vmem>>) semaphore(%arg20 : memref<!tpu.dma_semaphore, #tpu.memory_space<semaphore_mem>>) {add = true}
    %dma_start3A_111 = arith.constant 1 : i32
    %dma_start3A_112 = arith.constant 0 : i32
    %dma_start3A_113 = arith.constant 0 : i32
    %dma_start3A_114 = tpu.memref_slice %arg8[%dma_start3A_111, %dma_start3A_112, %dma_start3A_113] : memref<2x5x80xi32, #tpu.memory_space<vmem>> -> memref<1x1x80xi32, #tpu.memory_space<vmem>>
    %dma_start3A_115 = tpu.memref_squeeze %dma_start3A_114 : memref<1x1x80xi32, #tpu.memory_space<vmem>> -> memref<80xi32, #tpu.memory_space<vmem>>
    %dma_start3A_116 = arith.constant 0 : i32
    %dma_start3A_117 = arith.constant 0 : i32
    %dma_start3A_118 = tpu.memref_slice %arg7[%dma_start3A_116, %dma_start3A_117] : memref<10240x16xf32, #tpu.memory_space<vmem_shared>> -> memref<10240x16xf32, #tpu.memory_space<vmem_shared>>
    tpu.enqueue_indirect_dma source(%arg12 : memref<80x16xf32, #tpu.memory_space<vmem>>) target(%dma_start3A_118 : memref<10240x16xf32, #tpu.memory_space<vmem_shared>>) offsets(%dma_start3A_115 : memref<80xi32, #tpu.memory_space<vmem>>) semaphore(%arg25 : memref<!tpu.dma_semaphore, #tpu.memory_space<semaphore_mem>>) {add = true}
    %dma_start3A_119 = arith.constant 0 : i32
    %dma_start3A_120 = arith.constant 2 : i32
    %dma_start3A_121 = arith.constant 2 : i32
    %dma_start3A_122 = arith.constant 0 : i32
    %dma_start3A_123 = arith.constant 0 : i32
    %dma_start3A_124 = tpu.memref_slice %arg10[%dma_start3A_121, %dma_start3A_122, %dma_start3A_123] : memref<5x80x128xbf16, #tpu.memory_space<vmem>> -> memref<1x80x128xbf16, #tpu.memory_space<vmem>>
    %dma_start3A_125 = tpu.memref_squeeze %dma_start3A_124 : memref<1x80x128xbf16, #tpu.memory_space<vmem>> -> memref<80x128xbf16, #tpu.memory_space<vmem>>
    %dma_start3A_126 = arith.constant 0 : i32
    %dma_start3A_127 = tpu.memref_slice %arg8[%dma_start3A_119, %dma_start3A_120, %dma_start3A_126] : memref<2x5x80xi32, #tpu.memory_space<vmem>> -> memref<1x1x80xi32, #tpu.memory_space<vmem>>
    %dma_start3A_128 = tpu.memref_squeeze %dma_start3A_127 : memref<1x1x80xi32, #tpu.memory_space<vmem>> -> memref<80xi32, #tpu.memory_space<vmem>>
    %dma_start3A_129 = arith.constant 0 : i32
    %dma_start3A_130 = arith.constant 0 : i32
    %dma_start3A_131 = tpu.memref_slice %arg2[%dma_start3A_129, %dma_start3A_130] : memref<10000x128xbf16, #tpu.memory_space<hbm>> -> memref<10000x128xbf16, #tpu.memory_space<hbm>>
    tpu.enqueue_indirect_dma source(%dma_start3A_131 : memref<10000x128xbf16, #tpu.memory_space<hbm>>) target(%dma_start3A_125 : memref<80x128xbf16, #tpu.memory_space<vmem>>) offsets(%dma_start3A_128 : memref<80xi32, #tpu.memory_space<vmem>>) semaphore(%arg17 : memref<!tpu.dma_semaphore, #tpu.memory_space<semaphore_mem>>)
    %dma_wait3A_132 = arith.constant 0 : i32
    %dma_wait3A_133 = arith.constant 1 : i32
    %dma_wait3A_134 = arith.constant 1 : i32
    %dma_wait3A_135 = arith.constant 0 : i32
    %dma_wait3A_136 = arith.constant 0 : i32
    %dma_wait3A_137 = tpu.memref_slice %arg10[%dma_wait3A_134, %dma_wait3A_135, %dma_wait3A_136] : memref<5x80x128xbf16, #tpu.memory_space<vmem>> -> memref<1x80x128xbf16, #tpu.memory_space<vmem>>
    %dma_wait3A_138 = tpu.memref_squeeze %dma_wait3A_137 : memref<1x80x128xbf16, #tpu.memory_space<vmem>> -> memref<80x128xbf16, #tpu.memory_space<vmem>>
    %dma_wait3A_139 = arith.constant 0 : i32
    %dma_wait3A_140 = tpu.memref_slice %arg8[%dma_wait3A_132, %dma_wait3A_133, %dma_wait3A_139] : memref<2x5x80xi32, #tpu.memory_space<vmem>> -> memref<1x1x80xi32, #tpu.memory_space<vmem>>
    %dma_wait3A_141 = tpu.memref_squeeze %dma_wait3A_140 : memref<1x1x80xi32, #tpu.memory_space<vmem>> -> memref<80xi32, #tpu.memory_space<vmem>>
    %dma_wait3A_142 = arith.constant 0 : i32
    %dma_wait3A_143 = arith.constant 0 : i32
    %dma_wait3A_144 = tpu.memref_slice %arg2[%dma_wait3A_142, %dma_wait3A_143] : memref<10000x128xbf16, #tpu.memory_space<hbm>> -> memref<10000x128xbf16, #tpu.memory_space<hbm>>
    tpu.wait_indirect_dma semaphore(%arg16 : memref<!tpu.dma_semaphore, #tpu.memory_space<semaphore_mem>>) src(%dma_wait3A_144 : memref<10000x128xbf16, #tpu.memory_space<hbm>>) dst(%dma_wait3A_138 : memref<80x128xbf16, #tpu.memory_space<vmem>>)
    %dma_start3A_145 = arith.constant 1 : i32
    %dma_start3A_146 = arith.constant 1 : i32
    %dma_start3A_147 = arith.constant 1 : i32
    %dma_start3A_148 = arith.constant 0 : i32
    %dma_start3A_149 = arith.constant 0 : i32
    %dma_start3A_150 = tpu.memref_slice %arg10[%dma_start3A_145, %dma_start3A_148, %dma_start3A_149] : memref<5x80x128xbf16, #tpu.memory_space<vmem>> -> memref<1x80x128xbf16, #tpu.memory_space<vmem>>
    %dma_start3A_151 = tpu.memref_squeeze %dma_start3A_150 : memref<1x80x128xbf16, #tpu.memory_space<vmem>> -> memref<80x128xbf16, #tpu.memory_space<vmem>>
    %dma_start3A_152 = arith.constant 0 : i32
    %dma_start3A_153 = tpu.memref_slice %arg8[%dma_start3A_146, %dma_start3A_147, %dma_start3A_152] : memref<2x5x80xi32, #tpu.memory_space<vmem>> -> memref<1x1x80xi32, #tpu.memory_space<vmem>>
    %dma_start3A_154 = tpu.memref_squeeze %dma_start3A_153 : memref<1x1x80xi32, #tpu.memory_space<vmem>> -> memref<80xi32, #tpu.memory_space<vmem>>
    %dma_start3A_155 = arith.constant 0 : i32
    %dma_start3A_156 = arith.constant 0 : i32
    %dma_start3A_157 = tpu.memref_slice %arg6[%dma_start3A_155, %dma_start3A_156] : memref<10240x128xbf16, #tpu.memory_space<vmem_shared>> -> memref<10240x128xbf16, #tpu.memory_space<vmem_shared>>
    tpu.enqueue_indirect_dma source(%dma_start3A_151 : memref<80x128xbf16, #tpu.memory_space<vmem>>) target(%dma_start3A_157 : memref<10240x128xbf16, #tpu.memory_space<vmem_shared>>) offsets(%dma_start3A_154 : memref<80xi32, #tpu.memory_space<vmem>>) semaphore(%arg21 : memref<!tpu.dma_semaphore, #tpu.memory_space<semaphore_mem>>) {add = true}
    %dma_start3A_158 = arith.constant 1 : i32
    %dma_start3A_159 = arith.constant 1 : i32
    %dma_start3A_160 = arith.constant 0 : i32
    %dma_start3A_161 = tpu.memref_slice %arg8[%dma_start3A_158, %dma_start3A_159, %dma_start3A_160] : memref<2x5x80xi32, #tpu.memory_space<vmem>> -> memref<1x1x80xi32, #tpu.memory_space<vmem>>
    %dma_start3A_162 = tpu.memref_squeeze %dma_start3A_161 : memref<1x1x80xi32, #tpu.memory_space<vmem>> -> memref<80xi32, #tpu.memory_space<vmem>>
    %dma_start3A_163 = arith.constant 0 : i32
    %dma_start3A_164 = arith.constant 0 : i32
    %dma_start3A_165 = tpu.memref_slice %arg7[%dma_start3A_163, %dma_start3A_164] : memref<10240x16xf32, #tpu.memory_space<vmem_shared>> -> memref<10240x16xf32, #tpu.memory_space<vmem_shared>>
    tpu.enqueue_indirect_dma source(%arg12 : memref<80x16xf32, #tpu.memory_space<vmem>>) target(%dma_start3A_165 : memref<10240x16xf32, #tpu.memory_space<vmem_shared>>) offsets(%dma_start3A_162 : memref<80xi32, #tpu.memory_space<vmem>>) semaphore(%arg26 : memref<!tpu.dma_semaphore, #tpu.memory_space<semaphore_mem>>) {add = true}
    %dma_start3A_166 = arith.constant 0 : i32
    %dma_start3A_167 = arith.constant 3 : i32
    %dma_start3A_168 = arith.constant 3 : i32
    %dma_start3A_169 = arith.constant 0 : i32
    %dma_start3A_170 = arith.constant 0 : i32
    %dma_start3A_171 = tpu.memref_slice %arg10[%dma_start3A_168, %dma_start3A_169, %dma_start3A_170] : memref<5x80x128xbf16, #tpu.memory_space<vmem>> -> memref<1x80x128xbf16, #tpu.memory_space<vmem>>
    %dma_start3A_172 = tpu.memref_squeeze %dma_start3A_171 : memref<1x80x128xbf16, #tpu.memory_space<vmem>> -> memref<80x128xbf16, #tpu.memory_space<vmem>>
    %dma_start3A_173 = arith.constant 0 : i32
    %dma_start3A_174 = tpu.memref_slice %arg8[%dma_start3A_166, %dma_start3A_167, %dma_start3A_173] : memref<2x5x80xi32, #tpu.memory_space<vmem>> -> memref<1x1x80xi32, #tpu.memory_space<vmem>>
    %dma_start3A_175 = tpu.memref_squeeze %dma_start3A_174 : memref<1x1x80xi32, #tpu.memory_space<vmem>> -> memref<80xi32, #tpu.memory_space<vmem>>
    %dma_start3A_176 = arith.constant 0 : i32
    %dma_start3A_177 = arith.constant 0 : i32
    %dma_start3A_178 = tpu.memref_slice %arg2[%dma_start3A_176, %dma_start3A_177] : memref<10000x128xbf16, #tpu.memory_space<hbm>> -> memref<10000x128xbf16, #tpu.memory_space<hbm>>
    tpu.enqueue_indirect_dma source(%dma_start3A_178 : memref<10000x128xbf16, #tpu.memory_space<hbm>>) target(%dma_start3A_172 : memref<80x128xbf16, #tpu.memory_space<vmem>>) offsets(%dma_start3A_175 : memref<80xi32, #tpu.memory_space<vmem>>) semaphore(%arg18 : memref<!tpu.dma_semaphore, #tpu.memory_space<semaphore_mem>>)
    %dma_wait3A_179 = arith.constant 0 : i32
    %dma_wait3A_180 = arith.constant 2 : i32
    %dma_wait3A_181 = arith.constant 2 : i32
    %dma_wait3A_182 = arith.constant 0 : i32
    %dma_wait3A_183 = arith.constant 0 : i32
    %dma_wait3A_184 = tpu.memref_slice %arg10[%dma_wait3A_181, %dma_wait3A_182, %dma_wait3A_183] : memref<5x80x128xbf16, #tpu.memory_space<vmem>> -> memref<1x80x128xbf16, #tpu.memory_space<vmem>>
    %dma_wait3A_185 = tpu.memref_squeeze %dma_wait3A_184 : memref<1x80x128xbf16, #tpu.memory_space<vmem>> -> memref<80x128xbf16, #tpu.memory_space<vmem>>
    %dma_wait3A_186 = arith.constant 0 : i32
    %dma_wait3A_187 = tpu.memref_slice %arg8[%dma_wait3A_179, %dma_wait3A_180, %dma_wait3A_186] : memref<2x5x80xi32, #tpu.memory_space<vmem>> -> memref<1x1x80xi32, #tpu.memory_space<vmem>>
    %dma_wait3A_188 = tpu.memref_squeeze %dma_wait3A_187 : memref<1x1x80xi32, #tpu.memory_space<vmem>> -> memref<80xi32, #tpu.memory_space<vmem>>
    %dma_wait3A_189 = arith.constant 0 : i32
    %dma_wait3A_190 = arith.constant 0 : i32
    %dma_wait3A_191 = tpu.memref_slice %arg2[%dma_wait3A_189, %dma_wait3A_190] : memref<10000x128xbf16, #tpu.memory_space<hbm>> -> memref<10000x128xbf16, #tpu.memory_space<hbm>>
    tpu.wait_indirect_dma semaphore(%arg17 : memref<!tpu.dma_semaphore, #tpu.memory_space<semaphore_mem>>) src(%dma_wait3A_191 : memref<10000x128xbf16, #tpu.memory_space<hbm>>) dst(%dma_wait3A_185 : memref<80x128xbf16, #tpu.memory_space<vmem>>)
    %dma_start3A_192 = arith.constant 2 : i32
    %dma_start3A_193 = arith.constant 1 : i32
    %dma_start3A_194 = arith.constant 2 : i32
    %dma_start3A_195 = arith.constant 0 : i32
    %dma_start3A_196 = arith.constant 0 : i32
    %dma_start3A_197 = tpu.memref_slice %arg10[%dma_start3A_192, %dma_start3A_195, %dma_start3A_196] : memref<5x80x128xbf16, #tpu.memory_space<vmem>> -> memref<1x80x128xbf16, #tpu.memory_space<vmem>>
    %dma_start3A_198 = tpu.memref_squeeze %dma_start3A_197 : memref<1x80x128xbf16, #tpu.memory_space<vmem>> -> memref<80x128xbf16, #tpu.memory_space<vmem>>
    %dma_start3A_199 = arith.constant 0 : i32
    %dma_start3A_200 = tpu.memref_slice %arg8[%dma_start3A_193, %dma_start3A_194, %dma_start3A_199] : memref<2x5x80xi32, #tpu.memory_space<vmem>> -> memref<1x1x80xi32, #tpu.memory_space<vmem>>
    %dma_start3A_201 = tpu.memref_squeeze %dma_start3A_200 : memref<1x1x80xi32, #tpu.memory_space<vmem>> -> memref<80xi32, #tpu.memory_space<vmem>>
    %dma_start3A_202 = arith.constant 0 : i32
    %dma_start3A_203 = arith.constant 0 : i32
    %dma_start3A_204 = tpu.memref_slice %arg6[%dma_start3A_202, %dma_start3A_203] : memref<10240x128xbf16, #tpu.memory_space<vmem_shared>> -> memref<10240x128xbf16, #tpu.memory_space<vmem_shared>>
    tpu.enqueue_indirect_dma source(%dma_start3A_198 : memref<80x128xbf16, #tpu.memory_space<vmem>>) target(%dma_start3A_204 : memref<10240x128xbf16, #tpu.memory_space<vmem_shared>>) offsets(%dma_start3A_201 : memref<80xi32, #tpu.memory_space<vmem>>) semaphore(%arg22 : memref<!tpu.dma_semaphore, #tpu.memory_space<semaphore_mem>>) {add = true}
    %dma_start3A_205 = arith.constant 1 : i32
    %dma_start3A_206 = arith.constant 2 : i32
    %dma_start3A_207 = arith.constant 0 : i32
    %dma_start3A_208 = tpu.memref_slice %arg8[%dma_start3A_205, %dma_start3A_206, %dma_start3A_207] : memref<2x5x80xi32, #tpu.memory_space<vmem>> -> memref<1x1x80xi32, #tpu.memory_space<vmem>>
    %dma_start3A_209 = tpu.memref_squeeze %dma_start3A_208 : memref<1x1x80xi32, #tpu.memory_space<vmem>> -> memref<80xi32, #tpu.memory_space<vmem>>
    %dma_start3A_210 = arith.constant 0 : i32
    %dma_start3A_211 = arith.constant 0 : i32
    %dma_start3A_212 = tpu.memref_slice %arg7[%dma_start3A_210, %dma_start3A_211] : memref<10240x16xf32, #tpu.memory_space<vmem_shared>> -> memref<10240x16xf32, #tpu.memory_space<vmem_shared>>
    tpu.enqueue_indirect_dma source(%arg12 : memref<80x16xf32, #tpu.memory_space<vmem>>) target(%dma_start3A_212 : memref<10240x16xf32, #tpu.memory_space<vmem_shared>>) offsets(%dma_start3A_209 : memref<80xi32, #tpu.memory_space<vmem>>) semaphore(%arg27 : memref<!tpu.dma_semaphore, #tpu.memory_space<semaphore_mem>>) {add = true}
    %dma_start3A_213 = arith.constant 0 : i32
    %dma_start3A_214 = arith.constant 4 : i32
    %dma_start3A_215 = arith.constant 4 : i32
    %dma_start3A_216 = arith.constant 0 : i32
    %dma_start3A_217 = arith.constant 0 : i32
    %dma_start3A_218 = tpu.memref_slice %arg10[%dma_start3A_215, %dma_start3A_216, %dma_start3A_217] : memref<5x80x128xbf16, #tpu.memory_space<vmem>> -> memref<1x80x128xbf16, #tpu.memory_space<vmem>>
    %dma_start3A_219 = tpu.memref_squeeze %dma_start3A_218 : memref<1x80x128xbf16, #tpu.memory_space<vmem>> -> memref<80x128xbf16, #tpu.memory_space<vmem>>
    %dma_start3A_220 = arith.constant 0 : i32
    %dma_start3A_221 = tpu.memref_slice %arg8[%dma_start3A_213, %dma_start3A_214, %dma_start3A_220] : memref<2x5x80xi32, #tpu.memory_space<vmem>> -> memref<1x1x80xi32, #tpu.memory_space<vmem>>
    %dma_start3A_222 = tpu.memref_squeeze %dma_start3A_221 : memref<1x1x80xi32, #tpu.memory_space<vmem>> -> memref<80xi32, #tpu.memory_space<vmem>>
    %dma_start3A_223 = arith.constant 0 : i32
    %dma_start3A_224 = arith.constant 0 : i32
    %dma_start3A_225 = tpu.memref_slice %arg2[%dma_start3A_223, %dma_start3A_224] : memref<10000x128xbf16, #tpu.memory_space<hbm>> -> memref<10000x128xbf16, #tpu.memory_space<hbm>>
    tpu.enqueue_indirect_dma source(%dma_start3A_225 : memref<10000x128xbf16, #tpu.memory_space<hbm>>) target(%dma_start3A_219 : memref<80x128xbf16, #tpu.memory_space<vmem>>) offsets(%dma_start3A_222 : memref<80xi32, #tpu.memory_space<vmem>>) semaphore(%arg19 : memref<!tpu.dma_semaphore, #tpu.memory_space<semaphore_mem>>)
    %dma_wait3A_226 = arith.constant 0 : i32
    %dma_wait3A_227 = arith.constant 3 : i32
    %dma_wait3A_228 = arith.constant 3 : i32
    %dma_wait3A_229 = arith.constant 0 : i32
    %dma_wait3A_230 = arith.constant 0 : i32
    %dma_wait3A_231 = tpu.memref_slice %arg10[%dma_wait3A_228, %dma_wait3A_229, %dma_wait3A_230] : memref<5x80x128xbf16, #tpu.memory_space<vmem>> -> memref<1x80x128xbf16, #tpu.memory_space<vmem>>
    %dma_wait3A_232 = tpu.memref_squeeze %dma_wait3A_231 : memref<1x80x128xbf16, #tpu.memory_space<vmem>> -> memref<80x128xbf16, #tpu.memory_space<vmem>>
    %dma_wait3A_233 = arith.constant 0 : i32
    %dma_wait3A_234 = tpu.memref_slice %arg8[%dma_wait3A_226, %dma_wait3A_227, %dma_wait3A_233] : memref<2x5x80xi32, #tpu.memory_space<vmem>> -> memref<1x1x80xi32, #tpu.memory_space<vmem>>
    %dma_wait3A_235 = tpu.memref_squeeze %dma_wait3A_234 : memref<1x1x80xi32, #tpu.memory_space<vmem>> -> memref<80xi32, #tpu.memory_space<vmem>>
    %dma_wait3A_236 = arith.constant 0 : i32
    %dma_wait3A_237 = arith.constant 0 : i32
    %dma_wait3A_238 = tpu.memref_slice %arg2[%dma_wait3A_236, %dma_wait3A_237] : memref<10000x128xbf16, #tpu.memory_space<hbm>> -> memref<10000x128xbf16, #tpu.memory_space<hbm>>
    tpu.wait_indirect_dma semaphore(%arg18 : memref<!tpu.dma_semaphore, #tpu.memory_space<semaphore_mem>>) src(%dma_wait3A_238 : memref<10000x128xbf16, #tpu.memory_space<hbm>>) dst(%dma_wait3A_232 : memref<80x128xbf16, #tpu.memory_space<vmem>>)
    %dma_start3A_239 = arith.constant 3 : i32
    %dma_start3A_240 = arith.constant 1 : i32
    %dma_start3A_241 = arith.constant 3 : i32
    %dma_start3A_242 = arith.constant 0 : i32
    %dma_start3A_243 = arith.constant 0 : i32
    %dma_start3A_244 = tpu.memref_slice %arg10[%dma_start3A_239, %dma_start3A_242, %dma_start3A_243] : memref<5x80x128xbf16, #tpu.memory_space<vmem>> -> memref<1x80x128xbf16, #tpu.memory_space<vmem>>
    %dma_start3A_245 = tpu.memref_squeeze %dma_start3A_244 : memref<1x80x128xbf16, #tpu.memory_space<vmem>> -> memref<80x128xbf16, #tpu.memory_space<vmem>>
    %dma_start3A_246 = arith.constant 0 : i32
    %dma_start3A_247 = tpu.memref_slice %arg8[%dma_start3A_240, %dma_start3A_241, %dma_start3A_246] : memref<2x5x80xi32, #tpu.memory_space<vmem>> -> memref<1x1x80xi32, #tpu.memory_space<vmem>>
    %dma_start3A_248 = tpu.memref_squeeze %dma_start3A_247 : memref<1x1x80xi32, #tpu.memory_space<vmem>> -> memref<80xi32, #tpu.memory_space<vmem>>
    %dma_start3A_249 = arith.constant 0 : i32
    %dma_start3A_250 = arith.constant 0 : i32
    %dma_start3A_251 = tpu.memref_slice %arg6[%dma_start3A_249, %dma_start3A_250] : memref<10240x128xbf16, #tpu.memory_space<vmem_shared>> -> memref<10240x128xbf16, #tpu.memory_space<vmem_shared>>
    tpu.enqueue_indirect_dma source(%dma_start3A_245 : memref<80x128xbf16, #tpu.memory_space<vmem>>) target(%dma_start3A_251 : memref<10240x128xbf16, #tpu.memory_space<vmem_shared>>) offsets(%dma_start3A_248 : memref<80xi32, #tpu.memory_space<vmem>>) semaphore(%arg23 : memref<!tpu.dma_semaphore, #tpu.memory_space<semaphore_mem>>) {add = true}
    %dma_start3A_252 = arith.constant 1 : i32
    %dma_start3A_253 = arith.constant 3 : i32
    %dma_start3A_254 = arith.constant 0 : i32
    %dma_start3A_255 = tpu.memref_slice %arg8[%dma_start3A_252, %dma_start3A_253, %dma_start3A_254] : memref<2x5x80xi32, #tpu.memory_space<vmem>> -> memref<1x1x80xi32, #tpu.memory_space<vmem>>
    %dma_start3A_256 = tpu.memref_squeeze %dma_start3A_255 : memref<1x1x80xi32, #tpu.memory_space<vmem>> -> memref<80xi32, #tpu.memory_space<vmem>>
    %dma_start3A_257 = arith.constant 0 : i32
    %dma_start3A_258 = arith.constant 0 : i32
    %dma_start3A_259 = tpu.memref_slice %arg7[%dma_start3A_257, %dma_start3A_258] : memref<10240x16xf32, #tpu.memory_space<vmem_shared>> -> memref<10240x16xf32, #tpu.memory_space<vmem_shared>>
    tpu.enqueue_indirect_dma source(%arg12 : memref<80x16xf32, #tpu.memory_space<vmem>>) target(%dma_start3A_259 : memref<10240x16xf32, #tpu.memory_space<vmem_shared>>) offsets(%dma_start3A_256 : memref<80xi32, #tpu.memory_space<vmem>>) semaphore(%arg28 : memref<!tpu.dma_semaphore, #tpu.memory_space<semaphore_mem>>) {add = true}
    %dma_wait3A_260 = arith.constant 0 : i32
    %dma_wait3A_261 = arith.constant 1 : i32
    %dma_wait3A_262 = arith.constant 0 : i32
    %dma_wait3A_263 = arith.constant 0 : i32
    %dma_wait3A_264 = arith.constant 0 : i32
    %dma_wait3A_265 = tpu.memref_slice %arg10[%dma_wait3A_260, %dma_wait3A_263, %dma_wait3A_264] : memref<5x80x128xbf16, #tpu.memory_space<vmem>> -> memref<1x80x128xbf16, #tpu.memory_space<vmem>>
    %dma_wait3A_266 = tpu.memref_squeeze %dma_wait3A_265 : memref<1x80x128xbf16, #tpu.memory_space<vmem>> -> memref<80x128xbf16, #tpu.memory_space<vmem>>
    %dma_wait3A_267 = arith.constant 0 : i32
    %dma_wait3A_268 = tpu.memref_slice %arg8[%dma_wait3A_261, %dma_wait3A_262, %dma_wait3A_267] : memref<2x5x80xi32, #tpu.memory_space<vmem>> -> memref<1x1x80xi32, #tpu.memory_space<vmem>>
    %dma_wait3A_269 = tpu.memref_squeeze %dma_wait3A_268 : memref<1x1x80xi32, #tpu.memory_space<vmem>> -> memref<80xi32, #tpu.memory_space<vmem>>
    %dma_wait3A_270 = arith.constant 0 : i32
    %dma_wait3A_271 = arith.constant 0 : i32
    %dma_wait3A_272 = tpu.memref_slice %arg6[%dma_wait3A_270, %dma_wait3A_271] : memref<10240x128xbf16, #tpu.memory_space<vmem_shared>> -> memref<10240x128xbf16, #tpu.memory_space<vmem_shared>>
    tpu.wait_indirect_dma semaphore(%arg20 : memref<!tpu.dma_semaphore, #tpu.memory_space<semaphore_mem>>) src(%dma_wait3A_266 : memref<80x128xbf16, #tpu.memory_space<vmem>>) dst(%dma_wait3A_272 : memref<10240x128xbf16, #tpu.memory_space<vmem_shared>>)
    %dma_wait3A_273 = arith.constant 1 : i32
    %dma_wait3A_274 = arith.constant 0 : i32
    %dma_wait3A_275 = arith.constant 0 : i32
    %dma_wait3A_276 = tpu.memref_slice %arg8[%dma_wait3A_273, %dma_wait3A_274, %dma_wait3A_275] : memref<2x5x80xi32, #tpu.memory_space<vmem>> -> memref<1x1x80xi32, #tpu.memory_space<vmem>>
    %dma_wait3A_277 = tpu.memref_squeeze %dma_wait3A_276 : memref<1x1x80xi32, #tpu.memory_space<vmem>> -> memref<80xi32, #tpu.memory_space<vmem>>
    %dma_wait3A_278 = arith.constant 0 : i32
    %dma_wait3A_279 = arith.constant 0 : i32
    %dma_wait3A_280 = tpu.memref_slice %arg7[%dma_wait3A_278, %dma_wait3A_279] : memref<10240x16xf32, #tpu.memory_space<vmem_shared>> -> memref<10240x16xf32, #tpu.memory_space<vmem_shared>>
    tpu.wait_indirect_dma semaphore(%arg25 : memref<!tpu.dma_semaphore, #tpu.memory_space<semaphore_mem>>) src(%arg12 : memref<80x16xf32, #tpu.memory_space<vmem>>) dst(%dma_wait3A_280 : memref<10240x16xf32, #tpu.memory_space<vmem_shared>>)
    %add3A_281 = arith.constant 5 : i32
    %add3A_282 = arith.addi %mul3A_52, %add3A_281 : i32
    %dma_wait3A_283 = arith.constant 0 : i32
    %dma_wait3A_284 = arith.constant 0 : i32
    %dma_wait3A_285 = tpu.memref_slice %arg3[%dma_wait3A_283, %add3A_282, %dma_wait3A_284] : memref<2x4000x80xi32, #tpu.memory_space<hbm>> -> memref<2x5x80xi32, #tpu.memory_space<hbm>>
    %dma_wait3A_286 = arith.constant 0 : i32
    %dma_wait3A_287 = arith.constant 0 : i32
    %dma_wait3A_288 = tpu.memref_slice %arg3[%dma_wait3A_286, %add3A_282, %dma_wait3A_287] : memref<2x4000x80xi32, #tpu.memory_space<hbm>> -> memref<2x5x80xi32, #tpu.memory_space<hbm>>
    tpu.wait_dma2 semaphore(%arg14 : memref<!tpu.dma_semaphore, #tpu.memory_space<semaphore_mem>>) src(%dma_wait3A_288 : memref<2x5x80xi32, #tpu.memory_space<hbm>>) dst(%arg9 : memref<2x5x80xi32, #tpu.memory_space<vmem>>)
    %dma_start3A_289 = arith.constant 0 : i32
    %dma_start3A_290 = arith.constant 0 : i32
    %dma_start3A_291 = arith.constant 0 : i32
    %dma_start3A_292 = arith.constant 0 : i32
    %dma_start3A_293 = arith.constant 0 : i32
    %dma_start3A_294 = tpu.memref_slice %arg10[%dma_start3A_291, %dma_start3A_292, %dma_start3A_293] : memref<5x80x128xbf16, #tpu.memory_space<vmem>> -> memref<1x80x128xbf16, #tpu.memory_space<vmem>>
    %dma_start3A_295 = tpu.memref_squeeze %dma_start3A_294 : memref<1x80x128xbf16, #tpu.memory_space<vmem>> -> memref<80x128xbf16, #tpu.memory_space<vmem>>
    %dma_start3A_296 = arith.constant 0 : i32
    %dma_start3A_297 = tpu.memref_slice %arg9[%dma_start3A_289, %dma_start3A_290, %dma_start3A_296] : memref<2x5x80xi32, #tpu.memory_space<vmem>> -> memref<1x1x80xi32, #tpu.memory_space<vmem>>
    %dma_start3A_298 = tpu.memref_squeeze %dma_start3A_297 : memref<1x1x80xi32, #tpu.memory_space<vmem>> -> memref<80xi32, #tpu.memory_space<vmem>>
    %dma_start3A_299 = arith.constant 0 : i32
    %dma_start3A_300 = arith.constant 0 : i32
    %dma_start3A_301 = tpu.memref_slice %arg2[%dma_start3A_299, %dma_start3A_300] : memref<10000x128xbf16, #tpu.memory_space<hbm>> -> memref<10000x128xbf16, #tpu.memory_space<hbm>>
    tpu.enqueue_indirect_dma source(%dma_start3A_301 : memref<10000x128xbf16, #tpu.memory_space<hbm>>) target(%dma_start3A_295 : memref<80x128xbf16, #tpu.memory_space<vmem>>) offsets(%dma_start3A_298 : memref<80xi32, #tpu.memory_space<vmem>>) semaphore(%arg15 : memref<!tpu.dma_semaphore, #tpu.memory_space<semaphore_mem>>)
    %dma_wait3A_302 = arith.constant 0 : i32
    %dma_wait3A_303 = arith.constant 4 : i32
    %dma_wait3A_304 = arith.constant 4 : i32
    %dma_wait3A_305 = arith.constant 0 : i32
    %dma_wait3A_306 = arith.constant 0 : i32
    %dma_wait3A_307 = tpu.memref_slice %arg10[%dma_wait3A_304, %dma_wait3A_305, %dma_wait3A_306] : memref<5x80x128xbf16, #tpu.memory_space<vmem>> -> memref<1x80x128xbf16, #tpu.memory_space<vmem>>
    %dma_wait3A_308 = tpu.memref_squeeze %dma_wait3A_307 : memref<1x80x128xbf16, #tpu.memory_space<vmem>> -> memref<80x128xbf16, #tpu.memory_space<vmem>>
    %dma_wait3A_309 = arith.constant 0 : i32
    %dma_wait3A_310 = tpu.memref_slice %arg8[%dma_wait3A_302, %dma_wait3A_303, %dma_wait3A_309] : memref<2x5x80xi32, #tpu.memory_space<vmem>> -> memref<1x1x80xi32, #tpu.memory_space<vmem>>
    %dma_wait3A_311 = tpu.memref_squeeze %dma_wait3A_310 : memref<1x1x80xi32, #tpu.memory_space<vmem>> -> memref<80xi32, #tpu.memory_space<vmem>>
    %dma_wait3A_312 = arith.constant 0 : i32
    %dma_wait3A_313 = arith.constant 0 : i32
    %dma_wait3A_314 = tpu.memref_slice %arg2[%dma_wait3A_312, %dma_wait3A_313] : memref<10000x128xbf16, #tpu.memory_space<hbm>> -> memref<10000x128xbf16, #tpu.memory_space<hbm>>
    tpu.wait_indirect_dma semaphore(%arg19 : memref<!tpu.dma_semaphore, #tpu.memory_space<semaphore_mem>>) src(%dma_wait3A_314 : memref<10000x128xbf16, #tpu.memory_space<hbm>>) dst(%dma_wait3A_308 : memref<80x128xbf16, #tpu.memory_space<vmem>>)
    %dma_start3A_315 = arith.constant 4 : i32
    %dma_start3A_316 = arith.constant 1 : i32
    %dma_start3A_317 = arith.constant 4 : i32
    %dma_start3A_318 = arith.constant 0 : i32
    %dma_start3A_319 = arith.constant 0 : i32
    %dma_start3A_320 = tpu.memref_slice %arg10[%dma_start3A_315, %dma_start3A_318, %dma_start3A_319] : memref<5x80x128xbf16, #tpu.memory_space<vmem>> -> memref<1x80x128xbf16, #tpu.memory_space<vmem>>
    %dma_start3A_321 = tpu.memref_squeeze %dma_start3A_320 : memref<1x80x128xbf16, #tpu.memory_space<vmem>> -> memref<80x128xbf16, #tpu.memory_space<vmem>>
    %dma_start3A_322 = arith.constant 0 : i32
    %dma_start3A_323 = tpu.memref_slice %arg8[%dma_start3A_316, %dma_start3A_317, %dma_start3A_322] : memref<2x5x80xi32, #tpu.memory_space<vmem>> -> memref<1x1x80xi32, #tpu.memory_space<vmem>>
    %dma_start3A_324 = tpu.memref_squeeze %dma_start3A_323 : memref<1x1x80xi32, #tpu.memory_space<vmem>> -> memref<80xi32, #tpu.memory_space<vmem>>
    %dma_start3A_325 = arith.constant 0 : i32
    %dma_start3A_326 = arith.constant 0 : i32
    %dma_start3A_327 = tpu.memref_slice %arg6[%dma_start3A_325, %dma_start3A_326] : memref<10240x128xbf16, #tpu.memory_space<vmem_shared>> -> memref<10240x128xbf16, #tpu.memory_space<vmem_shared>>
    tpu.enqueue_indirect_dma source(%dma_start3A_321 : memref<80x128xbf16, #tpu.memory_space<vmem>>) target(%dma_start3A_327 : memref<10240x128xbf16, #tpu.memory_space<vmem_shared>>) offsets(%dma_start3A_324 : memref<80xi32, #tpu.memory_space<vmem>>) semaphore(%arg24 : memref<!tpu.dma_semaphore, #tpu.memory_space<semaphore_mem>>) {add = true}
    %dma_start3A_328 = arith.constant 1 : i32
    %dma_start3A_329 = arith.constant 4 : i32
    %dma_start3A_330 = arith.constant 0 : i32
    %dma_start3A_331 = tpu.memref_slice %arg8[%dma_start3A_328, %dma_start3A_329, %dma_start3A_330] : memref<2x5x80xi32, #tpu.memory_space<vmem>> -> memref<1x1x80xi32, #tpu.memory_space<vmem>>
    %dma_start3A_332 = tpu.memref_squeeze %dma_start3A_331 : memref<1x1x80xi32, #tpu.memory_space<vmem>> -> memref<80xi32, #tpu.memory_space<vmem>>
    %dma_start3A_333 = arith.constant 0 : i32
    %dma_start3A_334 = arith.constant 0 : i32
    %dma_start3A_335 = tpu.memref_slice %arg7[%dma_start3A_333, %dma_start3A_334] : memref<10240x16xf32, #tpu.memory_space<vmem_shared>> -> memref<10240x16xf32, #tpu.memory_space<vmem_shared>>
    tpu.enqueue_indirect_dma source(%arg12 : memref<80x16xf32, #tpu.memory_space<vmem>>) target(%dma_start3A_335 : memref<10240x16xf32, #tpu.memory_space<vmem_shared>>) offsets(%dma_start3A_332 : memref<80xi32, #tpu.memory_space<vmem>>) semaphore(%arg29 : memref<!tpu.dma_semaphore, #tpu.memory_space<semaphore_mem>>) {add = true}
    %dma_wait3A_336 = arith.constant 1 : i32
    %dma_wait3A_337 = arith.constant 1 : i32
    %dma_wait3A_338 = arith.constant 1 : i32
    %dma_wait3A_339 = arith.constant 0 : i32
    %dma_wait3A_340 = arith.constant 0 : i32
    %dma_wait3A_341 = tpu.memref_slice %arg10[%dma_wait3A_336, %dma_wait3A_339, %dma_wait3A_340] : memref<5x80x128xbf16, #tpu.memory_space<vmem>> -> memref<1x80x128xbf16, #tpu.memory_space<vmem>>
    %dma_wait3A_342 = tpu.memref_squeeze %dma_wait3A_341 : memref<1x80x128xbf16, #tpu.memory_space<vmem>> -> memref<80x128xbf16, #tpu.memory_space<vmem>>
    %dma_wait3A_343 = arith.constant 0 : i32
    %dma_wait3A_344 = tpu.memref_slice %arg8[%dma_wait3A_337, %dma_wait3A_338, %dma_wait3A_343] : memref<2x5x80xi32, #tpu.memory_space<vmem>> -> memref<1x1x80xi32, #tpu.memory_space<vmem>>
    %dma_wait3A_345 = tpu.memref_squeeze %dma_wait3A_344 : memref<1x1x80xi32, #tpu.memory_space<vmem>> -> memref<80xi32, #tpu.memory_space<vmem>>
    %dma_wait3A_346 = arith.constant 0 : i32
    %dma_wait3A_347 = arith.constant 0 : i32
    %dma_wait3A_348 = tpu.memref_slice %arg6[%dma_wait3A_346, %dma_wait3A_347] : memref<10240x128xbf16, #tpu.memory_space<vmem_shared>> -> memref<10240x128xbf16, #tpu.memory_space<vmem_shared>>
    tpu.wait_indirect_dma semaphore(%arg21 : memref<!tpu.dma_semaphore, #tpu.memory_space<semaphore_mem>>) src(%dma_wait3A_342 : memref<80x128xbf16, #tpu.memory_space<vmem>>) dst(%dma_wait3A_348 : memref<10240x128xbf16, #tpu.memory_space<vmem_shared>>)
    %dma_wait3A_349 = arith.constant 1 : i32
    %dma_wait3A_350 = arith.constant 1 : i32
    %dma_wait3A_351 = arith.constant 0 : i32
    %dma_wait3A_352 = tpu.memref_slice %arg8[%dma_wait3A_349, %dma_wait3A_350, %dma_wait3A_351] : memref<2x5x80xi32, #tpu.memory_space<vmem>> -> memref<1x1x80xi32, #tpu.memory_space<vmem>>
    %dma_wait3A_353 = tpu.memref_squeeze %dma_wait3A_352 : memref<1x1x80xi32, #tpu.memory_space<vmem>> -> memref<80xi32, #tpu.memory_space<vmem>>
    %dma_wait3A_354 = arith.constant 0 : i32
    %dma_wait3A_355 = arith.constant 0 : i32
    %dma_wait3A_356 = tpu.memref_slice %arg7[%dma_wait3A_354, %dma_wait3A_355] : memref<10240x16xf32, #tpu.memory_space<vmem_shared>> -> memref<10240x16xf32, #tpu.memory_space<vmem_shared>>
    tpu.wait_indirect_dma semaphore(%arg26 : memref<!tpu.dma_semaphore, #tpu.memory_space<semaphore_mem>>) src(%arg12 : memref<80x16xf32, #tpu.memory_space<vmem>>) dst(%dma_wait3A_356 : memref<10240x16xf32, #tpu.memory_space<vmem_shared>>)
    %dma_start3A_357 = arith.constant 0 : i32
    %dma_start3A_358 = arith.constant 1 : i32
    %dma_start3A_359 = arith.constant 1 : i32
    %dma_start3A_360 = arith.constant 0 : i32
    %dma_start3A_361 = arith.constant 0 : i32
    %dma_start3A_362 = tpu.memref_slice %arg10[%dma_start3A_359, %dma_start3A_360, %dma_start3A_361] : memref<5x80x128xbf16, #tpu.memory_space<vmem>> -> memref<1x80x128xbf16, #tpu.memory_space<vmem>>
    %dma_start3A_363 = tpu.memref_squeeze %dma_start3A_362 : memref<1x80x128xbf16, #tpu.memory_space<vmem>> -> memref<80x128xbf16, #tpu.memory_space<vmem>>
    %dma_start3A_364 = arith.constant 0 : i32
    %dma_start3A_365 = tpu.memref_slice %arg9[%dma_start3A_357, %dma_start3A_358, %dma_start3A_364] : memref<2x5x80xi32, #tpu.memory_space<vmem>> -> memref<1x1x80xi32, #tpu.memory_space<vmem>>
    %dma_start3A_366 = tpu.memref_squeeze %dma_start3A_365 : memref<1x1x80xi32, #tpu.memory_space<vmem>> -> memref<80xi32, #tpu.memory_space<vmem>>
    %dma_start3A_367 = arith.constant 0 : i32
    %dma_start3A_368 = arith.constant 0 : i32
    %dma_start3A_369 = tpu.memref_slice %arg2[%dma_start3A_367, %dma_start3A_368] : memref<10000x128xbf16, #tpu.memory_space<hbm>> -> memref<10000x128xbf16, #tpu.memory_space<hbm>>
    tpu.enqueue_indirect_dma source(%dma_start3A_369 : memref<10000x128xbf16, #tpu.memory_space<hbm>>) target(%dma_start3A_363 : memref<80x128xbf16, #tpu.memory_space<vmem>>) offsets(%dma_start3A_366 : memref<80xi32, #tpu.memory_space<vmem>>) semaphore(%arg16 : memref<!tpu.dma_semaphore, #tpu.memory_space<semaphore_mem>>)
    %scan3A_370 = arith.constant 0 : i32
    %scan3A_371 = arith.constant 0 : i32
    %scan3A_372 = arith.constant 12 : i32
    %scan3A_373 = arith.addi %scan3A_371, %scan3A_372 : i32
    %scan3A_374 = arith.constant 1 : i32
    %scan3A_375 = scf.for %scan3A_443 = %scan3A_371 to %scan3A_373 step %scan3A_374 iter_args(%scan3A_444 = %scan3A_370) -> (i32)  : i32 {
      %dma_wait3A_445 = arith.constant 0 : i32
      %dma_wait3A_446 = arith.constant 0 : i32
      %dma_wait3A_447 = arith.constant 0 : i32
      %dma_wait3A_448 = arith.constant 0 : i32
      %dma_wait3A_449 = arith.constant 0 : i32
      %dma_wait3A_450 = tpu.memref_slice %arg10[%dma_wait3A_447, %dma_wait3A_448, %dma_wait3A_449] : memref<5x80x128xbf16, #tpu.memory_space<vmem>> -> memref<1x80x128xbf16, #tpu.memory_space<vmem>>
      %dma_wait3A_451 = tpu.memref_squeeze %dma_wait3A_450 : memref<1x80x128xbf16, #tpu.memory_space<vmem>> -> memref<80x128xbf16, #tpu.memory_space<vmem>>
      %dma_wait3A_452 = arith.constant 0 : i32
      %dma_wait3A_453 = tpu.memref_slice %arg9[%dma_wait3A_445, %dma_wait3A_446, %dma_wait3A_452] : memref<2x5x80xi32, #tpu.memory_space<vmem>> -> memref<1x1x80xi32, #tpu.memory_space<vmem>>
      %dma_wait3A_454 = tpu.memref_squeeze %dma_wait3A_453 : memref<1x1x80xi32, #tpu.memory_space<vmem>> -> memref<80xi32, #tpu.memory_space<vmem>>
      %dma_wait3A_455 = arith.constant 0 : i32
      %dma_wait3A_456 = arith.constant 0 : i32
      %dma_wait3A_457 = tpu.memref_slice %arg2[%dma_wait3A_455, %dma_wait3A_456] : memref<10000x128xbf16, #tpu.memory_space<hbm>> -> memref<10000x128xbf16, #tpu.memory_space<hbm>>
      tpu.wait_indirect_dma semaphore(%arg15 : memref<!tpu.dma_semaphore, #tpu.memory_space<semaphore_mem>>) src(%dma_wait3A_457 : memref<10000x128xbf16, #tpu.memory_space<hbm>>) dst(%dma_wait3A_451 : memref<80x128xbf16, #tpu.memory_space<vmem>>)
      %dma_start3A_458 = arith.constant 0 : i32
      %dma_start3A_459 = arith.constant 1 : i32
      %dma_start3A_460 = arith.constant 0 : i32
      %dma_start3A_461 = arith.constant 0 : i32
      %dma_start3A_462 = arith.constant 0 : i32
      %dma_start3A_463 = tpu.memref_slice %arg10[%dma_start3A_458, %dma_start3A_461, %dma_start3A_462] : memref<5x80x128xbf16, #tpu.memory_space<vmem>> -> memref<1x80x128xbf16, #tpu.memory_space<vmem>>
      %dma_start3A_464 = tpu.memref_squeeze %dma_start3A_463 : memref<1x80x128xbf16, #tpu.memory_space<vmem>> -> memref<80x128xbf16, #tpu.memory_space<vmem>>
      %dma_start3A_465 = arith.constant 0 : i32
      %dma_start3A_466 = tpu.memref_slice %arg9[%dma_start3A_459, %dma_start3A_460, %dma_start3A_465] : memref<2x5x80xi32, #tpu.memory_space<vmem>> -> memref<1x1x80xi32, #tpu.memory_space<vmem>>
      %dma_start3A_467 = tpu.memref_squeeze %dma_start3A_466 : memref<1x1x80xi32, #tpu.memory_space<vmem>> -> memref<80xi32, #tpu.memory_space<vmem>>
      %dma_start3A_468 = arith.constant 0 : i32
      %dma_start3A_469 = arith.constant 0 : i32
      %dma_start3A_470 = tpu.memref_slice %arg6[%dma_start3A_468, %dma_start3A_469] : memref<10240x128xbf16, #tpu.memory_space<vmem_shared>> -> memref<10240x128xbf16, #tpu.memory_space<vmem_shared>>
      tpu.enqueue_indirect_dma source(%dma_start3A_464 : memref<80x128xbf16, #tpu.memory_space<vmem>>) target(%dma_start3A_470 : memref<10240x128xbf16, #tpu.memory_space<vmem_shared>>) offsets(%dma_start3A_467 : memref<80xi32, #tpu.memory_space<vmem>>) semaphore(%arg20 : memref<!tpu.dma_semaphore, #tpu.memory_space<semaphore_mem>>) {add = true}
      %dma_start3A_471 = arith.constant 1 : i32
      %dma_start3A_472 = arith.constant 0 : i32
      %dma_start3A_473 = arith.constant 0 : i32
      %dma_start3A_474 = tpu.memref_slice %arg9[%dma_start3A_471, %dma_start3A_472, %dma_start3A_473] : memref<2x5x80xi32, #tpu.memory_space<vmem>> -> memref<1x1x80xi32, #tpu.memory_space<vmem>>
      %dma_start3A_475 = tpu.memref_squeeze %dma_start3A_474 : memref<1x1x80xi32, #tpu.memory_space<vmem>> -> memref<80xi32, #tpu.memory_space<vmem>>
      %dma_start3A_476 = arith.constant 0 : i32
      %dma_start3A_477 = arith.constant 0 : i32
      %dma_start3A_478 = tpu.memref_slice %arg7[%dma_start3A_476, %dma_start3A_477] : memref<10240x16xf32, #tpu.memory_space<vmem_shared>> -> memref<10240x16xf32, #tpu.memory_space<vmem_shared>>
      tpu.enqueue_indirect_dma source(%arg12 : memref<80x16xf32, #tpu.memory_space<vmem>>) target(%dma_start3A_478 : memref<10240x16xf32, #tpu.memory_space<vmem_shared>>) offsets(%dma_start3A_475 : memref<80xi32, #tpu.memory_space<vmem>>) semaphore(%arg25 : memref<!tpu.dma_semaphore, #tpu.memory_space<semaphore_mem>>) {add = true}
      %dma_wait3A_479 = arith.constant 2 : i32
      %dma_wait3A_480 = arith.constant 1 : i32
      %dma_wait3A_481 = arith.constant 2 : i32
      %dma_wait3A_482 = arith.constant 0 : i32
      %dma_wait3A_483 = arith.constant 0 : i32
      %dma_wait3A_484 = tpu.memref_slice %arg10[%dma_wait3A_479, %dma_wait3A_482, %dma_wait3A_483] : memref<5x80x128xbf16, #tpu.memory_space<vmem>> -> memref<1x80x128xbf16, #tpu.memory_space<vmem>>
      %dma_wait3A_485 = tpu.memref_squeeze %dma_wait3A_484 : memref<1x80x128xbf16, #tpu.memory_space<vmem>> -> memref<80x128xbf16, #tpu.memory_space<vmem>>
      %dma_wait3A_486 = arith.constant 0 : i32
      %dma_wait3A_487 = tpu.memref_slice %arg8[%dma_wait3A_480, %dma_wait3A_481, %dma_wait3A_486] : memref<2x5x80xi32, #tpu.memory_space<vmem>> -> memref<1x1x80xi32, #tpu.memory_space<vmem>>
      %dma_wait3A_488 = tpu.memref_squeeze %dma_wait3A_487 : memref<1x1x80xi32, #tpu.memory_space<vmem>> -> memref<80xi32, #tpu.memory_space<vmem>>
      %dma_wait3A_489 = arith.constant 0 : i32
      %dma_wait3A_490 = arith.constant 0 : i32
      %dma_wait3A_491 = tpu.memref_slice %arg6[%dma_wait3A_489, %dma_wait3A_490] : memref<10240x128xbf16, #tpu.memory_space<vmem_shared>> -> memref<10240x128xbf16, #tpu.memory_space<vmem_shared>>
      tpu.wait_indirect_dma semaphore(%arg22 : memref<!tpu.dma_semaphore, #tpu.memory_space<semaphore_mem>>) src(%dma_wait3A_485 : memref<80x128xbf16, #tpu.memory_space<vmem>>) dst(%dma_wait3A_491 : memref<10240x128xbf16, #tpu.memory_space<vmem_shared>>)
      %dma_wait3A_492 = arith.constant 1 : i32
      %dma_wait3A_493 = arith.constant 2 : i32
      %dma_wait3A_494 = arith.constant 0 : i32
      %dma_wait3A_495 = tpu.memref_slice %arg8[%dma_wait3A_492, %dma_wait3A_493, %dma_wait3A_494] : memref<2x5x80xi32, #tpu.memory_space<vmem>> -> memref<1x1x80xi32, #tpu.memory_space<vmem>>
      %dma_wait3A_496 = tpu.memref_squeeze %dma_wait3A_495 : memref<1x1x80xi32, #tpu.memory_space<vmem>> -> memref<80xi32, #tpu.memory_space<vmem>>
      %dma_wait3A_497 = arith.constant 0 : i32
      %dma_wait3A_498 = arith.constant 0 : i32
      %dma_wait3A_499 = tpu.memref_slice %arg7[%dma_wait3A_497, %dma_wait3A_498] : memref<10240x16xf32, #tpu.memory_space<vmem_shared>> -> memref<10240x16xf32, #tpu.memory_space<vmem_shared>>
      tpu.wait_indirect_dma semaphore(%arg27 : memref<!tpu.dma_semaphore, #tpu.memory_space<semaphore_mem>>) src(%arg12 : memref<80x16xf32, #tpu.memory_space<vmem>>) dst(%dma_wait3A_499 : memref<10240x16xf32, #tpu.memory_space<vmem_shared>>)
      %dma_start3A_500 = arith.constant 0 : i32
      %dma_start3A_501 = arith.constant 2 : i32
      %dma_start3A_502 = arith.constant 2 : i32
      %dma_start3A_503 = arith.constant 0 : i32
      %dma_start3A_504 = arith.constant 0 : i32
      %dma_start3A_505 = tpu.memref_slice %arg10[%dma_start3A_502, %dma_start3A_503, %dma_start3A_504] : memref<5x80x128xbf16, #tpu.memory_space<vmem>> -> memref<1x80x128xbf16, #tpu.memory_space<vmem>>
      %dma_start3A_506 = tpu.memref_squeeze %dma_start3A_505 : memref<1x80x128xbf16, #tpu.memory_space<vmem>> -> memref<80x128xbf16, #tpu.memory_space<vmem>>
      %dma_start3A_507 = arith.constant 0 : i32
      %dma_start3A_508 = tpu.memref_slice %arg9[%dma_start3A_500, %dma_start3A_501, %dma_start3A_507] : memref<2x5x80xi32, #tpu.memory_space<vmem>> -> memref<1x1x80xi32, #tpu.memory_space<vmem>>
      %dma_start3A_509 = tpu.memref_squeeze %dma_start3A_508 : memref<1x1x80xi32, #tpu.memory_space<vmem>> -> memref<80xi32, #tpu.memory_space<vmem>>
      %dma_start3A_510 = arith.constant 0 : i32
      %dma_start3A_511 = arith.constant 0 : i32
      %dma_start3A_512 = tpu.memref_slice %arg2[%dma_start3A_510, %dma_start3A_511] : memref<10000x128xbf16, #tpu.memory_space<hbm>> -> memref<10000x128xbf16, #tpu.memory_space<hbm>>
      tpu.enqueue_indirect_dma source(%dma_start3A_512 : memref<10000x128xbf16, #tpu.memory_space<hbm>>) target(%dma_start3A_506 : memref<80x128xbf16, #tpu.memory_space<vmem>>) offsets(%dma_start3A_509 : memref<80xi32, #tpu.memory_space<vmem>>) semaphore(%arg17 : memref<!tpu.dma_semaphore, #tpu.memory_space<semaphore_mem>>)
      %dma_wait3A_513 = arith.constant 0 : i32
      %dma_wait3A_514 = arith.constant 1 : i32
      %dma_wait3A_515 = arith.constant 1 : i32
      %dma_wait3A_516 = arith.constant 0 : i32
      %dma_wait3A_517 = arith.constant 0 : i32
      %dma_wait3A_518 = tpu.memref_slice %arg10[%dma_wait3A_515, %dma_wait3A_516, %dma_wait3A_517] : memref<5x80x128xbf16, #tpu.memory_space<vmem>> -> memref<1x80x128xbf16, #tpu.memory_space<vmem>>
      %dma_wait3A_519 = tpu.memref_squeeze %dma_wait3A_518 : memref<1x80x128xbf16, #tpu.memory_space<vmem>> -> memref<80x128xbf16, #tpu.memory_space<vmem>>
      %dma_wait3A_520 = arith.constant 0 : i32
      %dma_wait3A_521 = tpu.memref_slice %arg9[%dma_wait3A_513, %dma_wait3A_514, %dma_wait3A_520] : memref<2x5x80xi32, #tpu.memory_space<vmem>> -> memref<1x1x80xi32, #tpu.memory_space<vmem>>
      %dma_wait3A_522 = tpu.memref_squeeze %dma_wait3A_521 : memref<1x1x80xi32, #tpu.memory_space<vmem>> -> memref<80xi32, #tpu.memory_space<vmem>>
      %dma_wait3A_523 = arith.constant 0 : i32
      %dma_wait3A_524 = arith.constant 0 : i32
      %dma_wait3A_525 = tpu.memref_slice %arg2[%dma_wait3A_523, %dma_wait3A_524] : memref<10000x128xbf16, #tpu.memory_space<hbm>> -> memref<10000x128xbf16, #tpu.memory_space<hbm>>
      tpu.wait_indirect_dma semaphore(%arg16 : memref<!tpu.dma_semaphore, #tpu.memory_space<semaphore_mem>>) src(%dma_wait3A_525 : memref<10000x128xbf16, #tpu.memory_space<hbm>>) dst(%dma_wait3A_519 : memref<80x128xbf16, #tpu.memory_space<vmem>>)
      %dma_start3A_526 = arith.constant 1 : i32
      %dma_start3A_527 = arith.constant 1 : i32
      %dma_start3A_528 = arith.constant 1 : i32
      %dma_start3A_529 = arith.constant 0 : i32
      %dma_start3A_530 = arith.constant 0 : i32
      %dma_start3A_531 = tpu.memref_slice %arg10[%dma_start3A_526, %dma_start3A_529, %dma_start3A_530] : memref<5x80x128xbf16, #tpu.memory_space<vmem>> -> memref<1x80x128xbf16, #tpu.memory_space<vmem>>
      %dma_start3A_532 = tpu.memref_squeeze %dma_start3A_531 : memref<1x80x128xbf16, #tpu.memory_space<vmem>> -> memref<80x128xbf16, #tpu.memory_space<vmem>>
      %dma_start3A_533 = arith.constant 0 : i32
      %dma_start3A_534 = tpu.memref_slice %arg9[%dma_start3A_527, %dma_start3A_528, %dma_start3A_533] : memref<2x5x80xi32, #tpu.memory_space<vmem>> -> memref<1x1x80xi32, #tpu.memory_space<vmem>>
      %dma_start3A_535 = tpu.memref_squeeze %dma_start3A_534 : memref<1x1x80xi32, #tpu.memory_space<vmem>> -> memref<80xi32, #tpu.memory_space<vmem>>
      %dma_start3A_536 = arith.constant 0 : i32
      %dma_start3A_537 = arith.constant 0 : i32
      %dma_start3A_538 = tpu.memref_slice %arg6[%dma_start3A_536, %dma_start3A_537] : memref<10240x128xbf16, #tpu.memory_space<vmem_shared>> -> memref<10240x128xbf16, #tpu.memory_space<vmem_shared>>
      tpu.enqueue_indirect_dma source(%dma_start3A_532 : memref<80x128xbf16, #tpu.memory_space<vmem>>) target(%dma_start3A_538 : memref<10240x128xbf16, #tpu.memory_space<vmem_shared>>) offsets(%dma_start3A_535 : memref<80xi32, #tpu.memory_space<vmem>>) semaphore(%arg21 : memref<!tpu.dma_semaphore, #tpu.memory_space<semaphore_mem>>) {add = true}
      %dma_start3A_539 = arith.constant 1 : i32
      %dma_start3A_540 = arith.constant 1 : i32
      %dma_start3A_541 = arith.constant 0 : i32
      %dma_start3A_542 = tpu.memref_slice %arg9[%dma_start3A_539, %dma_start3A_540, %dma_start3A_541] : memref<2x5x80xi32, #tpu.memory_space<vmem>> -> memref<1x1x80xi32, #tpu.memory_space<vmem>>
      %dma_start3A_543 = tpu.memref_squeeze %dma_start3A_542 : memref<1x1x80xi32, #tpu.memory_space<vmem>> -> memref<80xi32, #tpu.memory_space<vmem>>
      %dma_start3A_544 = arith.constant 0 : i32
      %dma_start3A_545 = arith.constant 0 : i32
      %dma_start3A_546 = tpu.memref_slice %arg7[%dma_start3A_544, %dma_start3A_545] : memref<10240x16xf32, #tpu.memory_space<vmem_shared>> -> memref<10240x16xf32, #tpu.memory_space<vmem_shared>>
      tpu.enqueue_indirect_dma source(%arg12 : memref<80x16xf32, #tpu.memory_space<vmem>>) target(%dma_start3A_546 : memref<10240x16xf32, #tpu.memory_space<vmem_shared>>) offsets(%dma_start3A_543 : memref<80xi32, #tpu.memory_space<vmem>>) semaphore(%arg26 : memref<!tpu.dma_semaphore, #tpu.memory_space<semaphore_mem>>) {add = true}
      %dma_wait3A_547 = arith.constant 3 : i32
      %dma_wait3A_548 = arith.constant 1 : i32
      %dma_wait3A_549 = arith.constant 3 : i32
      %dma_wait3A_550 = arith.constant 0 : i32
      %dma_wait3A_551 = arith.constant 0 : i32
      %dma_wait3A_552 = tpu.memref_slice %arg10[%dma_wait3A_547, %dma_wait3A_550, %dma_wait3A_551] : memref<5x80x128xbf16, #tpu.memory_space<vmem>> -> memref<1x80x128xbf16, #tpu.memory_space<vmem>>
      %dma_wait3A_553 = tpu.memref_squeeze %dma_wait3A_552 : memref<1x80x128xbf16, #tpu.memory_space<vmem>> -> memref<80x128xbf16, #tpu.memory_space<vmem>>
      %dma_wait3A_554 = arith.constant 0 : i32
      %dma_wait3A_555 = tpu.memref_slice %arg8[%dma_wait3A_548, %dma_wait3A_549, %dma_wait3A_554] : memref<2x5x80xi32, #tpu.memory_space<vmem>> -> memref<1x1x80xi32, #tpu.memory_space<vmem>>
      %dma_wait3A_556 = tpu.memref_squeeze %dma_wait3A_555 : memref<1x1x80xi32, #tpu.memory_space<vmem>> -> memref<80xi32, #tpu.memory_space<vmem>>
      %dma_wait3A_557 = arith.constant 0 : i32
      %dma_wait3A_558 = arith.constant 0 : i32
      %dma_wait3A_559 = tpu.memref_slice %arg6[%dma_wait3A_557, %dma_wait3A_558] : memref<10240x128xbf16, #tpu.memory_space<vmem_shared>> -> memref<10240x128xbf16, #tpu.memory_space<vmem_shared>>
      tpu.wait_indirect_dma semaphore(%arg23 : memref<!tpu.dma_semaphore, #tpu.memory_space<semaphore_mem>>) src(%dma_wait3A_553 : memref<80x128xbf16, #tpu.memory_space<vmem>>) dst(%dma_wait3A_559 : memref<10240x128xbf16, #tpu.memory_space<vmem_shared>>)
      %dma_wait3A_560 = arith.constant 1 : i32
      %dma_wait3A_561 = arith.constant 3 : i32
      %dma_wait3A_562 = arith.constant 0 : i32
      %dma_wait3A_563 = tpu.memref_slice %arg8[%dma_wait3A_560, %dma_wait3A_561, %dma_wait3A_562] : memref<2x5x80xi32, #tpu.memory_space<vmem>> -> memref<1x1x80xi32, #tpu.memory_space<vmem>>
      %dma_wait3A_564 = tpu.memref_squeeze %dma_wait3A_563 : memref<1x1x80xi32, #tpu.memory_space<vmem>> -> memref<80xi32, #tpu.memory_space<vmem>>
      %dma_wait3A_565 = arith.constant 0 : i32
      %dma_wait3A_566 = arith.constant 0 : i32
      %dma_wait3A_567 = tpu.memref_slice %arg7[%dma_wait3A_565, %dma_wait3A_566] : memref<10240x16xf32, #tpu.memory_space<vmem_shared>> -> memref<10240x16xf32, #tpu.memory_space<vmem_shared>>
      tpu.wait_indirect_dma semaphore(%arg28 : memref<!tpu.dma_semaphore, #tpu.memory_space<semaphore_mem>>) src(%arg12 : memref<80x16xf32, #tpu.memory_space<vmem>>) dst(%dma_wait3A_567 : memref<10240x16xf32, #tpu.memory_space<vmem_shared>>)
      %dma_start3A_568 = arith.constant 0 : i32
      %dma_start3A_569 = arith.constant 3 : i32
      %dma_start3A_570 = arith.constant 3 : i32
      %dma_start3A_571 = arith.constant 0 : i32
      %dma_start3A_572 = arith.constant 0 : i32
      %dma_start3A_573 = tpu.memref_slice %arg10[%dma_start3A_570, %dma_start3A_571, %dma_start3A_572] : memref<5x80x128xbf16, #tpu.memory_space<vmem>> -> memref<1x80x128xbf16, #tpu.memory_space<vmem>>
      %dma_start3A_574 = tpu.memref_squeeze %dma_start3A_573 : memref<1x80x128xbf16, #tpu.memory_space<vmem>> -> memref<80x128xbf16, #tpu.memory_space<vmem>>
      %dma_start3A_575 = arith.constant 0 : i32
      %dma_start3A_576 = tpu.memref_slice %arg9[%dma_start3A_568, %dma_start3A_569, %dma_start3A_575] : memref<2x5x80xi32, #tpu.memory_space<vmem>> -> memref<1x1x80xi32, #tpu.memory_space<vmem>>
      %dma_start3A_577 = tpu.memref_squeeze %dma_start3A_576 : memref<1x1x80xi32, #tpu.memory_space<vmem>> -> memref<80xi32, #tpu.memory_space<vmem>>
      %dma_start3A_578 = arith.constant 0 : i32
      %dma_start3A_579 = arith.constant 0 : i32
      %dma_start3A_580 = tpu.memref_slice %arg2[%dma_start3A_578, %dma_start3A_579] : memref<10000x128xbf16, #tpu.memory_space<hbm>> -> memref<10000x128xbf16, #tpu.memory_space<hbm>>
      tpu.enqueue_indirect_dma source(%dma_start3A_580 : memref<10000x128xbf16, #tpu.memory_space<hbm>>) target(%dma_start3A_574 : memref<80x128xbf16, #tpu.memory_space<vmem>>) offsets(%dma_start3A_577 : memref<80xi32, #tpu.memory_space<vmem>>) semaphore(%arg18 : memref<!tpu.dma_semaphore, #tpu.memory_space<semaphore_mem>>)
      %dma_wait3A_581 = arith.constant 0 : i32
      %dma_wait3A_582 = arith.constant 2 : i32
      %dma_wait3A_583 = arith.constant 2 : i32
      %dma_wait3A_584 = arith.constant 0 : i32
      %dma_wait3A_585 = arith.constant 0 : i32
      %dma_wait3A_586 = tpu.memref_slice %arg10[%dma_wait3A_583, %dma_wait3A_584, %dma_wait3A_585] : memref<5x80x128xbf16, #tpu.memory_space<vmem>> -> memref<1x80x128xbf16, #tpu.memory_space<vmem>>
      %dma_wait3A_587 = tpu.memref_squeeze %dma_wait3A_586 : memref<1x80x128xbf16, #tpu.memory_space<vmem>> -> memref<80x128xbf16, #tpu.memory_space<vmem>>
      %dma_wait3A_588 = arith.constant 0 : i32
      %dma_wait3A_589 = tpu.memref_slice %arg9[%dma_wait3A_581, %dma_wait3A_582, %dma_wait3A_588] : memref<2x5x80xi32, #tpu.memory_space<vmem>> -> memref<1x1x80xi32, #tpu.memory_space<vmem>>
      %dma_wait3A_590 = tpu.memref_squeeze %dma_wait3A_589 : memref<1x1x80xi32, #tpu.memory_space<vmem>> -> memref<80xi32, #tpu.memory_space<vmem>>
      %dma_wait3A_591 = arith.constant 0 : i32
      %dma_wait3A_592 = arith.constant 0 : i32
      %dma_wait3A_593 = tpu.memref_slice %arg2[%dma_wait3A_591, %dma_wait3A_592] : memref<10000x128xbf16, #tpu.memory_space<hbm>> -> memref<10000x128xbf16, #tpu.memory_space<hbm>>
      tpu.wait_indirect_dma semaphore(%arg17 : memref<!tpu.dma_semaphore, #tpu.memory_space<semaphore_mem>>) src(%dma_wait3A_593 : memref<10000x128xbf16, #tpu.memory_space<hbm>>) dst(%dma_wait3A_587 : memref<80x128xbf16, #tpu.memory_space<vmem>>)
      %dma_start3A_594 = arith.constant 2 : i32
      %dma_start3A_595 = arith.constant 1 : i32
      %dma_start3A_596 = arith.constant 2 : i32
      %dma_start3A_597 = arith.constant 0 : i32
      %dma_start3A_598 = arith.constant 0 : i32
      %dma_start3A_599 = tpu.memref_slice %arg10[%dma_start3A_594, %dma_start3A_597, %dma_start3A_598] : memref<5x80x128xbf16, #tpu.memory_space<vmem>> -> memref<1x80x128xbf16, #tpu.memory_space<vmem>>
      %dma_start3A_600 = tpu.memref_squeeze %dma_start3A_599 : memref<1x80x128xbf16, #tpu.memory_space<vmem>> -> memref<80x128xbf16, #tpu.memory_space<vmem>>
      %dma_start3A_601 = arith.constant 0 : i32
      %dma_start3A_602 = tpu.memref_slice %arg9[%dma_start3A_595, %dma_start3A_596, %dma_start3A_601] : memref<2x5x80xi32, #tpu.memory_space<vmem>> -> memref<1x1x80xi32, #tpu.memory_space<vmem>>
      %dma_start3A_603 = tpu.memref_squeeze %dma_start3A_602 : memref<1x1x80xi32, #tpu.memory_space<vmem>> -> memref<80xi32, #tpu.memory_space<vmem>>
      %dma_start3A_604 = arith.constant 0 : i32
      %dma_start3A_605 = arith.constant 0 : i32
      %dma_start3A_606 = tpu.memref_slice %arg6[%dma_start3A_604, %dma_start3A_605] : memref<10240x128xbf16, #tpu.memory_space<vmem_shared>> -> memref<10240x128xbf16, #tpu.memory_space<vmem_shared>>
      tpu.enqueue_indirect_dma source(%dma_start3A_600 : memref<80x128xbf16, #tpu.memory_space<vmem>>) target(%dma_start3A_606 : memref<10240x128xbf16, #tpu.memory_space<vmem_shared>>) offsets(%dma_start3A_603 : memref<80xi32, #tpu.memory_space<vmem>>) semaphore(%arg22 : memref<!tpu.dma_semaphore, #tpu.memory_space<semaphore_mem>>) {add = true}
      %dma_start3A_607 = arith.constant 1 : i32
      %dma_start3A_608 = arith.constant 2 : i32
      %dma_start3A_609 = arith.constant 0 : i32
      %dma_start3A_610 = tpu.memref_slice %arg9[%dma_start3A_607, %dma_start3A_608, %dma_start3A_609] : memref<2x5x80xi32, #tpu.memory_space<vmem>> -> memref<1x1x80xi32, #tpu.memory_space<vmem>>
      %dma_start3A_611 = tpu.memref_squeeze %dma_start3A_610 : memref<1x1x80xi32, #tpu.memory_space<vmem>> -> memref<80xi32, #tpu.memory_space<vmem>>
      %dma_start3A_612 = arith.constant 0 : i32
      %dma_start3A_613 = arith.constant 0 : i32
      %dma_start3A_614 = tpu.memref_slice %arg7[%dma_start3A_612, %dma_start3A_613] : memref<10240x16xf32, #tpu.memory_space<vmem_shared>> -> memref<10240x16xf32, #tpu.memory_space<vmem_shared>>
      tpu.enqueue_indirect_dma source(%arg12 : memref<80x16xf32, #tpu.memory_space<vmem>>) target(%dma_start3A_614 : memref<10240x16xf32, #tpu.memory_space<vmem_shared>>) offsets(%dma_start3A_611 : memref<80xi32, #tpu.memory_space<vmem>>) semaphore(%arg27 : memref<!tpu.dma_semaphore, #tpu.memory_space<semaphore_mem>>) {add = true}
      %dma_wait3A_615 = arith.constant 4 : i32
      %dma_wait3A_616 = arith.constant 1 : i32
      %dma_wait3A_617 = arith.constant 4 : i32
      %dma_wait3A_618 = arith.constant 0 : i32
      %dma_wait3A_619 = arith.constant 0 : i32
      %dma_wait3A_620 = tpu.memref_slice %arg10[%dma_wait3A_615, %dma_wait3A_618, %dma_wait3A_619] : memref<5x80x128xbf16, #tpu.memory_space<vmem>> -> memref<1x80x128xbf16, #tpu.memory_space<vmem>>
      %dma_wait3A_621 = tpu.memref_squeeze %dma_wait3A_620 : memref<1x80x128xbf16, #tpu.memory_space<vmem>> -> memref<80x128xbf16, #tpu.memory_space<vmem>>
      %dma_wait3A_622 = arith.constant 0 : i32
      %dma_wait3A_623 = tpu.memref_slice %arg8[%dma_wait3A_616, %dma_wait3A_617, %dma_wait3A_622] : memref<2x5x80xi32, #tpu.memory_space<vmem>> -> memref<1x1x80xi32, #tpu.memory_space<vmem>>
      %dma_wait3A_624 = tpu.memref_squeeze %dma_wait3A_623 : memref<1x1x80xi32, #tpu.memory_space<vmem>> -> memref<80xi32, #tpu.memory_space<vmem>>
      %dma_wait3A_625 = arith.constant 0 : i32
      %dma_wait3A_626 = arith.constant 0 : i32
      %dma_wait3A_627 = tpu.memref_slice %arg6[%dma_wait3A_625, %dma_wait3A_626] : memref<10240x128xbf16, #tpu.memory_space<vmem_shared>> -> memref<10240x128xbf16, #tpu.memory_space<vmem_shared>>
      tpu.wait_indirect_dma semaphore(%arg24 : memref<!tpu.dma_semaphore, #tpu.memory_space<semaphore_mem>>) src(%dma_wait3A_621 : memref<80x128xbf16, #tpu.memory_space<vmem>>) dst(%dma_wait3A_627 : memref<10240x128xbf16, #tpu.memory_space<vmem_shared>>)
      %dma_wait3A_628 = arith.constant 1 : i32
      %dma_wait3A_629 = arith.constant 4 : i32
      %dma_wait3A_630 = arith.constant 0 : i32
      %dma_wait3A_631 = tpu.memref_slice %arg8[%dma_wait3A_628, %dma_wait3A_629, %dma_wait3A_630] : memref<2x5x80xi32, #tpu.memory_space<vmem>> -> memref<1x1x80xi32, #tpu.memory_space<vmem>>
      %dma_wait3A_632 = tpu.memref_squeeze %dma_wait3A_631 : memref<1x1x80xi32, #tpu.memory_space<vmem>> -> memref<80xi32, #tpu.memory_space<vmem>>
      %dma_wait3A_633 = arith.constant 0 : i32
      %dma_wait3A_634 = arith.constant 0 : i32
      %dma_wait3A_635 = tpu.memref_slice %arg7[%dma_wait3A_633, %dma_wait3A_634] : memref<10240x16xf32, #tpu.memory_space<vmem_shared>> -> memref<10240x16xf32, #tpu.memory_space<vmem_shared>>
      tpu.wait_indirect_dma semaphore(%arg29 : memref<!tpu.dma_semaphore, #tpu.memory_space<semaphore_mem>>) src(%arg12 : memref<80x16xf32, #tpu.memory_space<vmem>>) dst(%dma_wait3A_635 : memref<10240x16xf32, #tpu.memory_space<vmem_shared>>)
      %mul3A_636 = arith.constant 2 : i32
      %mul3A_637 = arith.muli %mul3A_636, %scan3A_443 : i32
      %add3A_638 = arith.constant 2 : i32
      %add3A_639 = arith.addi %mul3A_637, %add3A_638 : i32
      %mul3A_640 = arith.constant 5 : i32
      %mul3A_641 = arith.muli %add3A_639, %mul3A_640 : i32
      %add3A_642 = arith.addi %mul3A_52, %mul3A_641 : i32
      %dma_start3A_643 = arith.constant 0 : i32
      %dma_start3A_644 = arith.constant 0 : i32
      %dma_start3A_645 = tpu.memref_slice %arg3[%dma_start3A_643, %add3A_642, %dma_start3A_644] : memref<2x4000x80xi32, #tpu.memory_space<hbm>> -> memref<2x5x80xi32, #tpu.memory_space<hbm>>
      %dma_start3A_646 = arith.constant 0 : i32
      %dma_start3A_647 = arith.constant 0 : i32
      %dma_start3A_648 = tpu.memref_slice %arg3[%dma_start3A_646, %add3A_642, %dma_start3A_647] : memref<2x4000x80xi32, #tpu.memory_space<hbm>> -> memref<2x5x80xi32, #tpu.memory_space<hbm>>
      tpu.enqueue_dma source(%dma_start3A_648 : memref<2x5x80xi32, #tpu.memory_space<hbm>>) target(%arg8 : memref<2x5x80xi32, #tpu.memory_space<vmem>>) target_semaphore(%arg13 : memref<!tpu.dma_semaphore, #tpu.memory_space<semaphore_mem>>)
      %dma_start3A_649 = arith.constant 0 : i32
      %dma_start3A_650 = arith.constant 4 : i32
      %dma_start3A_651 = arith.constant 4 : i32
      %dma_start3A_652 = arith.constant 0 : i32
      %dma_start3A_653 = arith.constant 0 : i32
      %dma_start3A_654 = tpu.memref_slice %arg10[%dma_start3A_651, %dma_start3A_652, %dma_start3A_653] : memref<5x80x128xbf16, #tpu.memory_space<vmem>> -> memref<1x80x128xbf16, #tpu.memory_space<vmem>>
      %dma_start3A_655 = tpu.memref_squeeze %dma_start3A_654 : memref<1x80x128xbf16, #tpu.memory_space<vmem>> -> memref<80x128xbf16, #tpu.memory_space<vmem>>
      %dma_start3A_656 = arith.constant 0 : i32
      %dma_start3A_657 = tpu.memref_slice %arg9[%dma_start3A_649, %dma_start3A_650, %dma_start3A_656] : memref<2x5x80xi32, #tpu.memory_space<vmem>> -> memref<1x1x80xi32, #tpu.memory_space<vmem>>
      %dma_start3A_658 = tpu.memref_squeeze %dma_start3A_657 : memref<1x1x80xi32, #tpu.memory_space<vmem>> -> memref<80xi32, #tpu.memory_space<vmem>>
      %dma_start3A_659 = arith.constant 0 : i32
      %dma_start3A_660 = arith.constant 0 : i32
      %dma_start3A_661 = tpu.memref_slice %arg2[%dma_start3A_659, %dma_start3A_660] : memref<10000x128xbf16, #tpu.memory_space<hbm>> -> memref<10000x128xbf16, #tpu.memory_space<hbm>>
      tpu.enqueue_indirect_dma source(%dma_start3A_661 : memref<10000x128xbf16, #tpu.memory_space<hbm>>) target(%dma_start3A_655 : memref<80x128xbf16, #tpu.memory_space<vmem>>) offsets(%dma_start3A_658 : memref<80xi32, #tpu.memory_space<vmem>>) semaphore(%arg19 : memref<!tpu.dma_semaphore, #tpu.memory_space<semaphore_mem>>)
      %dma_wait3A_662 = arith.constant 0 : i32
      %dma_wait3A_663 = arith.constant 3 : i32
      %dma_wait3A_664 = arith.constant 3 : i32
      %dma_wait3A_665 = arith.constant 0 : i32
      %dma_wait3A_666 = arith.constant 0 : i32
      %dma_wait3A_667 = tpu.memref_slice %arg10[%dma_wait3A_664, %dma_wait3A_665, %dma_wait3A_666] : memref<5x80x128xbf16, #tpu.memory_space<vmem>> -> memref<1x80x128xbf16, #tpu.memory_space<vmem>>
      %dma_wait3A_668 = tpu.memref_squeeze %dma_wait3A_667 : memref<1x80x128xbf16, #tpu.memory_space<vmem>> -> memref<80x128xbf16, #tpu.memory_space<vmem>>
      %dma_wait3A_669 = arith.constant 0 : i32
      %dma_wait3A_670 = tpu.memref_slice %arg9[%dma_wait3A_662, %dma_wait3A_663, %dma_wait3A_669] : memref<2x5x80xi32, #tpu.memory_space<vmem>> -> memref<1x1x80xi32, #tpu.memory_space<vmem>>
      %dma_wait3A_671 = tpu.memref_squeeze %dma_wait3A_670 : memref<1x1x80xi32, #tpu.memory_space<vmem>> -> memref<80xi32, #tpu.memory_space<vmem>>
      %dma_wait3A_672 = arith.constant 0 : i32
      %dma_wait3A_673 = arith.constant 0 : i32
      %dma_wait3A_674 = tpu.memref_slice %arg2[%dma_wait3A_672, %dma_wait3A_673] : memref<10000x128xbf16, #tpu.memory_space<hbm>> -> memref<10000x128xbf16, #tpu.memory_space<hbm>>
      tpu.wait_indirect_dma semaphore(%arg18 : memref<!tpu.dma_semaphore, #tpu.memory_space<semaphore_mem>>) src(%dma_wait3A_674 : memref<10000x128xbf16, #tpu.memory_space<hbm>>) dst(%dma_wait3A_668 : memref<80x128xbf16, #tpu.memory_space<vmem>>)
      %dma_start3A_675 = arith.constant 3 : i32
      %dma_start3A_676 = arith.constant 1 : i32
      %dma_start3A_677 = arith.constant 3 : i32
      %dma_start3A_678 = arith.constant 0 : i32
      %dma_start3A_679 = arith.constant 0 : i32
      %dma_start3A_680 = tpu.memref_slice %arg10[%dma_start3A_675, %dma_start3A_678, %dma_start3A_679] : memref<5x80x128xbf16, #tpu.memory_space<vmem>> -> memref<1x80x128xbf16, #tpu.memory_space<vmem>>
      %dma_start3A_681 = tpu.memref_squeeze %dma_start3A_680 : memref<1x80x128xbf16, #tpu.memory_space<vmem>> -> memref<80x128xbf16, #tpu.memory_space<vmem>>
      %dma_start3A_682 = arith.constant 0 : i32
      %dma_start3A_683 = tpu.memref_slice %arg9[%dma_start3A_676, %dma_start3A_677, %dma_start3A_682] : memref<2x5x80xi32, #tpu.memory_space<vmem>> -> memref<1x1x80xi32, #tpu.memory_space<vmem>>
      %dma_start3A_684 = tpu.memref_squeeze %dma_start3A_683 : memref<1x1x80xi32, #tpu.memory_space<vmem>> -> memref<80xi32, #tpu.memory_space<vmem>>
      %dma_start3A_685 = arith.constant 0 : i32
      %dma_start3A_686 = arith.constant 0 : i32
      %dma_start3A_687 = tpu.memref_slice %arg6[%dma_start3A_685, %dma_start3A_686] : memref<10240x128xbf16, #tpu.memory_space<vmem_shared>> -> memref<10240x128xbf16, #tpu.memory_space<vmem_shared>>
      tpu.enqueue_indirect_dma source(%dma_start3A_681 : memref<80x128xbf16, #tpu.memory_space<vmem>>) target(%dma_start3A_687 : memref<10240x128xbf16, #tpu.memory_space<vmem_shared>>) offsets(%dma_start3A_684 : memref<80xi32, #tpu.memory_space<vmem>>) semaphore(%arg23 : memref<!tpu.dma_semaphore, #tpu.memory_space<semaphore_mem>>) {add = true}
      %dma_start3A_688 = arith.constant 1 : i32
      %dma_start3A_689 = arith.constant 3 : i32
      %dma_start3A_690 = arith.constant 0 : i32
      %dma_start3A_691 = tpu.memref_slice %arg9[%dma_start3A_688, %dma_start3A_689, %dma_start3A_690] : memref<2x5x80xi32, #tpu.memory_space<vmem>> -> memref<1x1x80xi32, #tpu.memory_space<vmem>>
      %dma_start3A_692 = tpu.memref_squeeze %dma_start3A_691 : memref<1x1x80xi32, #tpu.memory_space<vmem>> -> memref<80xi32, #tpu.memory_space<vmem>>
      %dma_start3A_693 = arith.constant 0 : i32
      %dma_start3A_694 = arith.constant 0 : i32
      %dma_start3A_695 = tpu.memref_slice %arg7[%dma_start3A_693, %dma_start3A_694] : memref<10240x16xf32, #tpu.memory_space<vmem_shared>> -> memref<10240x16xf32, #tpu.memory_space<vmem_shared>>
      tpu.enqueue_indirect_dma source(%arg12 : memref<80x16xf32, #tpu.memory_space<vmem>>) target(%dma_start3A_695 : memref<10240x16xf32, #tpu.memory_space<vmem_shared>>) offsets(%dma_start3A_692 : memref<80xi32, #tpu.memory_space<vmem>>) semaphore(%arg28 : memref<!tpu.dma_semaphore, #tpu.memory_space<semaphore_mem>>) {add = true}
      %dma_wait3A_696 = arith.constant 0 : i32
      %dma_wait3A_697 = arith.constant 1 : i32
      %dma_wait3A_698 = arith.constant 0 : i32
      %dma_wait3A_699 = arith.constant 0 : i32
      %dma_wait3A_700 = arith.constant 0 : i32
      %dma_wait3A_701 = tpu.memref_slice %arg10[%dma_wait3A_696, %dma_wait3A_699, %dma_wait3A_700] : memref<5x80x128xbf16, #tpu.memory_space<vmem>> -> memref<1x80x128xbf16, #tpu.memory_space<vmem>>
      %dma_wait3A_702 = tpu.memref_squeeze %dma_wait3A_701 : memref<1x80x128xbf16, #tpu.memory_space<vmem>> -> memref<80x128xbf16, #tpu.memory_space<vmem>>
      %dma_wait3A_703 = arith.constant 0 : i32
      %dma_wait3A_704 = tpu.memref_slice %arg9[%dma_wait3A_697, %dma_wait3A_698, %dma_wait3A_703] : memref<2x5x80xi32, #tpu.memory_space<vmem>> -> memref<1x1x80xi32, #tpu.memory_space<vmem>>
      %dma_wait3A_705 = tpu.memref_squeeze %dma_wait3A_704 : memref<1x1x80xi32, #tpu.memory_space<vmem>> -> memref<80xi32, #tpu.memory_space<vmem>>
      %dma_wait3A_706 = arith.constant 0 : i32
      %dma_wait3A_707 = arith.constant 0 : i32
      %dma_wait3A_708 = tpu.memref_slice %arg6[%dma_wait3A_706, %dma_wait3A_707] : memref<10240x128xbf16, #tpu.memory_space<vmem_shared>> -> memref<10240x128xbf16, #tpu.memory_space<vmem_shared>>
      tpu.wait_indirect_dma semaphore(%arg20 : memref<!tpu.dma_semaphore, #tpu.memory_space<semaphore_mem>>) src(%dma_wait3A_702 : memref<80x128xbf16, #tpu.memory_space<vmem>>) dst(%dma_wait3A_708 : memref<10240x128xbf16, #tpu.memory_space<vmem_shared>>)
      %dma_wait3A_709 = arith.constant 1 : i32
      %dma_wait3A_710 = arith.constant 0 : i32
      %dma_wait3A_711 = arith.constant 0 : i32
      %dma_wait3A_712 = tpu.memref_slice %arg9[%dma_wait3A_709, %dma_wait3A_710, %dma_wait3A_711] : memref<2x5x80xi32, #tpu.memory_space<vmem>> -> memref<1x1x80xi32, #tpu.memory_space<vmem>>
      %dma_wait3A_713 = tpu.memref_squeeze %dma_wait3A_712 : memref<1x1x80xi32, #tpu.memory_space<vmem>> -> memref<80xi32, #tpu.memory_space<vmem>>
      %dma_wait3A_714 = arith.constant 0 : i32
      %dma_wait3A_715 = arith.constant 0 : i32
      %dma_wait3A_716 = tpu.memref_slice %arg7[%dma_wait3A_714, %dma_wait3A_715] : memref<10240x16xf32, #tpu.memory_space<vmem_shared>> -> memref<10240x16xf32, #tpu.memory_space<vmem_shared>>
      tpu.wait_indirect_dma semaphore(%arg25 : memref<!tpu.dma_semaphore, #tpu.memory_space<semaphore_mem>>) src(%arg12 : memref<80x16xf32, #tpu.memory_space<vmem>>) dst(%dma_wait3A_716 : memref<10240x16xf32, #tpu.memory_space<vmem_shared>>)
      %mul3A_717 = arith.constant 2 : i32
      %mul3A_718 = arith.muli %mul3A_717, %scan3A_443 : i32
      %add3A_719 = arith.constant 2 : i32
      %add3A_720 = arith.addi %mul3A_718, %add3A_719 : i32
      %mul3A_721 = arith.constant 5 : i32
      %mul3A_722 = arith.muli %add3A_720, %mul3A_721 : i32
      %add3A_723 = arith.addi %mul3A_52, %mul3A_722 : i32
      %dma_wait3A_724 = arith.constant 0 : i32
      %dma_wait3A_725 = arith.constant 0 : i32
      %dma_wait3A_726 = tpu.memref_slice %arg3[%dma_wait3A_724, %add3A_723, %dma_wait3A_725] : memref<2x4000x80xi32, #tpu.memory_space<hbm>> -> memref<2x5x80xi32, #tpu.memory_space<hbm>>
      %dma_wait3A_727 = arith.constant 0 : i32
      %dma_wait3A_728 = arith.constant 0 : i32
      %dma_wait3A_729 = tpu.memref_slice %arg3[%dma_wait3A_727, %add3A_723, %dma_wait3A_728] : memref<2x4000x80xi32, #tpu.memory_space<hbm>> -> memref<2x5x80xi32, #tpu.memory_space<hbm>>
      tpu.wait_dma2 semaphore(%arg13 : memref<!tpu.dma_semaphore, #tpu.memory_space<semaphore_mem>>) src(%dma_wait3A_729 : memref<2x5x80xi32, #tpu.memory_space<hbm>>) dst(%arg8 : memref<2x5x80xi32, #tpu.memory_space<vmem>>)
      %dma_start3A_730 = arith.constant 0 : i32
      %dma_start3A_731 = arith.constant 0 : i32
      %dma_start3A_732 = arith.constant 0 : i32
      %dma_start3A_733 = arith.constant 0 : i32
      %dma_start3A_734 = arith.constant 0 : i32
      %dma_start3A_735 = tpu.memref_slice %arg10[%dma_start3A_732, %dma_start3A_733, %dma_start3A_734] : memref<5x80x128xbf16, #tpu.memory_space<vmem>> -> memref<1x80x128xbf16, #tpu.memory_space<vmem>>
      %dma_start3A_736 = tpu.memref_squeeze %dma_start3A_735 : memref<1x80x128xbf16, #tpu.memory_space<vmem>> -> memref<80x128xbf16, #tpu.memory_space<vmem>>
      %dma_start3A_737 = arith.constant 0 : i32
      %dma_start3A_738 = tpu.memref_slice %arg8[%dma_start3A_730, %dma_start3A_731, %dma_start3A_737] : memref<2x5x80xi32, #tpu.memory_space<vmem>> -> memref<1x1x80xi32, #tpu.memory_space<vmem>>
      %dma_start3A_739 = tpu.memref_squeeze %dma_start3A_738 : memref<1x1x80xi32, #tpu.memory_space<vmem>> -> memref<80xi32, #tpu.memory_space<vmem>>
      %dma_start3A_740 = arith.constant 0 : i32
      %dma_start3A_741 = arith.constant 0 : i32
      %dma_start3A_742 = tpu.memref_slice %arg2[%dma_start3A_740, %dma_start3A_741] : memref<10000x128xbf16, #tpu.memory_space<hbm>> -> memref<10000x128xbf16, #tpu.memory_space<hbm>>
      tpu.enqueue_indirect_dma source(%dma_start3A_742 : memref<10000x128xbf16, #tpu.memory_space<hbm>>) target(%dma_start3A_736 : memref<80x128xbf16, #tpu.memory_space<vmem>>) offsets(%dma_start3A_739 : memref<80xi32, #tpu.memory_space<vmem>>) semaphore(%arg15 : memref<!tpu.dma_semaphore, #tpu.memory_space<semaphore_mem>>)
      %dma_wait3A_743 = arith.constant 0 : i32
      %dma_wait3A_744 = arith.constant 4 : i32
      %dma_wait3A_745 = arith.constant 4 : i32
      %dma_wait3A_746 = arith.constant 0 : i32
      %dma_wait3A_747 = arith.constant 0 : i32
      %dma_wait3A_748 = tpu.memref_slice %arg10[%dma_wait3A_745, %dma_wait3A_746, %dma_wait3A_747] : memref<5x80x128xbf16, #tpu.memory_space<vmem>> -> memref<1x80x128xbf16, #tpu.memory_space<vmem>>
      %dma_wait3A_749 = tpu.memref_squeeze %dma_wait3A_748 : memref<1x80x128xbf16, #tpu.memory_space<vmem>> -> memref<80x128xbf16, #tpu.memory_space<vmem>>
      %dma_wait3A_750 = arith.constant 0 : i32
      %dma_wait3A_751 = tpu.memref_slice %arg9[%dma_wait3A_743, %dma_wait3A_744, %dma_wait3A_750] : memref<2x5x80xi32, #tpu.memory_space<vmem>> -> memref<1x1x80xi32, #tpu.memory_space<vmem>>
      %dma_wait3A_752 = tpu.memref_squeeze %dma_wait3A_751 : memref<1x1x80xi32, #tpu.memory_space<vmem>> -> memref<80xi32, #tpu.memory_space<vmem>>
      %dma_wait3A_753 = arith.constant 0 : i32
      %dma_wait3A_754 = arith.constant 0 : i32
      %dma_wait3A_755 = tpu.memref_slice %arg2[%dma_wait3A_753, %dma_wait3A_754] : memref<10000x128xbf16, #tpu.memory_space<hbm>> -> memref<10000x128xbf16, #tpu.memory_space<hbm>>
      tpu.wait_indirect_dma semaphore(%arg19 : memref<!tpu.dma_semaphore, #tpu.memory_space<semaphore_mem>>) src(%dma_wait3A_755 : memref<10000x128xbf16, #tpu.memory_space<hbm>>) dst(%dma_wait3A_749 : memref<80x128xbf16, #tpu.memory_space<vmem>>)
      %dma_start3A_756 = arith.constant 4 : i32
      %dma_start3A_757 = arith.constant 1 : i32
      %dma_start3A_758 = arith.constant 4 : i32
      %dma_start3A_759 = arith.constant 0 : i32
      %dma_start3A_760 = arith.constant 0 : i32
      %dma_start3A_761 = tpu.memref_slice %arg10[%dma_start3A_756, %dma_start3A_759, %dma_start3A_760] : memref<5x80x128xbf16, #tpu.memory_space<vmem>> -> memref<1x80x128xbf16, #tpu.memory_space<vmem>>
      %dma_start3A_762 = tpu.memref_squeeze %dma_start3A_761 : memref<1x80x128xbf16, #tpu.memory_space<vmem>> -> memref<80x128xbf16, #tpu.memory_space<vmem>>
      %dma_start3A_763 = arith.constant 0 : i32
      %dma_start3A_764 = tpu.memref_slice %arg9[%dma_start3A_757, %dma_start3A_758, %dma_start3A_763] : memref<2x5x80xi32, #tpu.memory_space<vmem>> -> memref<1x1x80xi32, #tpu.memory_space<vmem>>
      %dma_start3A_765 = tpu.memref_squeeze %dma_start3A_764 : memref<1x1x80xi32, #tpu.memory_space<vmem>> -> memref<80xi32, #tpu.memory_space<vmem>>
      %dma_start3A_766 = arith.constant 0 : i32
      %dma_start3A_767 = arith.constant 0 : i32
      %dma_start3A_768 = tpu.memref_slice %arg6[%dma_start3A_766, %dma_start3A_767] : memref<10240x128xbf16, #tpu.memory_space<vmem_shared>> -> memref<10240x128xbf16, #tpu.memory_space<vmem_shared>>
      tpu.enqueue_indirect_dma source(%dma_start3A_762 : memref<80x128xbf16, #tpu.memory_space<vmem>>) target(%dma_start3A_768 : memref<10240x128xbf16, #tpu.memory_space<vmem_shared>>) offsets(%dma_start3A_765 : memref<80xi32, #tpu.memory_space<vmem>>) semaphore(%arg24 : memref<!tpu.dma_semaphore, #tpu.memory_space<semaphore_mem>>) {add = true}
      %dma_start3A_769 = arith.constant 1 : i32
      %dma_start3A_770 = arith.constant 4 : i32
      %dma_start3A_771 = arith.constant 0 : i32
      %dma_start3A_772 = tpu.memref_slice %arg9[%dma_start3A_769, %dma_start3A_770, %dma_start3A_771] : memref<2x5x80xi32, #tpu.memory_space<vmem>> -> memref<1x1x80xi32, #tpu.memory_space<vmem>>
      %dma_start3A_773 = tpu.memref_squeeze %dma_start3A_772 : memref<1x1x80xi32, #tpu.memory_space<vmem>> -> memref<80xi32, #tpu.memory_space<vmem>>
      %dma_start3A_774 = arith.constant 0 : i32
      %dma_start3A_775 = arith.constant 0 : i32
      %dma_start3A_776 = tpu.memref_slice %arg7[%dma_start3A_774, %dma_start3A_775] : memref<10240x16xf32, #tpu.memory_space<vmem_shared>> -> memref<10240x16xf32, #tpu.memory_space<vmem_shared>>
      tpu.enqueue_indirect_dma source(%arg12 : memref<80x16xf32, #tpu.memory_space<vmem>>) target(%dma_start3A_776 : memref<10240x16xf32, #tpu.memory_space<vmem_shared>>) offsets(%dma_start3A_773 : memref<80xi32, #tpu.memory_space<vmem>>) semaphore(%arg29 : memref<!tpu.dma_semaphore, #tpu.memory_space<semaphore_mem>>) {add = true}
      %dma_wait3A_777 = arith.constant 1 : i32
      %dma_wait3A_778 = arith.constant 1 : i32
      %dma_wait3A_779 = arith.constant 1 : i32
      %dma_wait3A_780 = arith.constant 0 : i32
      %dma_wait3A_781 = arith.constant 0 : i32
      %dma_wait3A_782 = tpu.memref_slice %arg10[%dma_wait3A_777, %dma_wait3A_780, %dma_wait3A_781] : memref<5x80x128xbf16, #tpu.memory_space<vmem>> -> memref<1x80x128xbf16, #tpu.memory_space<vmem>>
      %dma_wait3A_783 = tpu.memref_squeeze %dma_wait3A_782 : memref<1x80x128xbf16, #tpu.memory_space<vmem>> -> memref<80x128xbf16, #tpu.memory_space<vmem>>
      %dma_wait3A_784 = arith.constant 0 : i32
      %dma_wait3A_785 = tpu.memref_slice %arg9[%dma_wait3A_778, %dma_wait3A_779, %dma_wait3A_784] : memref<2x5x80xi32, #tpu.memory_space<vmem>> -> memref<1x1x80xi32, #tpu.memory_space<vmem>>
      %dma_wait3A_786 = tpu.memref_squeeze %dma_wait3A_785 : memref<1x1x80xi32, #tpu.memory_space<vmem>> -> memref<80xi32, #tpu.memory_space<vmem>>
      %dma_wait3A_787 = arith.constant 0 : i32
      %dma_wait3A_788 = arith.constant 0 : i32
      %dma_wait3A_789 = tpu.memref_slice %arg6[%dma_wait3A_787, %dma_wait3A_788] : memref<10240x128xbf16, #tpu.memory_space<vmem_shared>> -> memref<10240x128xbf16, #tpu.memory_space<vmem_shared>>
      tpu.wait_indirect_dma semaphore(%arg21 : memref<!tpu.dma_semaphore, #tpu.memory_space<semaphore_mem>>) src(%dma_wait3A_783 : memref<80x128xbf16, #tpu.memory_space<vmem>>) dst(%dma_wait3A_789 : memref<10240x128xbf16, #tpu.memory_space<vmem_shared>>)
      %dma_wait3A_790 = arith.constant 1 : i32
      %dma_wait3A_791 = arith.constant 1 : i32
      %dma_wait3A_792 = arith.constant 0 : i32
      %dma_wait3A_793 = tpu.memref_slice %arg9[%dma_wait3A_790, %dma_wait3A_791, %dma_wait3A_792] : memref<2x5x80xi32, #tpu.memory_space<vmem>> -> memref<1x1x80xi32, #tpu.memory_space<vmem>>
      %dma_wait3A_794 = tpu.memref_squeeze %dma_wait3A_793 : memref<1x1x80xi32, #tpu.memory_space<vmem>> -> memref<80xi32, #tpu.memory_space<vmem>>
      %dma_wait3A_795 = arith.constant 0 : i32
      %dma_wait3A_796 = arith.constant 0 : i32
      %dma_wait3A_797 = tpu.memref_slice %arg7[%dma_wait3A_795, %dma_wait3A_796] : memref<10240x16xf32, #tpu.memory_space<vmem_shared>> -> memref<10240x16xf32, #tpu.memory_space<vmem_shared>>
      tpu.wait_indirect_dma semaphore(%arg26 : memref<!tpu.dma_semaphore, #tpu.memory_space<semaphore_mem>>) src(%arg12 : memref<80x16xf32, #tpu.memory_space<vmem>>) dst(%dma_wait3A_797 : memref<10240x16xf32, #tpu.memory_space<vmem_shared>>)
      %dma_start3A_798 = arith.constant 0 : i32
      %dma_start3A_799 = arith.constant 1 : i32
      %dma_start3A_800 = arith.constant 1 : i32
      %dma_start3A_801 = arith.constant 0 : i32
      %dma_start3A_802 = arith.constant 0 : i32
      %dma_start3A_803 = tpu.memref_slice %arg10[%dma_start3A_800, %dma_start3A_801, %dma_start3A_802] : memref<5x80x128xbf16, #tpu.memory_space<vmem>> -> memref<1x80x128xbf16, #tpu.memory_space<vmem>>
      %dma_start3A_804 = tpu.memref_squeeze %dma_start3A_803 : memref<1x80x128xbf16, #tpu.memory_space<vmem>> -> memref<80x128xbf16, #tpu.memory_space<vmem>>
      %dma_start3A_805 = arith.constant 0 : i32
      %dma_start3A_806 = tpu.memref_slice %arg8[%dma_start3A_798, %dma_start3A_799, %dma_start3A_805] : memref<2x5x80xi32, #tpu.memory_space<vmem>> -> memref<1x1x80xi32, #tpu.memory_space<vmem>>
      %dma_start3A_807 = tpu.memref_squeeze %dma_start3A_806 : memref<1x1x80xi32, #tpu.memory_space<vmem>> -> memref<80xi32, #tpu.memory_space<vmem>>
      %dma_start3A_808 = arith.constant 0 : i32
      %dma_start3A_809 = arith.constant 0 : i32
      %dma_start3A_810 = tpu.memref_slice %arg2[%dma_start3A_808, %dma_start3A_809] : memref<10000x128xbf16, #tpu.memory_space<hbm>> -> memref<10000x128xbf16, #tpu.memory_space<hbm>>
      tpu.enqueue_indirect_dma source(%dma_start3A_810 : memref<10000x128xbf16, #tpu.memory_space<hbm>>) target(%dma_start3A_804 : memref<80x128xbf16, #tpu.memory_space<vmem>>) offsets(%dma_start3A_807 : memref<80xi32, #tpu.memory_space<vmem>>) semaphore(%arg16 : memref<!tpu.dma_semaphore, #tpu.memory_space<semaphore_mem>>)
      %dma_wait3A_811 = arith.constant 0 : i32
      %dma_wait3A_812 = arith.constant 0 : i32
      %dma_wait3A_813 = arith.constant 0 : i32
      %dma_wait3A_814 = arith.constant 0 : i32
      %dma_wait3A_815 = arith.constant 0 : i32
      %dma_wait3A_816 = tpu.memref_slice %arg10[%dma_wait3A_813, %dma_wait3A_814, %dma_wait3A_815] : memref<5x80x128xbf16, #tpu.memory_space<vmem>> -> memref<1x80x128xbf16, #tpu.memory_space<vmem>>
      %dma_wait3A_817 = tpu.memref_squeeze %dma_wait3A_816 : memref<1x80x128xbf16, #tpu.memory_space<vmem>> -> memref<80x128xbf16, #tpu.memory_space<vmem>>
      %dma_wait3A_818 = arith.constant 0 : i32
      %dma_wait3A_819 = tpu.memref_slice %arg8[%dma_wait3A_811, %dma_wait3A_812, %dma_wait3A_818] : memref<2x5x80xi32, #tpu.memory_space<vmem>> -> memref<1x1x80xi32, #tpu.memory_space<vmem>>
      %dma_wait3A_820 = tpu.memref_squeeze %dma_wait3A_819 : memref<1x1x80xi32, #tpu.memory_space<vmem>> -> memref<80xi32, #tpu.memory_space<vmem>>
      %dma_wait3A_821 = arith.constant 0 : i32
      %dma_wait3A_822 = arith.constant 0 : i32
      %dma_wait3A_823 = tpu.memref_slice %arg2[%dma_wait3A_821, %dma_wait3A_822] : memref<10000x128xbf16, #tpu.memory_space<hbm>> -> memref<10000x128xbf16, #tpu.memory_space<hbm>>
      tpu.wait_indirect_dma semaphore(%arg15 : memref<!tpu.dma_semaphore, #tpu.memory_space<semaphore_mem>>) src(%dma_wait3A_823 : memref<10000x128xbf16, #tpu.memory_space<hbm>>) dst(%dma_wait3A_817 : memref<80x128xbf16, #tpu.memory_space<vmem>>)
      %dma_start3A_824 = arith.constant 0 : i32
      %dma_start3A_825 = arith.constant 1 : i32
      %dma_start3A_826 = arith.constant 0 : i32
      %dma_start3A_827 = arith.constant 0 : i32
      %dma_start3A_828 = arith.constant 0 : i32
      %dma_start3A_829 = tpu.memref_slice %arg10[%dma_start3A_824, %dma_start3A_827, %dma_start3A_828] : memref<5x80x128xbf16, #tpu.memory_space<vmem>> -> memref<1x80x128xbf16, #tpu.memory_space<vmem>>
      %dma_start3A_830 = tpu.memref_squeeze %dma_start3A_829 : memref<1x80x128xbf16, #tpu.memory_space<vmem>> -> memref<80x128xbf16, #tpu.memory_space<vmem>>
      %dma_start3A_831 = arith.constant 0 : i32
      %dma_start3A_832 = tpu.memref_slice %arg8[%dma_start3A_825, %dma_start3A_826, %dma_start3A_831] : memref<2x5x80xi32, #tpu.memory_space<vmem>> -> memref<1x1x80xi32, #tpu.memory_space<vmem>>
      %dma_start3A_833 = tpu.memref_squeeze %dma_start3A_832 : memref<1x1x80xi32, #tpu.memory_space<vmem>> -> memref<80xi32, #tpu.memory_space<vmem>>
      %dma_start3A_834 = arith.constant 0 : i32
      %dma_start3A_835 = arith.constant 0 : i32
      %dma_start3A_836 = tpu.memref_slice %arg6[%dma_start3A_834, %dma_start3A_835] : memref<10240x128xbf16, #tpu.memory_space<vmem_shared>> -> memref<10240x128xbf16, #tpu.memory_space<vmem_shared>>
      tpu.enqueue_indirect_dma source(%dma_start3A_830 : memref<80x128xbf16, #tpu.memory_space<vmem>>) target(%dma_start3A_836 : memref<10240x128xbf16, #tpu.memory_space<vmem_shared>>) offsets(%dma_start3A_833 : memref<80xi32, #tpu.memory_space<vmem>>) semaphore(%arg20 : memref<!tpu.dma_semaphore, #tpu.memory_space<semaphore_mem>>) {add = true}
      %dma_start3A_837 = arith.constant 1 : i32
      %dma_start3A_838 = arith.constant 0 : i32
      %dma_start3A_839 = arith.constant 0 : i32
      %dma_start3A_840 = tpu.memref_slice %arg8[%dma_start3A_837, %dma_start3A_838, %dma_start3A_839] : memref<2x5x80xi32, #tpu.memory_space<vmem>> -> memref<1x1x80xi32, #tpu.memory_space<vmem>>
      %dma_start3A_841 = tpu.memref_squeeze %dma_start3A_840 : memref<1x1x80xi32, #tpu.memory_space<vmem>> -> memref<80xi32, #tpu.memory_space<vmem>>
      %dma_start3A_842 = arith.constant 0 : i32
      %dma_start3A_843 = arith.constant 0 : i32
      %dma_start3A_844 = tpu.memref_slice %arg7[%dma_start3A_842, %dma_start3A_843] : memref<10240x16xf32, #tpu.memory_space<vmem_shared>> -> memref<10240x16xf32, #tpu.memory_space<vmem_shared>>
      tpu.enqueue_indirect_dma source(%arg12 : memref<80x16xf32, #tpu.memory_space<vmem>>) target(%dma_start3A_844 : memref<10240x16xf32, #tpu.memory_space<vmem_shared>>) offsets(%dma_start3A_841 : memref<80xi32, #tpu.memory_space<vmem>>) semaphore(%arg25 : memref<!tpu.dma_semaphore, #tpu.memory_space<semaphore_mem>>) {add = true}
      %dma_wait3A_845 = arith.constant 2 : i32
      %dma_wait3A_846 = arith.constant 1 : i32
      %dma_wait3A_847 = arith.constant 2 : i32
      %dma_wait3A_848 = arith.constant 0 : i32
      %dma_wait3A_849 = arith.constant 0 : i32
      %dma_wait3A_850 = tpu.memref_slice %arg10[%dma_wait3A_845, %dma_wait3A_848, %dma_wait3A_849] : memref<5x80x128xbf16, #tpu.memory_space<vmem>> -> memref<1x80x128xbf16, #tpu.memory_space<vmem>>
      %dma_wait3A_851 = tpu.memref_squeeze %dma_wait3A_850 : memref<1x80x128xbf16, #tpu.memory_space<vmem>> -> memref<80x128xbf16, #tpu.memory_space<vmem>>
      %dma_wait3A_852 = arith.constant 0 : i32
      %dma_wait3A_853 = tpu.memref_slice %arg9[%dma_wait3A_846, %dma_wait3A_847, %dma_wait3A_852] : memref<2x5x80xi32, #tpu.memory_space<vmem>> -> memref<1x1x80xi32, #tpu.memory_space<vmem>>
      %dma_wait3A_854 = tpu.memref_squeeze %dma_wait3A_853 : memref<1x1x80xi32, #tpu.memory_space<vmem>> -> memref<80xi32, #tpu.memory_space<vmem>>
      %dma_wait3A_855 = arith.constant 0 : i32
      %dma_wait3A_856 = arith.constant 0 : i32
      %dma_wait3A_857 = tpu.memref_slice %arg6[%dma_wait3A_855, %dma_wait3A_856] : memref<10240x128xbf16, #tpu.memory_space<vmem_shared>> -> memref<10240x128xbf16, #tpu.memory_space<vmem_shared>>
      tpu.wait_indirect_dma semaphore(%arg22 : memref<!tpu.dma_semaphore, #tpu.memory_space<semaphore_mem>>) src(%dma_wait3A_851 : memref<80x128xbf16, #tpu.memory_space<vmem>>) dst(%dma_wait3A_857 : memref<10240x128xbf16, #tpu.memory_space<vmem_shared>>)
      %dma_wait3A_858 = arith.constant 1 : i32
      %dma_wait3A_859 = arith.constant 2 : i32
      %dma_wait3A_860 = arith.constant 0 : i32
      %dma_wait3A_861 = tpu.memref_slice %arg9[%dma_wait3A_858, %dma_wait3A_859, %dma_wait3A_860] : memref<2x5x80xi32, #tpu.memory_space<vmem>> -> memref<1x1x80xi32, #tpu.memory_space<vmem>>
      %dma_wait3A_862 = tpu.memref_squeeze %dma_wait3A_861 : memref<1x1x80xi32, #tpu.memory_space<vmem>> -> memref<80xi32, #tpu.memory_space<vmem>>
      %dma_wait3A_863 = arith.constant 0 : i32
      %dma_wait3A_864 = arith.constant 0 : i32
      %dma_wait3A_865 = tpu.memref_slice %arg7[%dma_wait3A_863, %dma_wait3A_864] : memref<10240x16xf32, #tpu.memory_space<vmem_shared>> -> memref<10240x16xf32, #tpu.memory_space<vmem_shared>>
      tpu.wait_indirect_dma semaphore(%arg27 : memref<!tpu.dma_semaphore, #tpu.memory_space<semaphore_mem>>) src(%arg12 : memref<80x16xf32, #tpu.memory_space<vmem>>) dst(%dma_wait3A_865 : memref<10240x16xf32, #tpu.memory_space<vmem_shared>>)
      %dma_start3A_866 = arith.constant 0 : i32
      %dma_start3A_867 = arith.constant 2 : i32
      %dma_start3A_868 = arith.constant 2 : i32
      %dma_start3A_869 = arith.constant 0 : i32
      %dma_start3A_870 = arith.constant 0 : i32
      %dma_start3A_871 = tpu.memref_slice %arg10[%dma_start3A_868, %dma_start3A_869, %dma_start3A_870] : memref<5x80x128xbf16, #tpu.memory_space<vmem>> -> memref<1x80x128xbf16, #tpu.memory_space<vmem>>
      %dma_start3A_872 = tpu.memref_squeeze %dma_start3A_871 : memref<1x80x128xbf16, #tpu.memory_space<vmem>> -> memref<80x128xbf16, #tpu.memory_space<vmem>>
      %dma_start3A_873 = arith.constant 0 : i32
      %dma_start3A_874 = tpu.memref_slice %arg8[%dma_start3A_866, %dma_start3A_867, %dma_start3A_873] : memref<2x5x80xi32, #tpu.memory_space<vmem>> -> memref<1x1x80xi32, #tpu.memory_space<vmem>>
      %dma_start3A_875 = tpu.memref_squeeze %dma_start3A_874 : memref<1x1x80xi32, #tpu.memory_space<vmem>> -> memref<80xi32, #tpu.memory_space<vmem>>
      %dma_start3A_876 = arith.constant 0 : i32
      %dma_start3A_877 = arith.constant 0 : i32
      %dma_start3A_878 = tpu.memref_slice %arg2[%dma_start3A_876, %dma_start3A_877] : memref<10000x128xbf16, #tpu.memory_space<hbm>> -> memref<10000x128xbf16, #tpu.memory_space<hbm>>
      tpu.enqueue_indirect_dma source(%dma_start3A_878 : memref<10000x128xbf16, #tpu.memory_space<hbm>>) target(%dma_start3A_872 : memref<80x128xbf16, #tpu.memory_space<vmem>>) offsets(%dma_start3A_875 : memref<80xi32, #tpu.memory_space<vmem>>) semaphore(%arg17 : memref<!tpu.dma_semaphore, #tpu.memory_space<semaphore_mem>>)
      %dma_wait3A_879 = arith.constant 0 : i32
      %dma_wait3A_880 = arith.constant 1 : i32
      %dma_wait3A_881 = arith.constant 1 : i32
      %dma_wait3A_882 = arith.constant 0 : i32
      %dma_wait3A_883 = arith.constant 0 : i32
      %dma_wait3A_884 = tpu.memref_slice %arg10[%dma_wait3A_881, %dma_wait3A_882, %dma_wait3A_883] : memref<5x80x128xbf16, #tpu.memory_space<vmem>> -> memref<1x80x128xbf16, #tpu.memory_space<vmem>>
      %dma_wait3A_885 = tpu.memref_squeeze %dma_wait3A_884 : memref<1x80x128xbf16, #tpu.memory_space<vmem>> -> memref<80x128xbf16, #tpu.memory_space<vmem>>
      %dma_wait3A_886 = arith.constant 0 : i32
      %dma_wait3A_887 = tpu.memref_slice %arg8[%dma_wait3A_879, %dma_wait3A_880, %dma_wait3A_886] : memref<2x5x80xi32, #tpu.memory_space<vmem>> -> memref<1x1x80xi32, #tpu.memory_space<vmem>>
      %dma_wait3A_888 = tpu.memref_squeeze %dma_wait3A_887 : memref<1x1x80xi32, #tpu.memory_space<vmem>> -> memref<80xi32, #tpu.memory_space<vmem>>
      %dma_wait3A_889 = arith.constant 0 : i32
      %dma_wait3A_890 = arith.constant 0 : i32
      %dma_wait3A_891 = tpu.memref_slice %arg2[%dma_wait3A_889, %dma_wait3A_890] : memref<10000x128xbf16, #tpu.memory_space<hbm>> -> memref<10000x128xbf16, #tpu.memory_space<hbm>>
      tpu.wait_indirect_dma semaphore(%arg16 : memref<!tpu.dma_semaphore, #tpu.memory_space<semaphore_mem>>) src(%dma_wait3A_891 : memref<10000x128xbf16, #tpu.memory_space<hbm>>) dst(%dma_wait3A_885 : memref<80x128xbf16, #tpu.memory_space<vmem>>)
      %dma_start3A_892 = arith.constant 1 : i32
      %dma_start3A_893 = arith.constant 1 : i32
      %dma_start3A_894 = arith.constant 1 : i32
      %dma_start3A_895 = arith.constant 0 : i32
      %dma_start3A_896 = arith.constant 0 : i32
      %dma_start3A_897 = tpu.memref_slice %arg10[%dma_start3A_892, %dma_start3A_895, %dma_start3A_896] : memref<5x80x128xbf16, #tpu.memory_space<vmem>> -> memref<1x80x128xbf16, #tpu.memory_space<vmem>>
      %dma_start3A_898 = tpu.memref_squeeze %dma_start3A_897 : memref<1x80x128xbf16, #tpu.memory_space<vmem>> -> memref<80x128xbf16, #tpu.memory_space<vmem>>
      %dma_start3A_899 = arith.constant 0 : i32
      %dma_start3A_900 = tpu.memref_slice %arg8[%dma_start3A_893, %dma_start3A_894, %dma_start3A_899] : memref<2x5x80xi32, #tpu.memory_space<vmem>> -> memref<1x1x80xi32, #tpu.memory_space<vmem>>
      %dma_start3A_901 = tpu.memref_squeeze %dma_start3A_900 : memref<1x1x80xi32, #tpu.memory_space<vmem>> -> memref<80xi32, #tpu.memory_space<vmem>>
      %dma_start3A_902 = arith.constant 0 : i32
      %dma_start3A_903 = arith.constant 0 : i32
      %dma_start3A_904 = tpu.memref_slice %arg6[%dma_start3A_902, %dma_start3A_903] : memref<10240x128xbf16, #tpu.memory_space<vmem_shared>> -> memref<10240x128xbf16, #tpu.memory_space<vmem_shared>>
      tpu.enqueue_indirect_dma source(%dma_start3A_898 : memref<80x128xbf16, #tpu.memory_space<vmem>>) target(%dma_start3A_904 : memref<10240x128xbf16, #tpu.memory_space<vmem_shared>>) offsets(%dma_start3A_901 : memref<80xi32, #tpu.memory_space<vmem>>) semaphore(%arg21 : memref<!tpu.dma_semaphore, #tpu.memory_space<semaphore_mem>>) {add = true}
      %dma_start3A_905 = arith.constant 1 : i32
      %dma_start3A_906 = arith.constant 1 : i32
      %dma_start3A_907 = arith.constant 0 : i32
      %dma_start3A_908 = tpu.memref_slice %arg8[%dma_start3A_905, %dma_start3A_906, %dma_start3A_907] : memref<2x5x80xi32, #tpu.memory_space<vmem>> -> memref<1x1x80xi32, #tpu.memory_space<vmem>>
      %dma_start3A_909 = tpu.memref_squeeze %dma_start3A_908 : memref<1x1x80xi32, #tpu.memory_space<vmem>> -> memref<80xi32, #tpu.memory_space<vmem>>
      %dma_start3A_910 = arith.constant 0 : i32
      %dma_start3A_911 = arith.constant 0 : i32
      %dma_start3A_912 = tpu.memref_slice %arg7[%dma_start3A_910, %dma_start3A_911] : memref<10240x16xf32, #tpu.memory_space<vmem_shared>> -> memref<10240x16xf32, #tpu.memory_space<vmem_shared>>
      tpu.enqueue_indirect_dma source(%arg12 : memref<80x16xf32, #tpu.memory_space<vmem>>) target(%dma_start3A_912 : memref<10240x16xf32, #tpu.memory_space<vmem_shared>>) offsets(%dma_start3A_909 : memref<80xi32, #tpu.memory_space<vmem>>) semaphore(%arg26 : memref<!tpu.dma_semaphore, #tpu.memory_space<semaphore_mem>>) {add = true}
      %dma_wait3A_913 = arith.constant 3 : i32
      %dma_wait3A_914 = arith.constant 1 : i32
      %dma_wait3A_915 = arith.constant 3 : i32
      %dma_wait3A_916 = arith.constant 0 : i32
      %dma_wait3A_917 = arith.constant 0 : i32
      %dma_wait3A_918 = tpu.memref_slice %arg10[%dma_wait3A_913, %dma_wait3A_916, %dma_wait3A_917] : memref<5x80x128xbf16, #tpu.memory_space<vmem>> -> memref<1x80x128xbf16, #tpu.memory_space<vmem>>
      %dma_wait3A_919 = tpu.memref_squeeze %dma_wait3A_918 : memref<1x80x128xbf16, #tpu.memory_space<vmem>> -> memref<80x128xbf16, #tpu.memory_space<vmem>>
      %dma_wait3A_920 = arith.constant 0 : i32
      %dma_wait3A_921 = tpu.memref_slice %arg9[%dma_wait3A_914, %dma_wait3A_915, %dma_wait3A_920] : memref<2x5x80xi32, #tpu.memory_space<vmem>> -> memref<1x1x80xi32, #tpu.memory_space<vmem>>
      %dma_wait3A_922 = tpu.memref_squeeze %dma_wait3A_921 : memref<1x1x80xi32, #tpu.memory_space<vmem>> -> memref<80xi32, #tpu.memory_space<vmem>>
      %dma_wait3A_923 = arith.constant 0 : i32
      %dma_wait3A_924 = arith.constant 0 : i32
      %dma_wait3A_925 = tpu.memref_slice %arg6[%dma_wait3A_923, %dma_wait3A_924] : memref<10240x128xbf16, #tpu.memory_space<vmem_shared>> -> memref<10240x128xbf16, #tpu.memory_space<vmem_shared>>
      tpu.wait_indirect_dma semaphore(%arg23 : memref<!tpu.dma_semaphore, #tpu.memory_space<semaphore_mem>>) src(%dma_wait3A_919 : memref<80x128xbf16, #tpu.memory_space<vmem>>) dst(%dma_wait3A_925 : memref<10240x128xbf16, #tpu.memory_space<vmem_shared>>)
      %dma_wait3A_926 = arith.constant 1 : i32
      %dma_wait3A_927 = arith.constant 3 : i32
      %dma_wait3A_928 = arith.constant 0 : i32
      %dma_wait3A_929 = tpu.memref_slice %arg9[%dma_wait3A_926, %dma_wait3A_927, %dma_wait3A_928] : memref<2x5x80xi32, #tpu.memory_space<vmem>> -> memref<1x1x80xi32, #tpu.memory_space<vmem>>
      %dma_wait3A_930 = tpu.memref_squeeze %dma_wait3A_929 : memref<1x1x80xi32, #tpu.memory_space<vmem>> -> memref<80xi32, #tpu.memory_space<vmem>>
      %dma_wait3A_931 = arith.constant 0 : i32
      %dma_wait3A_932 = arith.constant 0 : i32
      %dma_wait3A_933 = tpu.memref_slice %arg7[%dma_wait3A_931, %dma_wait3A_932] : memref<10240x16xf32, #tpu.memory_space<vmem_shared>> -> memref<10240x16xf32, #tpu.memory_space<vmem_shared>>
      tpu.wait_indirect_dma semaphore(%arg28 : memref<!tpu.dma_semaphore, #tpu.memory_space<semaphore_mem>>) src(%arg12 : memref<80x16xf32, #tpu.memory_space<vmem>>) dst(%dma_wait3A_933 : memref<10240x16xf32, #tpu.memory_space<vmem_shared>>)
      %dma_start3A_934 = arith.constant 0 : i32
      %dma_start3A_935 = arith.constant 3 : i32
      %dma_start3A_936 = arith.constant 3 : i32
      %dma_start3A_937 = arith.constant 0 : i32
      %dma_start3A_938 = arith.constant 0 : i32
      %dma_start3A_939 = tpu.memref_slice %arg10[%dma_start3A_936, %dma_start3A_937, %dma_start3A_938] : memref<5x80x128xbf16, #tpu.memory_space<vmem>> -> memref<1x80x128xbf16, #tpu.memory_space<vmem>>
      %dma_start3A_940 = tpu.memref_squeeze %dma_start3A_939 : memref<1x80x128xbf16, #tpu.memory_space<vmem>> -> memref<80x128xbf16, #tpu.memory_space<vmem>>
      %dma_start3A_941 = arith.constant 0 : i32
      %dma_start3A_942 = tpu.memref_slice %arg8[%dma_start3A_934, %dma_start3A_935, %dma_start3A_941] : memref<2x5x80xi32, #tpu.memory_space<vmem>> -> memref<1x1x80xi32, #tpu.memory_space<vmem>>
      %dma_start3A_943 = tpu.memref_squeeze %dma_start3A_942 : memref<1x1x80xi32, #tpu.memory_space<vmem>> -> memref<80xi32, #tpu.memory_space<vmem>>
      %dma_start3A_944 = arith.constant 0 : i32
      %dma_start3A_945 = arith.constant 0 : i32
      %dma_start3A_946 = tpu.memref_slice %arg2[%dma_start3A_944, %dma_start3A_945] : memref<10000x128xbf16, #tpu.memory_space<hbm>> -> memref<10000x128xbf16, #tpu.memory_space<hbm>>
      tpu.enqueue_indirect_dma source(%dma_start3A_946 : memref<10000x128xbf16, #tpu.memory_space<hbm>>) target(%dma_start3A_940 : memref<80x128xbf16, #tpu.memory_space<vmem>>) offsets(%dma_start3A_943 : memref<80xi32, #tpu.memory_space<vmem>>) semaphore(%arg18 : memref<!tpu.dma_semaphore, #tpu.memory_space<semaphore_mem>>)
      %dma_wait3A_947 = arith.constant 0 : i32
      %dma_wait3A_948 = arith.constant 2 : i32
      %dma_wait3A_949 = arith.constant 2 : i32
      %dma_wait3A_950 = arith.constant 0 : i32
      %dma_wait3A_951 = arith.constant 0 : i32
      %dma_wait3A_952 = tpu.memref_slice %arg10[%dma_wait3A_949, %dma_wait3A_950, %dma_wait3A_951] : memref<5x80x128xbf16, #tpu.memory_space<vmem>> -> memref<1x80x128xbf16, #tpu.memory_space<vmem>>
      %dma_wait3A_953 = tpu.memref_squeeze %dma_wait3A_952 : memref<1x80x128xbf16, #tpu.memory_space<vmem>> -> memref<80x128xbf16, #tpu.memory_space<vmem>>
      %dma_wait3A_954 = arith.constant 0 : i32
      %dma_wait3A_955 = tpu.memref_slice %arg8[%dma_wait3A_947, %dma_wait3A_948, %dma_wait3A_954] : memref<2x5x80xi32, #tpu.memory_space<vmem>> -> memref<1x1x80xi32, #tpu.memory_space<vmem>>
      %dma_wait3A_956 = tpu.memref_squeeze %dma_wait3A_955 : memref<1x1x80xi32, #tpu.memory_space<vmem>> -> memref<80xi32, #tpu.memory_space<vmem>>
      %dma_wait3A_957 = arith.constant 0 : i32
      %dma_wait3A_958 = arith.constant 0 : i32
      %dma_wait3A_959 = tpu.memref_slice %arg2[%dma_wait3A_957, %dma_wait3A_958] : memref<10000x128xbf16, #tpu.memory_space<hbm>> -> memref<10000x128xbf16, #tpu.memory_space<hbm>>
      tpu.wait_indirect_dma semaphore(%arg17 : memref<!tpu.dma_semaphore, #tpu.memory_space<semaphore_mem>>) src(%dma_wait3A_959 : memref<10000x128xbf16, #tpu.memory_space<hbm>>) dst(%dma_wait3A_953 : memref<80x128xbf16, #tpu.memory_space<vmem>>)
      %dma_start3A_960 = arith.constant 2 : i32
      %dma_start3A_961 = arith.constant 1 : i32
      %dma_start3A_962 = arith.constant 2 : i32
      %dma_start3A_963 = arith.constant 0 : i32
      %dma_start3A_964 = arith.constant 0 : i32
      %dma_start3A_965 = tpu.memref_slice %arg10[%dma_start3A_960, %dma_start3A_963, %dma_start3A_964] : memref<5x80x128xbf16, #tpu.memory_space<vmem>> -> memref<1x80x128xbf16, #tpu.memory_space<vmem>>
      %dma_start3A_966 = tpu.memref_squeeze %dma_start3A_965 : memref<1x80x128xbf16, #tpu.memory_space<vmem>> -> memref<80x128xbf16, #tpu.memory_space<vmem>>
      %dma_start3A_967 = arith.constant 0 : i32
      %dma_start3A_968 = tpu.memref_slice %arg8[%dma_start3A_961, %dma_start3A_962, %dma_start3A_967] : memref<2x5x80xi32, #tpu.memory_space<vmem>> -> memref<1x1x80xi32, #tpu.memory_space<vmem>>
      %dma_start3A_969 = tpu.memref_squeeze %dma_start3A_968 : memref<1x1x80xi32, #tpu.memory_space<vmem>> -> memref<80xi32, #tpu.memory_space<vmem>>
      %dma_start3A_970 = arith.constant 0 : i32
      %dma_start3A_971 = arith.constant 0 : i32
      %dma_start3A_972 = tpu.memref_slice %arg6[%dma_start3A_970, %dma_start3A_971] : memref<10240x128xbf16, #tpu.memory_space<vmem_shared>> -> memref<10240x128xbf16, #tpu.memory_space<vmem_shared>>
      tpu.enqueue_indirect_dma source(%dma_start3A_966 : memref<80x128xbf16, #tpu.memory_space<vmem>>) target(%dma_start3A_972 : memref<10240x128xbf16, #tpu.memory_space<vmem_shared>>) offsets(%dma_start3A_969 : memref<80xi32, #tpu.memory_space<vmem>>) semaphore(%arg22 : memref<!tpu.dma_semaphore, #tpu.memory_space<semaphore_mem>>) {add = true}
      %dma_start3A_973 = arith.constant 1 : i32
      %dma_start3A_974 = arith.constant 2 : i32
      %dma_start3A_975 = arith.constant 0 : i32
      %dma_start3A_976 = tpu.memref_slice %arg8[%dma_start3A_973, %dma_start3A_974, %dma_start3A_975] : memref<2x5x80xi32, #tpu.memory_space<vmem>> -> memref<1x1x80xi32, #tpu.memory_space<vmem>>
      %dma_start3A_977 = tpu.memref_squeeze %dma_start3A_976 : memref<1x1x80xi32, #tpu.memory_space<vmem>> -> memref<80xi32, #tpu.memory_space<vmem>>
      %dma_start3A_978 = arith.constant 0 : i32
      %dma_start3A_979 = arith.constant 0 : i32
      %dma_start3A_980 = tpu.memref_slice %arg7[%dma_start3A_978, %dma_start3A_979] : memref<10240x16xf32, #tpu.memory_space<vmem_shared>> -> memref<10240x16xf32, #tpu.memory_space<vmem_shared>>
      tpu.enqueue_indirect_dma source(%arg12 : memref<80x16xf32, #tpu.memory_space<vmem>>) target(%dma_start3A_980 : memref<10240x16xf32, #tpu.memory_space<vmem_shared>>) offsets(%dma_start3A_977 : memref<80xi32, #tpu.memory_space<vmem>>) semaphore(%arg27 : memref<!tpu.dma_semaphore, #tpu.memory_space<semaphore_mem>>) {add = true}
      %dma_wait3A_981 = arith.constant 4 : i32
      %dma_wait3A_982 = arith.constant 1 : i32
      %dma_wait3A_983 = arith.constant 4 : i32
      %dma_wait3A_984 = arith.constant 0 : i32
      %dma_wait3A_985 = arith.constant 0 : i32
      %dma_wait3A_986 = tpu.memref_slice %arg10[%dma_wait3A_981, %dma_wait3A_984, %dma_wait3A_985] : memref<5x80x128xbf16, #tpu.memory_space<vmem>> -> memref<1x80x128xbf16, #tpu.memory_space<vmem>>
      %dma_wait3A_987 = tpu.memref_squeeze %dma_wait3A_986 : memref<1x80x128xbf16, #tpu.memory_space<vmem>> -> memref<80x128xbf16, #tpu.memory_space<vmem>>
      %dma_wait3A_988 = arith.constant 0 : i32
      %dma_wait3A_989 = tpu.memref_slice %arg9[%dma_wait3A_982, %dma_wait3A_983, %dma_wait3A_988] : memref<2x5x80xi32, #tpu.memory_space<vmem>> -> memref<1x1x80xi32, #tpu.memory_space<vmem>>
      %dma_wait3A_990 = tpu.memref_squeeze %dma_wait3A_989 : memref<1x1x80xi32, #tpu.memory_space<vmem>> -> memref<80xi32, #tpu.memory_space<vmem>>
      %dma_wait3A_991 = arith.constant 0 : i32
      %dma_wait3A_992 = arith.constant 0 : i32
      %dma_wait3A_993 = tpu.memref_slice %arg6[%dma_wait3A_991, %dma_wait3A_992] : memref<10240x128xbf16, #tpu.memory_space<vmem_shared>> -> memref<10240x128xbf16, #tpu.memory_space<vmem_shared>>
      tpu.wait_indirect_dma semaphore(%arg24 : memref<!tpu.dma_semaphore, #tpu.memory_space<semaphore_mem>>) src(%dma_wait3A_987 : memref<80x128xbf16, #tpu.memory_space<vmem>>) dst(%dma_wait3A_993 : memref<10240x128xbf16, #tpu.memory_space<vmem_shared>>)
      %dma_wait3A_994 = arith.constant 1 : i32
      %dma_wait3A_995 = arith.constant 4 : i32
      %dma_wait3A_996 = arith.constant 0 : i32
      %dma_wait3A_997 = tpu.memref_slice %arg9[%dma_wait3A_994, %dma_wait3A_995, %dma_wait3A_996] : memref<2x5x80xi32, #tpu.memory_space<vmem>> -> memref<1x1x80xi32, #tpu.memory_space<vmem>>
      %dma_wait3A_998 = tpu.memref_squeeze %dma_wait3A_997 : memref<1x1x80xi32, #tpu.memory_space<vmem>> -> memref<80xi32, #tpu.memory_space<vmem>>
      %dma_wait3A_999 = arith.constant 0 : i32
      %dma_wait3A_1000 = arith.constant 0 : i32
      %dma_wait3A_1001 = tpu.memref_slice %arg7[%dma_wait3A_999, %dma_wait3A_1000] : memref<10240x16xf32, #tpu.memory_space<vmem_shared>> -> memref<10240x16xf32, #tpu.memory_space<vmem_shared>>
      tpu.wait_indirect_dma semaphore(%arg29 : memref<!tpu.dma_semaphore, #tpu.memory_space<semaphore_mem>>) src(%arg12 : memref<80x16xf32, #tpu.memory_space<vmem>>) dst(%dma_wait3A_1001 : memref<10240x16xf32, #tpu.memory_space<vmem_shared>>)
      %lt3A = arith.constant 11 : i32
      %lt3A_1002 = arith.cmpi slt, %scan3A_443, %lt3A : i32
      %convert_element_type3A = arith.extui %lt3A_1002 : i1 to i32
      %cond3A = arith.constant 0 : i32
      %cond3A_1003 = arith.cmpi ne, %convert_element_type3A, %cond3A : i32
      scf.if %cond3A_1003 {
        %mul3A_1143 = arith.constant 2 : i32
        %mul3A_1144 = arith.muli %mul3A_1143, %scan3A_443 : i32
        %add3A_1145 = arith.constant 3 : i32
        %add3A_1146 = arith.addi %mul3A_1144, %add3A_1145 : i32
        %mul3A_1147 = arith.constant 5 : i32
        %mul3A_1148 = arith.muli %add3A_1146, %mul3A_1147 : i32
        %add3A_1149 = arith.addi %mul3A_52, %mul3A_1148 : i32
        %dma_start3A_1150 = arith.constant 0 : i32
        %dma_start3A_1151 = arith.constant 0 : i32
        %dma_start3A_1152 = tpu.memref_slice %arg3[%dma_start3A_1150, %add3A_1149, %dma_start3A_1151] : memref<2x4000x80xi32, #tpu.memory_space<hbm>> -> memref<2x5x80xi32, #tpu.memory_space<hbm>>
        %dma_start3A_1153 = arith.constant 0 : i32
        %dma_start3A_1154 = arith.constant 0 : i32
        %dma_start3A_1155 = tpu.memref_slice %arg3[%dma_start3A_1153, %add3A_1149, %dma_start3A_1154] : memref<2x4000x80xi32, #tpu.memory_space<hbm>> -> memref<2x5x80xi32, #tpu.memory_space<hbm>>
        tpu.enqueue_dma source(%dma_start3A_1155 : memref<2x5x80xi32, #tpu.memory_space<hbm>>) target(%arg9 : memref<2x5x80xi32, #tpu.memory_space<vmem>>) target_semaphore(%arg14 : memref<!tpu.dma_semaphore, #tpu.memory_space<semaphore_mem>>)
      } else {
      }
      %dma_start3A_1004 = arith.constant 0 : i32
      %dma_start3A_1005 = arith.constant 4 : i32
      %dma_start3A_1006 = arith.constant 4 : i32
      %dma_start3A_1007 = arith.constant 0 : i32
      %dma_start3A_1008 = arith.constant 0 : i32
      %dma_start3A_1009 = tpu.memref_slice %arg10[%dma_start3A_1006, %dma_start3A_1007, %dma_start3A_1008] : memref<5x80x128xbf16, #tpu.memory_space<vmem>> -> memref<1x80x128xbf16, #tpu.memory_space<vmem>>
      %dma_start3A_1010 = tpu.memref_squeeze %dma_start3A_1009 : memref<1x80x128xbf16, #tpu.memory_space<vmem>> -> memref<80x128xbf16, #tpu.memory_space<vmem>>
      %dma_start3A_1011 = arith.constant 0 : i32
      %dma_start3A_1012 = tpu.memref_slice %arg8[%dma_start3A_1004, %dma_start3A_1005, %dma_start3A_1011] : memref<2x5x80xi32, #tpu.memory_space<vmem>> -> memref<1x1x80xi32, #tpu.memory_space<vmem>>
      %dma_start3A_1013 = tpu.memref_squeeze %dma_start3A_1012 : memref<1x1x80xi32, #tpu.memory_space<vmem>> -> memref<80xi32, #tpu.memory_space<vmem>>
      %dma_start3A_1014 = arith.constant 0 : i32
      %dma_start3A_1015 = arith.constant 0 : i32
      %dma_start3A_1016 = tpu.memref_slice %arg2[%dma_start3A_1014, %dma_start3A_1015] : memref<10000x128xbf16, #tpu.memory_space<hbm>> -> memref<10000x128xbf16, #tpu.memory_space<hbm>>
      tpu.enqueue_indirect_dma source(%dma_start3A_1016 : memref<10000x128xbf16, #tpu.memory_space<hbm>>) target(%dma_start3A_1010 : memref<80x128xbf16, #tpu.memory_space<vmem>>) offsets(%dma_start3A_1013 : memref<80xi32, #tpu.memory_space<vmem>>) semaphore(%arg19 : memref<!tpu.dma_semaphore, #tpu.memory_space<semaphore_mem>>)
      %dma_wait3A_1017 = arith.constant 0 : i32
      %dma_wait3A_1018 = arith.constant 3 : i32
      %dma_wait3A_1019 = arith.constant 3 : i32
      %dma_wait3A_1020 = arith.constant 0 : i32
      %dma_wait3A_1021 = arith.constant 0 : i32
      %dma_wait3A_1022 = tpu.memref_slice %arg10[%dma_wait3A_1019, %dma_wait3A_1020, %dma_wait3A_1021] : memref<5x80x128xbf16, #tpu.memory_space<vmem>> -> memref<1x80x128xbf16, #tpu.memory_space<vmem>>
      %dma_wait3A_1023 = tpu.memref_squeeze %dma_wait3A_1022 : memref<1x80x128xbf16, #tpu.memory_space<vmem>> -> memref<80x128xbf16, #tpu.memory_space<vmem>>
      %dma_wait3A_1024 = arith.constant 0 : i32
      %dma_wait3A_1025 = tpu.memref_slice %arg8[%dma_wait3A_1017, %dma_wait3A_1018, %dma_wait3A_1024] : memref<2x5x80xi32, #tpu.memory_space<vmem>> -> memref<1x1x80xi32, #tpu.memory_space<vmem>>
      %dma_wait3A_1026 = tpu.memref_squeeze %dma_wait3A_1025 : memref<1x1x80xi32, #tpu.memory_space<vmem>> -> memref<80xi32, #tpu.memory_space<vmem>>
      %dma_wait3A_1027 = arith.constant 0 : i32
      %dma_wait3A_1028 = arith.constant 0 : i32
      %dma_wait3A_1029 = tpu.memref_slice %arg2[%dma_wait3A_1027, %dma_wait3A_1028] : memref<10000x128xbf16, #tpu.memory_space<hbm>> -> memref<10000x128xbf16, #tpu.memory_space<hbm>>
      tpu.wait_indirect_dma semaphore(%arg18 : memref<!tpu.dma_semaphore, #tpu.memory_space<semaphore_mem>>) src(%dma_wait3A_1029 : memref<10000x128xbf16, #tpu.memory_space<hbm>>) dst(%dma_wait3A_1023 : memref<80x128xbf16, #tpu.memory_space<vmem>>)
      %dma_start3A_1030 = arith.constant 3 : i32
      %dma_start3A_1031 = arith.constant 1 : i32
      %dma_start3A_1032 = arith.constant 3 : i32
      %dma_start3A_1033 = arith.constant 0 : i32
      %dma_start3A_1034 = arith.constant 0 : i32
      %dma_start3A_1035 = tpu.memref_slice %arg10[%dma_start3A_1030, %dma_start3A_1033, %dma_start3A_1034] : memref<5x80x128xbf16, #tpu.memory_space<vmem>> -> memref<1x80x128xbf16, #tpu.memory_space<vmem>>
      %dma_start3A_1036 = tpu.memref_squeeze %dma_start3A_1035 : memref<1x80x128xbf16, #tpu.memory_space<vmem>> -> memref<80x128xbf16, #tpu.memory_space<vmem>>
      %dma_start3A_1037 = arith.constant 0 : i32
      %dma_start3A_1038 = tpu.memref_slice %arg8[%dma_start3A_1031, %dma_start3A_1032, %dma_start3A_1037] : memref<2x5x80xi32, #tpu.memory_space<vmem>> -> memref<1x1x80xi32, #tpu.memory_space<vmem>>
      %dma_start3A_1039 = tpu.memref_squeeze %dma_start3A_1038 : memref<1x1x80xi32, #tpu.memory_space<vmem>> -> memref<80xi32, #tpu.memory_space<vmem>>
      %dma_start3A_1040 = arith.constant 0 : i32
      %dma_start3A_1041 = arith.constant 0 : i32
      %dma_start3A_1042 = tpu.memref_slice %arg6[%dma_start3A_1040, %dma_start3A_1041] : memref<10240x128xbf16, #tpu.memory_space<vmem_shared>> -> memref<10240x128xbf16, #tpu.memory_space<vmem_shared>>
      tpu.enqueue_indirect_dma source(%dma_start3A_1036 : memref<80x128xbf16, #tpu.memory_space<vmem>>) target(%dma_start3A_1042 : memref<10240x128xbf16, #tpu.memory_space<vmem_shared>>) offsets(%dma_start3A_1039 : memref<80xi32, #tpu.memory_space<vmem>>) semaphore(%arg23 : memref<!tpu.dma_semaphore, #tpu.memory_space<semaphore_mem>>) {add = true}
      %dma_start3A_1043 = arith.constant 1 : i32
      %dma_start3A_1044 = arith.constant 3 : i32
      %dma_start3A_1045 = arith.constant 0 : i32
      %dma_start3A_1046 = tpu.memref_slice %arg8[%dma_start3A_1043, %dma_start3A_1044, %dma_start3A_1045] : memref<2x5x80xi32, #tpu.memory_space<vmem>> -> memref<1x1x80xi32, #tpu.memory_space<vmem>>
      %dma_start3A_1047 = tpu.memref_squeeze %dma_start3A_1046 : memref<1x1x80xi32, #tpu.memory_space<vmem>> -> memref<80xi32, #tpu.memory_space<vmem>>
      %dma_start3A_1048 = arith.constant 0 : i32
      %dma_start3A_1049 = arith.constant 0 : i32
      %dma_start3A_1050 = tpu.memref_slice %arg7[%dma_start3A_1048, %dma_start3A_1049] : memref<10240x16xf32, #tpu.memory_space<vmem_shared>> -> memref<10240x16xf32, #tpu.memory_space<vmem_shared>>
      tpu.enqueue_indirect_dma source(%arg12 : memref<80x16xf32, #tpu.memory_space<vmem>>) target(%dma_start3A_1050 : memref<10240x16xf32, #tpu.memory_space<vmem_shared>>) offsets(%dma_start3A_1047 : memref<80xi32, #tpu.memory_space<vmem>>) semaphore(%arg28 : memref<!tpu.dma_semaphore, #tpu.memory_space<semaphore_mem>>) {add = true}
      %dma_wait3A_1051 = arith.constant 0 : i32
      %dma_wait3A_1052 = arith.constant 1 : i32
      %dma_wait3A_1053 = arith.constant 0 : i32
      %dma_wait3A_1054 = arith.constant 0 : i32
      %dma_wait3A_1055 = arith.constant 0 : i32
      %dma_wait3A_1056 = tpu.memref_slice %arg10[%dma_wait3A_1051, %dma_wait3A_1054, %dma_wait3A_1055] : memref<5x80x128xbf16, #tpu.memory_space<vmem>> -> memref<1x80x128xbf16, #tpu.memory_space<vmem>>
      %dma_wait3A_1057 = tpu.memref_squeeze %dma_wait3A_1056 : memref<1x80x128xbf16, #tpu.memory_space<vmem>> -> memref<80x128xbf16, #tpu.memory_space<vmem>>
      %dma_wait3A_1058 = arith.constant 0 : i32
      %dma_wait3A_1059 = tpu.memref_slice %arg8[%dma_wait3A_1052, %dma_wait3A_1053, %dma_wait3A_1058] : memref<2x5x80xi32, #tpu.memory_space<vmem>> -> memref<1x1x80xi32, #tpu.memory_space<vmem>>
      %dma_wait3A_1060 = tpu.memref_squeeze %dma_wait3A_1059 : memref<1x1x80xi32, #tpu.memory_space<vmem>> -> memref<80xi32, #tpu.memory_space<vmem>>
      %dma_wait3A_1061 = arith.constant 0 : i32
      %dma_wait3A_1062 = arith.constant 0 : i32
      %dma_wait3A_1063 = tpu.memref_slice %arg6[%dma_wait3A_1061, %dma_wait3A_1062] : memref<10240x128xbf16, #tpu.memory_space<vmem_shared>> -> memref<10240x128xbf16, #tpu.memory_space<vmem_shared>>
      tpu.wait_indirect_dma semaphore(%arg20 : memref<!tpu.dma_semaphore, #tpu.memory_space<semaphore_mem>>) src(%dma_wait3A_1057 : memref<80x128xbf16, #tpu.memory_space<vmem>>) dst(%dma_wait3A_1063 : memref<10240x128xbf16, #tpu.memory_space<vmem_shared>>)
      %dma_wait3A_1064 = arith.constant 1 : i32
      %dma_wait3A_1065 = arith.constant 0 : i32
      %dma_wait3A_1066 = arith.constant 0 : i32
      %dma_wait3A_1067 = tpu.memref_slice %arg8[%dma_wait3A_1064, %dma_wait3A_1065, %dma_wait3A_1066] : memref<2x5x80xi32, #tpu.memory_space<vmem>> -> memref<1x1x80xi32, #tpu.memory_space<vmem>>
      %dma_wait3A_1068 = tpu.memref_squeeze %dma_wait3A_1067 : memref<1x1x80xi32, #tpu.memory_space<vmem>> -> memref<80xi32, #tpu.memory_space<vmem>>
      %dma_wait3A_1069 = arith.constant 0 : i32
      %dma_wait3A_1070 = arith.constant 0 : i32
      %dma_wait3A_1071 = tpu.memref_slice %arg7[%dma_wait3A_1069, %dma_wait3A_1070] : memref<10240x16xf32, #tpu.memory_space<vmem_shared>> -> memref<10240x16xf32, #tpu.memory_space<vmem_shared>>
      tpu.wait_indirect_dma semaphore(%arg25 : memref<!tpu.dma_semaphore, #tpu.memory_space<semaphore_mem>>) src(%arg12 : memref<80x16xf32, #tpu.memory_space<vmem>>) dst(%dma_wait3A_1071 : memref<10240x16xf32, #tpu.memory_space<vmem_shared>>)
      %lt3A_1072 = arith.constant 11 : i32
      %lt3A_1073 = arith.cmpi slt, %scan3A_443, %lt3A_1072 : i32
      %convert_element_type3A_1074 = arith.extui %lt3A_1073 : i1 to i32
      %cond3A_1075 = arith.constant 0 : i32
      %cond3A_1076 = arith.cmpi ne, %convert_element_type3A_1074, %cond3A_1075 : i32
      scf.if %cond3A_1076 {
        %mul3A_1143 = arith.constant 2 : i32
        %mul3A_1144 = arith.muli %mul3A_1143, %scan3A_443 : i32
        %add3A_1145 = arith.constant 3 : i32
        %add3A_1146 = arith.addi %mul3A_1144, %add3A_1145 : i32
        %mul3A_1147 = arith.constant 5 : i32
        %mul3A_1148 = arith.muli %add3A_1146, %mul3A_1147 : i32
        %add3A_1149 = arith.addi %mul3A_52, %mul3A_1148 : i32
        %dma_wait3A_1150 = arith.constant 0 : i32
        %dma_wait3A_1151 = arith.constant 0 : i32
        %dma_wait3A_1152 = tpu.memref_slice %arg3[%dma_wait3A_1150, %add3A_1149, %dma_wait3A_1151] : memref<2x4000x80xi32, #tpu.memory_space<hbm>> -> memref<2x5x80xi32, #tpu.memory_space<hbm>>
        %dma_wait3A_1153 = arith.constant 0 : i32
        %dma_wait3A_1154 = arith.constant 0 : i32
        %dma_wait3A_1155 = tpu.memref_slice %arg3[%dma_wait3A_1153, %add3A_1149, %dma_wait3A_1154] : memref<2x4000x80xi32, #tpu.memory_space<hbm>> -> memref<2x5x80xi32, #tpu.memory_space<hbm>>
        tpu.wait_dma2 semaphore(%arg14 : memref<!tpu.dma_semaphore, #tpu.memory_space<semaphore_mem>>) src(%dma_wait3A_1155 : memref<2x5x80xi32, #tpu.memory_space<hbm>>) dst(%arg9 : memref<2x5x80xi32, #tpu.memory_space<vmem>>)
      } else {
      }
      %lt3A_1077 = arith.constant 11 : i32
      %lt3A_1078 = arith.cmpi slt, %scan3A_443, %lt3A_1077 : i32
      %convert_element_type3A_1079 = arith.extui %lt3A_1078 : i1 to i32
      %cond3A_1080 = arith.constant 0 : i32
      %cond3A_1081 = arith.cmpi ne, %convert_element_type3A_1079, %cond3A_1080 : i32
      scf.if %cond3A_1081 {
        %dma_start3A_1143 = arith.constant 0 : i32
        %dma_start3A_1144 = arith.constant 0 : i32
        %dma_start3A_1145 = arith.constant 0 : i32
        %dma_start3A_1146 = arith.constant 0 : i32
        %dma_start3A_1147 = arith.constant 0 : i32
        %dma_start3A_1148 = tpu.memref_slice %arg10[%dma_start3A_1145, %dma_start3A_1146, %dma_start3A_1147] : memref<5x80x128xbf16, #tpu.memory_space<vmem>> -> memref<1x80x128xbf16, #tpu.memory_space<vmem>>
        %dma_start3A_1149 = tpu.memref_squeeze %dma_start3A_1148 : memref<1x80x128xbf16, #tpu.memory_space<vmem>> -> memref<80x128xbf16, #tpu.memory_space<vmem>>
        %dma_start3A_1150 = arith.constant 0 : i32
        %dma_start3A_1151 = tpu.memref_slice %arg9[%dma_start3A_1143, %dma_start3A_1144, %dma_start3A_1150] : memref<2x5x80xi32, #tpu.memory_space<vmem>> -> memref<1x1x80xi32, #tpu.memory_space<vmem>>
        %dma_start3A_1152 = tpu.memref_squeeze %dma_start3A_1151 : memref<1x1x80xi32, #tpu.memory_space<vmem>> -> memref<80xi32, #tpu.memory_space<vmem>>
        %dma_start3A_1153 = arith.constant 0 : i32
        %dma_start3A_1154 = arith.constant 0 : i32
        %dma_start3A_1155 = tpu.memref_slice %arg2[%dma_start3A_1153, %dma_start3A_1154] : memref<10000x128xbf16, #tpu.memory_space<hbm>> -> memref<10000x128xbf16, #tpu.memory_space<hbm>>
        tpu.enqueue_indirect_dma source(%dma_start3A_1155 : memref<10000x128xbf16, #tpu.memory_space<hbm>>) target(%dma_start3A_1149 : memref<80x128xbf16, #tpu.memory_space<vmem>>) offsets(%dma_start3A_1152 : memref<80xi32, #tpu.memory_space<vmem>>) semaphore(%arg15 : memref<!tpu.dma_semaphore, #tpu.memory_space<semaphore_mem>>)
      } else {
      }
      %dma_wait3A_1082 = arith.constant 0 : i32
      %dma_wait3A_1083 = arith.constant 4 : i32
      %dma_wait3A_1084 = arith.constant 4 : i32
      %dma_wait3A_1085 = arith.constant 0 : i32
      %dma_wait3A_1086 = arith.constant 0 : i32
      %dma_wait3A_1087 = tpu.memref_slice %arg10[%dma_wait3A_1084, %dma_wait3A_1085, %dma_wait3A_1086] : memref<5x80x128xbf16, #tpu.memory_space<vmem>> -> memref<1x80x128xbf16, #tpu.memory_space<vmem>>
      %dma_wait3A_1088 = tpu.memref_squeeze %dma_wait3A_1087 : memref<1x80x128xbf16, #tpu.memory_space<vmem>> -> memref<80x128xbf16, #tpu.memory_space<vmem>>
      %dma_wait3A_1089 = arith.constant 0 : i32
      %dma_wait3A_1090 = tpu.memref_slice %arg8[%dma_wait3A_1082, %dma_wait3A_1083, %dma_wait3A_1089] : memref<2x5x80xi32, #tpu.memory_space<vmem>> -> memref<1x1x80xi32, #tpu.memory_space<vmem>>
      %dma_wait3A_1091 = tpu.memref_squeeze %dma_wait3A_1090 : memref<1x1x80xi32, #tpu.memory_space<vmem>> -> memref<80xi32, #tpu.memory_space<vmem>>
      %dma_wait3A_1092 = arith.constant 0 : i32
      %dma_wait3A_1093 = arith.constant 0 : i32
      %dma_wait3A_1094 = tpu.memref_slice %arg2[%dma_wait3A_1092, %dma_wait3A_1093] : memref<10000x128xbf16, #tpu.memory_space<hbm>> -> memref<10000x128xbf16, #tpu.memory_space<hbm>>
      tpu.wait_indirect_dma semaphore(%arg19 : memref<!tpu.dma_semaphore, #tpu.memory_space<semaphore_mem>>) src(%dma_wait3A_1094 : memref<10000x128xbf16, #tpu.memory_space<hbm>>) dst(%dma_wait3A_1088 : memref<80x128xbf16, #tpu.memory_space<vmem>>)
      %dma_start3A_1095 = arith.constant 4 : i32
      %dma_start3A_1096 = arith.constant 1 : i32
      %dma_start3A_1097 = arith.constant 4 : i32
      %dma_start3A_1098 = arith.constant 0 : i32
      %dma_start3A_1099 = arith.constant 0 : i32
      %dma_start3A_1100 = tpu.memref_slice %arg10[%dma_start3A_1095, %dma_start3A_1098, %dma_start3A_1099] : memref<5x80x128xbf16, #tpu.memory_space<vmem>> -> memref<1x80x128xbf16, #tpu.memory_space<vmem>>
      %dma_start3A_1101 = tpu.memref_squeeze %dma_start3A_1100 : memref<1x80x128xbf16, #tpu.memory_space<vmem>> -> memref<80x128xbf16, #tpu.memory_space<vmem>>
      %dma_start3A_1102 = arith.constant 0 : i32
      %dma_start3A_1103 = tpu.memref_slice %arg8[%dma_start3A_1096, %dma_start3A_1097, %dma_start3A_1102] : memref<2x5x80xi32, #tpu.memory_space<vmem>> -> memref<1x1x80xi32, #tpu.memory_space<vmem>>
      %dma_start3A_1104 = tpu.memref_squeeze %dma_start3A_1103 : memref<1x1x80xi32, #tpu.memory_space<vmem>> -> memref<80xi32, #tpu.memory_space<vmem>>
      %dma_start3A_1105 = arith.constant 0 : i32
      %dma_start3A_1106 = arith.constant 0 : i32
      %dma_start3A_1107 = tpu.memref_slice %arg6[%dma_start3A_1105, %dma_start3A_1106] : memref<10240x128xbf16, #tpu.memory_space<vmem_shared>> -> memref<10240x128xbf16, #tpu.memory_space<vmem_shared>>
      tpu.enqueue_indirect_dma source(%dma_start3A_1101 : memref<80x128xbf16, #tpu.memory_space<vmem>>) target(%dma_start3A_1107 : memref<10240x128xbf16, #tpu.memory_space<vmem_shared>>) offsets(%dma_start3A_1104 : memref<80xi32, #tpu.memory_space<vmem>>) semaphore(%arg24 : memref<!tpu.dma_semaphore, #tpu.memory_space<semaphore_mem>>) {add = true}
      %dma_start3A_1108 = arith.constant 1 : i32
      %dma_start3A_1109 = arith.constant 4 : i32
      %dma_start3A_1110 = arith.constant 0 : i32
      %dma_start3A_1111 = tpu.memref_slice %arg8[%dma_start3A_1108, %dma_start3A_1109, %dma_start3A_1110] : memref<2x5x80xi32, #tpu.memory_space<vmem>> -> memref<1x1x80xi32, #tpu.memory_space<vmem>>
      %dma_start3A_1112 = tpu.memref_squeeze %dma_start3A_1111 : memref<1x1x80xi32, #tpu.memory_space<vmem>> -> memref<80xi32, #tpu.memory_space<vmem>>
      %dma_start3A_1113 = arith.constant 0 : i32
      %dma_start3A_1114 = arith.constant 0 : i32
      %dma_start3A_1115 = tpu.memref_slice %arg7[%dma_start3A_1113, %dma_start3A_1114] : memref<10240x16xf32, #tpu.memory_space<vmem_shared>> -> memref<10240x16xf32, #tpu.memory_space<vmem_shared>>
      tpu.enqueue_indirect_dma source(%arg12 : memref<80x16xf32, #tpu.memory_space<vmem>>) target(%dma_start3A_1115 : memref<10240x16xf32, #tpu.memory_space<vmem_shared>>) offsets(%dma_start3A_1112 : memref<80xi32, #tpu.memory_space<vmem>>) semaphore(%arg29 : memref<!tpu.dma_semaphore, #tpu.memory_space<semaphore_mem>>) {add = true}
      %dma_wait3A_1116 = arith.constant 1 : i32
      %dma_wait3A_1117 = arith.constant 1 : i32
      %dma_wait3A_1118 = arith.constant 1 : i32
      %dma_wait3A_1119 = arith.constant 0 : i32
      %dma_wait3A_1120 = arith.constant 0 : i32
      %dma_wait3A_1121 = tpu.memref_slice %arg10[%dma_wait3A_1116, %dma_wait3A_1119, %dma_wait3A_1120] : memref<5x80x128xbf16, #tpu.memory_space<vmem>> -> memref<1x80x128xbf16, #tpu.memory_space<vmem>>
      %dma_wait3A_1122 = tpu.memref_squeeze %dma_wait3A_1121 : memref<1x80x128xbf16, #tpu.memory_space<vmem>> -> memref<80x128xbf16, #tpu.memory_space<vmem>>
      %dma_wait3A_1123 = arith.constant 0 : i32
      %dma_wait3A_1124 = tpu.memref_slice %arg8[%dma_wait3A_1117, %dma_wait3A_1118, %dma_wait3A_1123] : memref<2x5x80xi32, #tpu.memory_space<vmem>> -> memref<1x1x80xi32, #tpu.memory_space<vmem>>
      %dma_wait3A_1125 = tpu.memref_squeeze %dma_wait3A_1124 : memref<1x1x80xi32, #tpu.memory_space<vmem>> -> memref<80xi32, #tpu.memory_space<vmem>>
      %dma_wait3A_1126 = arith.constant 0 : i32
      %dma_wait3A_1127 = arith.constant 0 : i32
      %dma_wait3A_1128 = tpu.memref_slice %arg6[%dma_wait3A_1126, %dma_wait3A_1127] : memref<10240x128xbf16, #tpu.memory_space<vmem_shared>> -> memref<10240x128xbf16, #tpu.memory_space<vmem_shared>>
      tpu.wait_indirect_dma semaphore(%arg21 : memref<!tpu.dma_semaphore, #tpu.memory_space<semaphore_mem>>) src(%dma_wait3A_1122 : memref<80x128xbf16, #tpu.memory_space<vmem>>) dst(%dma_wait3A_1128 : memref<10240x128xbf16, #tpu.memory_space<vmem_shared>>)
      %dma_wait3A_1129 = arith.constant 1 : i32
      %dma_wait3A_1130 = arith.constant 1 : i32
      %dma_wait3A_1131 = arith.constant 0 : i32
      %dma_wait3A_1132 = tpu.memref_slice %arg8[%dma_wait3A_1129, %dma_wait3A_1130, %dma_wait3A_1131] : memref<2x5x80xi32, #tpu.memory_space<vmem>> -> memref<1x1x80xi32, #tpu.memory_space<vmem>>
      %dma_wait3A_1133 = tpu.memref_squeeze %dma_wait3A_1132 : memref<1x1x80xi32, #tpu.memory_space<vmem>> -> memref<80xi32, #tpu.memory_space<vmem>>
      %dma_wait3A_1134 = arith.constant 0 : i32
      %dma_wait3A_1135 = arith.constant 0 : i32
      %dma_wait3A_1136 = tpu.memref_slice %arg7[%dma_wait3A_1134, %dma_wait3A_1135] : memref<10240x16xf32, #tpu.memory_space<vmem_shared>> -> memref<10240x16xf32, #tpu.memory_space<vmem_shared>>
      tpu.wait_indirect_dma semaphore(%arg26 : memref<!tpu.dma_semaphore, #tpu.memory_space<semaphore_mem>>) src(%arg12 : memref<80x16xf32, #tpu.memory_space<vmem>>) dst(%dma_wait3A_1136 : memref<10240x16xf32, #tpu.memory_space<vmem_shared>>)
      %lt3A_1137 = arith.constant 11 : i32
      %lt3A_1138 = arith.cmpi slt, %scan3A_443, %lt3A_1137 : i32
      %convert_element_type3A_1139 = arith.extui %lt3A_1138 : i1 to i32
      %cond3A_1140 = arith.constant 0 : i32
      %cond3A_1141 = arith.cmpi ne, %convert_element_type3A_1139, %cond3A_1140 : i32
      scf.if %cond3A_1141 {
        %dma_start3A_1143 = arith.constant 0 : i32
        %dma_start3A_1144 = arith.constant 1 : i32
        %dma_start3A_1145 = arith.constant 1 : i32
        %dma_start3A_1146 = arith.constant 0 : i32
        %dma_start3A_1147 = arith.constant 0 : i32
        %dma_start3A_1148 = tpu.memref_slice %arg10[%dma_start3A_1145, %dma_start3A_1146, %dma_start3A_1147] : memref<5x80x128xbf16, #tpu.memory_space<vmem>> -> memref<1x80x128xbf16, #tpu.memory_space<vmem>>
        %dma_start3A_1149 = tpu.memref_squeeze %dma_start3A_1148 : memref<1x80x128xbf16, #tpu.memory_space<vmem>> -> memref<80x128xbf16, #tpu.memory_space<vmem>>
        %dma_start3A_1150 = arith.constant 0 : i32
        %dma_start3A_1151 = tpu.memref_slice %arg9[%dma_start3A_1143, %dma_start3A_1144, %dma_start3A_1150] : memref<2x5x80xi32, #tpu.memory_space<vmem>> -> memref<1x1x80xi32, #tpu.memory_space<vmem>>
        %dma_start3A_1152 = tpu.memref_squeeze %dma_start3A_1151 : memref<1x1x80xi32, #tpu.memory_space<vmem>> -> memref<80xi32, #tpu.memory_space<vmem>>
        %dma_start3A_1153 = arith.constant 0 : i32
        %dma_start3A_1154 = arith.constant 0 : i32
        %dma_start3A_1155 = tpu.memref_slice %arg2[%dma_start3A_1153, %dma_start3A_1154] : memref<10000x128xbf16, #tpu.memory_space<hbm>> -> memref<10000x128xbf16, #tpu.memory_space<hbm>>
        tpu.enqueue_indirect_dma source(%dma_start3A_1155 : memref<10000x128xbf16, #tpu.memory_space<hbm>>) target(%dma_start3A_1149 : memref<80x128xbf16, #tpu.memory_space<vmem>>) offsets(%dma_start3A_1152 : memref<80xi32, #tpu.memory_space<vmem>>) semaphore(%arg16 : memref<!tpu.dma_semaphore, #tpu.memory_space<semaphore_mem>>)
      } else {
      }
      %scan3A_1142 = arith.constant 0 : i32
      scf.yield %scan3A_1142 : i32
    }
    %scan3A_376 = arith.constant 12 : i32
    %dma_wait3A_377 = arith.constant 2 : i32
    %dma_wait3A_378 = arith.constant 1 : i32
    %dma_wait3A_379 = arith.constant 2 : i32
    %dma_wait3A_380 = arith.constant 0 : i32
    %dma_wait3A_381 = arith.constant 0 : i32
    %dma_wait3A_382 = tpu.memref_slice %arg10[%dma_wait3A_377, %dma_wait3A_380, %dma_wait3A_381] : memref<5x80x128xbf16, #tpu.memory_space<vmem>> -> memref<1x80x128xbf16, #tpu.memory_space<vmem>>
    %dma_wait3A_383 = tpu.memref_squeeze %dma_wait3A_382 : memref<1x80x128xbf16, #tpu.memory_space<vmem>> -> memref<80x128xbf16, #tpu.memory_space<vmem>>
    %dma_wait3A_384 = arith.constant 0 : i32
    %dma_wait3A_385 = tpu.memref_slice %arg8[%dma_wait3A_378, %dma_wait3A_379, %dma_wait3A_384] : memref<2x5x80xi32, #tpu.memory_space<vmem>> -> memref<1x1x80xi32, #tpu.memory_space<vmem>>
    %dma_wait3A_386 = tpu.memref_squeeze %dma_wait3A_385 : memref<1x1x80xi32, #tpu.memory_space<vmem>> -> memref<80xi32, #tpu.memory_space<vmem>>
    %dma_wait3A_387 = arith.constant 0 : i32
    %dma_wait3A_388 = arith.constant 0 : i32
    %dma_wait3A_389 = tpu.memref_slice %arg6[%dma_wait3A_387, %dma_wait3A_388] : memref<10240x128xbf16, #tpu.memory_space<vmem_shared>> -> memref<10240x128xbf16, #tpu.memory_space<vmem_shared>>
    tpu.wait_indirect_dma semaphore(%arg22 : memref<!tpu.dma_semaphore, #tpu.memory_space<semaphore_mem>>) src(%dma_wait3A_383 : memref<80x128xbf16, #tpu.memory_space<vmem>>) dst(%dma_wait3A_389 : memref<10240x128xbf16, #tpu.memory_space<vmem_shared>>)
    %dma_wait3A_390 = arith.constant 1 : i32
    %dma_wait3A_391 = arith.constant 2 : i32
    %dma_wait3A_392 = arith.constant 0 : i32
    %dma_wait3A_393 = tpu.memref_slice %arg8[%dma_wait3A_390, %dma_wait3A_391, %dma_wait3A_392] : memref<2x5x80xi32, #tpu.memory_space<vmem>> -> memref<1x1x80xi32, #tpu.memory_space<vmem>>
    %dma_wait3A_394 = tpu.memref_squeeze %dma_wait3A_393 : memref<1x1x80xi32, #tpu.memory_space<vmem>> -> memref<80xi32, #tpu.memory_space<vmem>>
    %dma_wait3A_395 = arith.constant 0 : i32
    %dma_wait3A_396 = arith.constant 0 : i32
    %dma_wait3A_397 = tpu.memref_slice %arg7[%dma_wait3A_395, %dma_wait3A_396] : memref<10240x16xf32, #tpu.memory_space<vmem_shared>> -> memref<10240x16xf32, #tpu.memory_space<vmem_shared>>
    tpu.wait_indirect_dma semaphore(%arg27 : memref<!tpu.dma_semaphore, #tpu.memory_space<semaphore_mem>>) src(%arg12 : memref<80x16xf32, #tpu.memory_space<vmem>>) dst(%dma_wait3A_397 : memref<10240x16xf32, #tpu.memory_space<vmem_shared>>)
    %dma_wait3A_398 = arith.constant 3 : i32
    %dma_wait3A_399 = arith.constant 1 : i32
    %dma_wait3A_400 = arith.constant 3 : i32
    %dma_wait3A_401 = arith.constant 0 : i32
    %dma_wait3A_402 = arith.constant 0 : i32
    %dma_wait3A_403 = tpu.memref_slice %arg10[%dma_wait3A_398, %dma_wait3A_401, %dma_wait3A_402] : memref<5x80x128xbf16, #tpu.memory_space<vmem>> -> memref<1x80x128xbf16, #tpu.memory_space<vmem>>
    %dma_wait3A_404 = tpu.memref_squeeze %dma_wait3A_403 : memref<1x80x128xbf16, #tpu.memory_space<vmem>> -> memref<80x128xbf16, #tpu.memory_space<vmem>>
    %dma_wait3A_405 = arith.constant 0 : i32
    %dma_wait3A_406 = tpu.memref_slice %arg8[%dma_wait3A_399, %dma_wait3A_400, %dma_wait3A_405] : memref<2x5x80xi32, #tpu.memory_space<vmem>> -> memref<1x1x80xi32, #tpu.memory_space<vmem>>
    %dma_wait3A_407 = tpu.memref_squeeze %dma_wait3A_406 : memref<1x1x80xi32, #tpu.memory_space<vmem>> -> memref<80xi32, #tpu.memory_space<vmem>>
    %dma_wait3A_408 = arith.constant 0 : i32
    %dma_wait3A_409 = arith.constant 0 : i32
    %dma_wait3A_410 = tpu.memref_slice %arg6[%dma_wait3A_408, %dma_wait3A_409] : memref<10240x128xbf16, #tpu.memory_space<vmem_shared>> -> memref<10240x128xbf16, #tpu.memory_space<vmem_shared>>
    tpu.wait_indirect_dma semaphore(%arg23 : memref<!tpu.dma_semaphore, #tpu.memory_space<semaphore_mem>>) src(%dma_wait3A_404 : memref<80x128xbf16, #tpu.memory_space<vmem>>) dst(%dma_wait3A_410 : memref<10240x128xbf16, #tpu.memory_space<vmem_shared>>)
    %dma_wait3A_411 = arith.constant 1 : i32
    %dma_wait3A_412 = arith.constant 3 : i32
    %dma_wait3A_413 = arith.constant 0 : i32
    %dma_wait3A_414 = tpu.memref_slice %arg8[%dma_wait3A_411, %dma_wait3A_412, %dma_wait3A_413] : memref<2x5x80xi32, #tpu.memory_space<vmem>> -> memref<1x1x80xi32, #tpu.memory_space<vmem>>
    %dma_wait3A_415 = tpu.memref_squeeze %dma_wait3A_414 : memref<1x1x80xi32, #tpu.memory_space<vmem>> -> memref<80xi32, #tpu.memory_space<vmem>>
    %dma_wait3A_416 = arith.constant 0 : i32
    %dma_wait3A_417 = arith.constant 0 : i32
    %dma_wait3A_418 = tpu.memref_slice %arg7[%dma_wait3A_416, %dma_wait3A_417] : memref<10240x16xf32, #tpu.memory_space<vmem_shared>> -> memref<10240x16xf32, #tpu.memory_space<vmem_shared>>
    tpu.wait_indirect_dma semaphore(%arg28 : memref<!tpu.dma_semaphore, #tpu.memory_space<semaphore_mem>>) src(%arg12 : memref<80x16xf32, #tpu.memory_space<vmem>>) dst(%dma_wait3A_418 : memref<10240x16xf32, #tpu.memory_space<vmem_shared>>)
    %dma_wait3A_419 = arith.constant 4 : i32
    %dma_wait3A_420 = arith.constant 1 : i32
    %dma_wait3A_421 = arith.constant 4 : i32
    %dma_wait3A_422 = arith.constant 0 : i32
    %dma_wait3A_423 = arith.constant 0 : i32
    %dma_wait3A_424 = tpu.memref_slice %arg10[%dma_wait3A_419, %dma_wait3A_422, %dma_wait3A_423] : memref<5x80x128xbf16, #tpu.memory_space<vmem>> -> memref<1x80x128xbf16, #tpu.memory_space<vmem>>
    %dma_wait3A_425 = tpu.memref_squeeze %dma_wait3A_424 : memref<1x80x128xbf16, #tpu.memory_space<vmem>> -> memref<80x128xbf16, #tpu.memory_space<vmem>>
    %dma_wait3A_426 = arith.constant 0 : i32
    %dma_wait3A_427 = tpu.memref_slice %arg8[%dma_wait3A_420, %dma_wait3A_421, %dma_wait3A_426] : memref<2x5x80xi32, #tpu.memory_space<vmem>> -> memref<1x1x80xi32, #tpu.memory_space<vmem>>
    %dma_wait3A_428 = tpu.memref_squeeze %dma_wait3A_427 : memref<1x1x80xi32, #tpu.memory_space<vmem>> -> memref<80xi32, #tpu.memory_space<vmem>>
    %dma_wait3A_429 = arith.constant 0 : i32
    %dma_wait3A_430 = arith.constant 0 : i32
    %dma_wait3A_431 = tpu.memref_slice %arg6[%dma_wait3A_429, %dma_wait3A_430] : memref<10240x128xbf16, #tpu.memory_space<vmem_shared>> -> memref<10240x128xbf16, #tpu.memory_space<vmem_shared>>
    tpu.wait_indirect_dma semaphore(%arg24 : memref<!tpu.dma_semaphore, #tpu.memory_space<semaphore_mem>>) src(%dma_wait3A_425 : memref<80x128xbf16, #tpu.memory_space<vmem>>) dst(%dma_wait3A_431 : memref<10240x128xbf16, #tpu.memory_space<vmem_shared>>)
    %dma_wait3A_432 = arith.constant 1 : i32
    %dma_wait3A_433 = arith.constant 4 : i32
    %dma_wait3A_434 = arith.constant 0 : i32
    %dma_wait3A_435 = tpu.memref_slice %arg8[%dma_wait3A_432, %dma_wait3A_433, %dma_wait3A_434] : memref<2x5x80xi32, #tpu.memory_space<vmem>> -> memref<1x1x80xi32, #tpu.memory_space<vmem>>
    %dma_wait3A_436 = tpu.memref_squeeze %dma_wait3A_435 : memref<1x1x80xi32, #tpu.memory_space<vmem>> -> memref<80xi32, #tpu.memory_space<vmem>>
    %dma_wait3A_437 = arith.constant 0 : i32
    %dma_wait3A_438 = arith.constant 0 : i32
    %dma_wait3A_439 = tpu.memref_slice %arg7[%dma_wait3A_437, %dma_wait3A_438] : memref<10240x16xf32, #tpu.memory_space<vmem_shared>> -> memref<10240x16xf32, #tpu.memory_space<vmem_shared>>
    tpu.wait_indirect_dma semaphore(%arg29 : memref<!tpu.dma_semaphore, #tpu.memory_space<semaphore_mem>>) src(%arg12 : memref<80x16xf32, #tpu.memory_space<vmem>>) dst(%dma_wait3A_439 : memref<10240x16xf32, #tpu.memory_space<vmem_shared>>)
    %barrier3A_440 = arith.constant 0 : index
    tpu.barrier barrier_id(%barrier3A_440)
    %mul3A_441 = arith.constant 640 : i32
    %mul3A_442 = arith.muli %arg1, %mul3A_441 : i32
    "tpu.region"() ({
      %run_scoped3A_443 = tpu.sem_alloc : memref<!tpu.dma_semaphore, #tpu.memory_space<semaphore_mem>>
      %dma_start3A_444 = arith.constant 0 : i32
      %dma_start3A_445 = tpu.memref_slice %arg4[%arg0, %mul3A_442, %dma_start3A_444] : memref<2x10240x128xbf16, #tpu.memory_space<hbm>> -> memref<1x640x128xbf16, #tpu.memory_space<hbm>>
      %dma_start3A_446 = tpu.memref_squeeze %dma_start3A_445 : memref<1x640x128xbf16, #tpu.memory_space<hbm>> -> memref<640x128xbf16, #tpu.memory_space<hbm>>
      %dma_start3A_447 = arith.constant 0 : i32
      %dma_start3A_448 = tpu.memref_slice %arg6[%mul3A_442, %dma_start3A_447] : memref<10240x128xbf16, #tpu.memory_space<vmem_shared>> -> memref<640x128xbf16, #tpu.memory_space<vmem_shared>>
      tpu.enqueue_dma source(%dma_start3A_448 : memref<640x128xbf16, #tpu.memory_space<vmem_shared>>) target(%dma_start3A_446 : memref<640x128xbf16, #tpu.memory_space<hbm>>) target_semaphore(%run_scoped3A_443 : memref<!tpu.dma_semaphore, #tpu.memory_space<semaphore_mem>>)
      %dma_wait3A_449 = arith.constant 0 : i32
      %dma_wait3A_450 = tpu.memref_slice %arg4[%arg0, %mul3A_442, %dma_wait3A_449] : memref<2x10240x128xbf16, #tpu.memory_space<hbm>> -> memref<1x640x128xbf16, #tpu.memory_space<hbm>>
      %dma_wait3A_451 = tpu.memref_squeeze %dma_wait3A_450 : memref<1x640x128xbf16, #tpu.memory_space<hbm>> -> memref<640x128xbf16, #tpu.memory_space<hbm>>
      %dma_wait3A_452 = arith.constant 0 : i32
      %dma_wait3A_453 = tpu.memref_slice %arg6[%mul3A_442, %dma_wait3A_452] : memref<10240x128xbf16, #tpu.memory_space<vmem_shared>> -> memref<640x128xbf16, #tpu.memory_space<vmem_shared>>
      tpu.wait_dma2 semaphore(%run_scoped3A_443 : memref<!tpu.dma_semaphore, #tpu.memory_space<semaphore_mem>>) src(%dma_wait3A_453 : memref<640x128xbf16, #tpu.memory_space<vmem_shared>>) dst(%dma_wait3A_451 : memref<640x128xbf16, #tpu.memory_space<hbm>>)
      tpu.yield
    }) : () -> ()
    "tpu.region"() ({
      %run_scoped3A_443 = tpu.sem_alloc : memref<!tpu.dma_semaphore, #tpu.memory_space<semaphore_mem>>
      %dma_start3A_444 = arith.constant 0 : i32
      %dma_start3A_445 = tpu.memref_slice %arg5[%arg0, %mul3A_442, %dma_start3A_444] : memref<2x10240x16xf32, #tpu.memory_space<hbm>> -> memref<1x640x16xf32, #tpu.memory_space<hbm>>
      %dma_start3A_446 = tpu.memref_squeeze %dma_start3A_445 : memref<1x640x16xf32, #tpu.memory_space<hbm>> -> memref<640x16xf32, #tpu.memory_space<hbm>>
      %dma_start3A_447 = arith.constant 0 : i32
      %dma_start3A_448 = tpu.memref_slice %arg7[%mul3A_442, %dma_start3A_447] : memref<10240x16xf32, #tpu.memory_space<vmem_shared>> -> memref<640x16xf32, #tpu.memory_space<vmem_shared>>
      tpu.enqueue_dma source(%dma_start3A_448 : memref<640x16xf32, #tpu.memory_space<vmem_shared>>) target(%dma_start3A_446 : memref<640x16xf32, #tpu.memory_space<hbm>>) target_semaphore(%run_scoped3A_443 : memref<!tpu.dma_semaphore, #tpu.memory_space<semaphore_mem>>)
      %dma_wait3A_449 = arith.constant 0 : i32
      %dma_wait3A_450 = tpu.memref_slice %arg5[%arg0, %mul3A_442, %dma_wait3A_449] : memref<2x10240x16xf32, #tpu.memory_space<hbm>> -> memref<1x640x16xf32, #tpu.memory_space<hbm>>
      %dma_wait3A_451 = tpu.memref_squeeze %dma_wait3A_450 : memref<1x640x16xf32, #tpu.memory_space<hbm>> -> memref<640x16xf32, #tpu.memory_space<hbm>>
      %dma_wait3A_452 = arith.constant 0 : i32
      %dma_wait3A_453 = tpu.memref_slice %arg7[%mul3A_442, %dma_wait3A_452] : memref<10240x16xf32, #tpu.memory_space<vmem_shared>> -> memref<640x16xf32, #tpu.memory_space<vmem_shared>>
      tpu.wait_dma2 semaphore(%run_scoped3A_443 : memref<!tpu.dma_semaphore, #tpu.memory_space<semaphore_mem>>) src(%dma_wait3A_453 : memref<640x16xf32, #tpu.memory_space<vmem_shared>>) dst(%dma_wait3A_451 : memref<640x16xf32, #tpu.memory_space<hbm>>)
      tpu.yield
    }) : () -> ()
    return
  }
}

module attributes {stable_mosaic.version = 14 : i64} {
  func.func @_phase_a_body(%arg0: i32, %arg1: memref<1000x128xf32, #tpu.memory_space<vmem>>, %arg2: memref<128x128xf32, #tpu.memory_space<vmem>>, %arg3: memref<1x128xf32, #tpu.memory_space<vmem>>, %arg4: memref<1000x128xbf16, #tpu.memory_space<vmem>>) attributes {dimension_semantics = [#tpu.dimension_semantics<arbitrary>], iteration_bounds = array<i64: 10>, scalar_prefetch = 0 : i64, scratch_operands = 0 : i64, tpu.core_type = #tpu.core_type<tc>, window_params = [{transform_indices = @transform_0, window_bounds = array<i64: 1000, 128>}, {pipeline_mode = #tpu.pipeline_mode<synchronous>, transform_indices = @transform_1, window_bounds = array<i64: 128, 128>}, {pipeline_mode = #tpu.pipeline_mode<synchronous>, transform_indices = @transform_2, window_bounds = array<i64: 1, 128>}, {transform_indices = @transform_3, window_bounds = array<i64: 1000, 128>}]} {
    %get3A = arith.constant 0 : index
    %get3A_0 = arith.constant 0 : index
    %get3A_1 = vector.load %arg1[%get3A, %get3A_0] : memref<1000x128xf32, #tpu.memory_space<vmem>>, vector<1000x128xf32>
    %get3A_2 = arith.constant 0 : index
    %get3A_3 = arith.constant 0 : index
    %get3A_4 = vector.load %arg2[%get3A_2, %get3A_3] : memref<128x128xf32, #tpu.memory_space<vmem>>, vector<128x128xf32>
    %get3A_5 = arith.constant 0 : index
    %get3A_6 = arith.constant 0 : index
    %get3A_7 = vector.load %arg3[%get3A_5, %get3A_6] : memref<1x128xf32, #tpu.memory_space<vmem>>, vector<1x128xf32>
    %mul3A = arith.mulf %get3A_1, %get3A_1 : vector<1000x128xf32>
    %reduce_sum3A = arith.constant dense<0.000000e+00> : vector<1000xf32>
    %reduce_sum3A_8 = vector.multi_reduction <add>, %mul3A, %reduce_sum3A [1] : vector<1000x128xf32> to vector<1000xf32>
    %broadcast_in_dim3A = vector.shape_cast %reduce_sum3A_8 : vector<1000xf32> to vector<1000x1xf32>
    %sqrt3A = math.sqrt %broadcast_in_dim3A : vector<1000x1xf32>
    %max3A = arith.constant 1.000000e-15 : f32
    %max3A_9 = vector.broadcast %max3A : f32 to vector<1000x1xf32>
    %max3A_10 = arith.maximumf %sqrt3A, %max3A_9 : vector<1000x1xf32>
    %tanh3A = math.tanh %max3A_10 : vector<1000x1xf32>
    %mul3A_11 = vector.broadcast %tanh3A : vector<1000x1xf32> to vector<1000x128xf32>
    %mul3A_12 = arith.mulf %mul3A_11, %get3A_1 : vector<1000x128xf32>
    %div3A = vector.broadcast %max3A_10 : vector<1000x1xf32> to vector<1000x128xf32>
    %div3A_13 = arith.divf %mul3A_12, %div3A : vector<1000x128xf32>
    %mul3A_14 = arith.mulf %div3A_13, %div3A_13 : vector<1000x128xf32>
    %reduce_sum3A_15 = arith.constant dense<0.000000e+00> : vector<1000xf32>
    %reduce_sum3A_16 = vector.multi_reduction <add>, %mul3A_14, %reduce_sum3A_15 [1] : vector<1000x128xf32> to vector<1000xf32>
    %broadcast_in_dim3A_17 = vector.shape_cast %reduce_sum3A_16 : vector<1000xf32> to vector<1000x1xf32>
    %sqrt3A_18 = math.sqrt %broadcast_in_dim3A_17 : vector<1000x1xf32>
    %max3A_19 = arith.constant 1.000000e-15 : f32
    %max3A_20 = vector.broadcast %max3A_19 : f32 to vector<1000x1xf32>
    %max3A_21 = arith.maximumf %sqrt3A_18, %max3A_20 : vector<1000x1xf32>
    %gt3A = arith.constant 0.995999991 : f32
    %gt3A_22 = vector.broadcast %gt3A : f32 to vector<1000x1xf32>
    %gt3A_23 = arith.cmpf ogt, %max3A_21, %gt3A_22 : vector<1000x1xf32>
    %div3A_24 = vector.broadcast %max3A_21 : vector<1000x1xf32> to vector<1000x128xf32>
    %div3A_25 = arith.divf %div3A_13, %div3A_24 : vector<1000x128xf32>
    %mul3A_26 = arith.constant 0.995999991 : f32
    %mul3A_27 = vector.broadcast %mul3A_26 : f32 to vector<1000x128xf32>
    %mul3A_28 = arith.mulf %div3A_25, %mul3A_27 : vector<1000x128xf32>
    %broadcast_in_dim3A_29 = vector.shape_cast %gt3A_23 : vector<1000x1xi1> to vector<1000x1xi1>
    %broadcast_in_dim3A_30 = vector.broadcast %broadcast_in_dim3A_29 : vector<1000x1xi1> to vector<1000x128xi1>
    %select_n3A = arith.select %broadcast_in_dim3A_30, %mul3A_28, %div3A_13 : vector<1000x128xi1>, vector<1000x128xf32>
    %mul3A_31 = arith.mulf %select_n3A, %select_n3A : vector<1000x128xf32>
    %reduce_sum3A_32 = arith.constant dense<0.000000e+00> : vector<1000xf32>
    %reduce_sum3A_33 = vector.multi_reduction <add>, %mul3A_31, %reduce_sum3A_32 [1] : vector<1000x128xf32> to vector<1000xf32>
    %broadcast_in_dim3A_34 = vector.shape_cast %reduce_sum3A_33 : vector<1000xf32> to vector<1000x1xf32>
    %sqrt3A_35 = math.sqrt %broadcast_in_dim3A_34 : vector<1000x1xf32>
    %max3A_36 = arith.constant 1.000000e-15 : f32
    %max3A_37 = vector.broadcast %max3A_36 : f32 to vector<1000x1xf32>
    %max3A_38 = arith.maximumf %sqrt3A_35, %max3A_37 : vector<1000x1xf32>
    %dot_general3A = arith.constant dense<0.000000e+00> : vector<1000x128xf32>
    %dot_general3A_39 = tpu.matmul %select_n3A, %get3A_4, %dot_general3A {dimension_numbers = #tpu.dot_dimension_numbers<[1], [1], [0], [0], [0, 0, 1, 0], [], []>, precision = #tpu.contract_precision<fp32>, transpose_lhs_hint = false} : vector<1000x128xf32>, vector<128x128xf32>, vector<1000x128xf32> -> vector<1000x128xf32>
    %mul3A_40 = arith.mulf %dot_general3A_39, %dot_general3A_39 : vector<1000x128xf32>
    %reduce_sum3A_41 = arith.constant dense<0.000000e+00> : vector<1000xf32>
    %reduce_sum3A_42 = vector.multi_reduction <add>, %mul3A_40, %reduce_sum3A_41 [1] : vector<1000x128xf32> to vector<1000xf32>
    %broadcast_in_dim3A_43 = vector.shape_cast %reduce_sum3A_42 : vector<1000xf32> to vector<1000x1xf32>
    %sqrt3A_44 = math.sqrt %broadcast_in_dim3A_43 : vector<1000x1xf32>
    %max3A_45 = arith.constant 1.000000e-15 : f32
    %max3A_46 = vector.broadcast %max3A_45 : f32 to vector<1000x1xf32>
    %max3A_47 = arith.maximumf %sqrt3A_44, %max3A_46 : vector<1000x1xf32>
    %div3A_48 = arith.divf %max3A_47, %max3A_38 : vector<1000x1xf32>
    %jit3A = arith.constant -0.99999988 : f32
    %jit3A_49 = arith.constant 0.99999988 : f32
    %max3A_50 = vector.broadcast %jit3A : f32 to vector<1000x1xf32>
    %max3A_51 = arith.maximumf %max3A_50, %max3A_38 : vector<1000x1xf32>
    %min3A = vector.broadcast %jit3A_49 : f32 to vector<1000x1xf32>
    %min3A_52 = arith.minimumf %min3A, %max3A_51 : vector<1000x1xf32>
    %log1p3A = math.log1p %min3A_52 : vector<1000x1xf32>
    %neg3A = arith.constant 0.000000e+00 : f32
    %neg3A_53 = vector.broadcast %neg3A : f32 to vector<1000x1xf32>
    %neg3A_54 = arith.subf %neg3A_53, %min3A_52 : vector<1000x1xf32>
    %log1p3A_55 = math.log1p %neg3A_54 : vector<1000x1xf32>
    %sub3A = arith.subf %log1p3A, %log1p3A_55 : vector<1000x1xf32>
    %mul3A_56 = arith.constant 5.000000e-01 : f32
    %mul3A_57 = vector.broadcast %mul3A_56 : f32 to vector<1000x1xf32>
    %mul3A_58 = arith.mulf %mul3A_57, %sub3A : vector<1000x1xf32>
    %mul3A_59 = arith.mulf %div3A_48, %mul3A_58 : vector<1000x1xf32>
    %tanh3A_60 = math.tanh %mul3A_59 : vector<1000x1xf32>
    %mul3A_61 = vector.broadcast %tanh3A_60 : vector<1000x1xf32> to vector<1000x128xf32>
    %mul3A_62 = arith.mulf %mul3A_61, %dot_general3A_39 : vector<1000x128xf32>
    %div3A_63 = vector.broadcast %max3A_47 : vector<1000x1xf32> to vector<1000x128xf32>
    %div3A_64 = arith.divf %mul3A_62, %div3A_63 : vector<1000x128xf32>
    %eq3A = arith.constant 0.000000e+00 : f32
    %eq3A_65 = vector.broadcast %eq3A : f32 to vector<1000x128xf32>
    %eq3A_66 = arith.cmpf oeq, %dot_general3A_39, %eq3A_65 : vector<1000x128xf32>
    %reduce_and3A = arith.constant 1.000000e+00 : f32
    %reduce_and3A_67 = arith.constant 0.000000e+00 : f32
    %reduce_and3A_68 = vector.broadcast %reduce_and3A : f32 to vector<1000x128xf32>
    %reduce_and3A_69 = vector.broadcast %reduce_and3A_67 : f32 to vector<1000x128xf32>
    %reduce_and3A_70 = arith.select %eq3A_66, %reduce_and3A_68, %reduce_and3A_69 : vector<1000x128xi1>, vector<1000x128xf32>
    %reduce_and3A_71 = arith.constant dense<0x7F800000> : vector<1000xf32>
    %reduce_and3A_72 = vector.multi_reduction <minimumf>, %reduce_and3A_70, %reduce_and3A_71 [1] : vector<1000x128xf32> to vector<1000xf32>
    %reduce_and3A_73 = arith.constant 0.000000e+00 : f32
    %reduce_and3A_74 = vector.broadcast %reduce_and3A_73 : f32 to vector<1000xf32>
    %reduce_and3A_75 = arith.cmpf ogt, %reduce_and3A_72, %reduce_and3A_74 : vector<1000xf32>
    %broadcast_in_dim3A_76 = vector.shape_cast %reduce_and3A_75 : vector<1000xi1> to vector<1000x1xi1>
    %jit3A_77 = arith.constant 0.000000e+00 : f32
    %broadcast_in_dim3A_78 = vector.shape_cast %broadcast_in_dim3A_76 : vector<1000x1xi1> to vector<1000x1xi1>
    %broadcast_in_dim3A_79 = vector.broadcast %broadcast_in_dim3A_78 : vector<1000x1xi1> to vector<1000x128xi1>
    %broadcast_in_dim3A_80 = vector.broadcast %jit3A_77 : f32 to vector<1000x128xf32>
    %select_n3A_81 = arith.select %broadcast_in_dim3A_79, %broadcast_in_dim3A_80, %div3A_64 : vector<1000x128xi1>, vector<1000x128xf32>
    %mul3A_82 = arith.mulf %select_n3A_81, %select_n3A_81 : vector<1000x128xf32>
    %reduce_sum3A_83 = arith.constant dense<0.000000e+00> : vector<1000xf32>
    %reduce_sum3A_84 = vector.multi_reduction <add>, %mul3A_82, %reduce_sum3A_83 [1] : vector<1000x128xf32> to vector<1000xf32>
    %broadcast_in_dim3A_85 = vector.shape_cast %reduce_sum3A_84 : vector<1000xf32> to vector<1000x1xf32>
    %sqrt3A_86 = math.sqrt %broadcast_in_dim3A_85 : vector<1000x1xf32>
    %max3A_87 = arith.constant 1.000000e-15 : f32
    %max3A_88 = vector.broadcast %max3A_87 : f32 to vector<1000x1xf32>
    %max3A_89 = arith.maximumf %sqrt3A_86, %max3A_88 : vector<1000x1xf32>
    %gt3A_90 = arith.constant 0.995999991 : f32
    %gt3A_91 = vector.broadcast %gt3A_90 : f32 to vector<1000x1xf32>
    %gt3A_92 = arith.cmpf ogt, %max3A_89, %gt3A_91 : vector<1000x1xf32>
    %div3A_93 = vector.broadcast %max3A_89 : vector<1000x1xf32> to vector<1000x128xf32>
    %div3A_94 = arith.divf %select_n3A_81, %div3A_93 : vector<1000x128xf32>
    %mul3A_95 = arith.constant 0.995999991 : f32
    %mul3A_96 = vector.broadcast %mul3A_95 : f32 to vector<1000x128xf32>
    %mul3A_97 = arith.mulf %div3A_94, %mul3A_96 : vector<1000x128xf32>
    %broadcast_in_dim3A_98 = vector.shape_cast %gt3A_92 : vector<1000x1xi1> to vector<1000x1xi1>
    %broadcast_in_dim3A_99 = vector.broadcast %broadcast_in_dim3A_98 : vector<1000x1xi1> to vector<1000x128xi1>
    %select_n3A_100 = arith.select %broadcast_in_dim3A_99, %mul3A_97, %select_n3A_81 : vector<1000x128xi1>, vector<1000x128xf32>
    %mul3A_101 = arith.mulf %get3A_7, %get3A_7 : vector<1x128xf32>
    %reduce_sum3A_102 = arith.constant dense<0.000000e+00> : vector<1xf32>
    %reduce_sum3A_103 = vector.multi_reduction <add>, %mul3A_101, %reduce_sum3A_102 [1] : vector<1x128xf32> to vector<1xf32>
    %broadcast_in_dim3A_104 = vector.shape_cast %reduce_sum3A_103 : vector<1xf32> to vector<1x1xf32>
    %sqrt3A_105 = math.sqrt %broadcast_in_dim3A_104 : vector<1x1xf32>
    %max3A_106 = arith.constant 1.000000e-15 : f32
    %max3A_107 = vector.broadcast %max3A_106 : f32 to vector<1x1xf32>
    %max3A_108 = arith.maximumf %sqrt3A_105, %max3A_107 : vector<1x1xf32>
    %tanh3A_109 = math.tanh %max3A_108 : vector<1x1xf32>
    %mul3A_110 = vector.broadcast %tanh3A_109 : vector<1x1xf32> to vector<1x128xf32>
    %mul3A_111 = arith.mulf %mul3A_110, %get3A_7 : vector<1x128xf32>
    %div3A_112 = vector.broadcast %max3A_108 : vector<1x1xf32> to vector<1x128xf32>
    %div3A_113 = arith.divf %mul3A_111, %div3A_112 : vector<1x128xf32>
    %mul3A_114 = arith.mulf %div3A_113, %div3A_113 : vector<1x128xf32>
    %reduce_sum3A_115 = arith.constant dense<0.000000e+00> : vector<1xf32>
    %reduce_sum3A_116 = vector.multi_reduction <add>, %mul3A_114, %reduce_sum3A_115 [1] : vector<1x128xf32> to vector<1xf32>
    %broadcast_in_dim3A_117 = vector.shape_cast %reduce_sum3A_116 : vector<1xf32> to vector<1x1xf32>
    %sqrt3A_118 = math.sqrt %broadcast_in_dim3A_117 : vector<1x1xf32>
    %max3A_119 = arith.constant 1.000000e-15 : f32
    %max3A_120 = vector.broadcast %max3A_119 : f32 to vector<1x1xf32>
    %max3A_121 = arith.maximumf %sqrt3A_118, %max3A_120 : vector<1x1xf32>
    %gt3A_122 = arith.constant 0.995999991 : f32
    %gt3A_123 = vector.broadcast %gt3A_122 : f32 to vector<1x1xf32>
    %gt3A_124 = arith.cmpf ogt, %max3A_121, %gt3A_123 : vector<1x1xf32>
    %div3A_125 = vector.broadcast %max3A_121 : vector<1x1xf32> to vector<1x128xf32>
    %div3A_126 = arith.divf %div3A_113, %div3A_125 : vector<1x128xf32>
    %mul3A_127 = arith.constant 0.995999991 : f32
    %mul3A_128 = vector.broadcast %mul3A_127 : f32 to vector<1x128xf32>
    %mul3A_129 = arith.mulf %div3A_126, %mul3A_128 : vector<1x128xf32>
    %broadcast_in_dim3A_130 = vector.shape_cast %gt3A_124 : vector<1x1xi1> to vector<1x1xi1>
    %broadcast_in_dim3A_131 = vector.broadcast %broadcast_in_dim3A_130 : vector<1x1xi1> to vector<1x128xi1>
    %select_n3A_132 = arith.select %broadcast_in_dim3A_131, %mul3A_129, %div3A_113 : vector<1x128xi1>, vector<1x128xf32>
    %mul3A_133 = arith.mulf %select_n3A_100, %select_n3A_100 : vector<1000x128xf32>
    %reduce_sum3A_134 = arith.constant dense<0.000000e+00> : vector<1000xf32>
    %reduce_sum3A_135 = vector.multi_reduction <add>, %mul3A_133, %reduce_sum3A_134 [1] : vector<1000x128xf32> to vector<1000xf32>
    %broadcast_in_dim3A_136 = vector.shape_cast %reduce_sum3A_135 : vector<1000xf32> to vector<1000x1xf32>
    %mul3A_137 = arith.mulf %select_n3A_132, %select_n3A_132 : vector<1x128xf32>
    %reduce_sum3A_138 = arith.constant dense<0.000000e+00> : vector<1xf32>
    %reduce_sum3A_139 = vector.multi_reduction <add>, %mul3A_137, %reduce_sum3A_138 [1] : vector<1x128xf32> to vector<1xf32>
    %broadcast_in_dim3A_140 = vector.shape_cast %reduce_sum3A_139 : vector<1xf32> to vector<1x1xf32>
    %mul3A_141 = vector.broadcast %select_n3A_132 : vector<1x128xf32> to vector<1000x128xf32>
    %mul3A_142 = arith.mulf %select_n3A_100, %mul3A_141 : vector<1000x128xf32>
    %reduce_sum3A_143 = arith.constant dense<0.000000e+00> : vector<1000xf32>
    %reduce_sum3A_144 = vector.multi_reduction <add>, %mul3A_142, %reduce_sum3A_143 [1] : vector<1000x128xf32> to vector<1000xf32>
    %broadcast_in_dim3A_145 = vector.shape_cast %reduce_sum3A_144 : vector<1000xf32> to vector<1000x1xf32>
    %mul3A_146 = arith.constant 2.000000e+00 : f32
    %mul3A_147 = vector.broadcast %mul3A_146 : f32 to vector<1000x1xf32>
    %mul3A_148 = arith.mulf %mul3A_147, %broadcast_in_dim3A_145 : vector<1000x1xf32>
    %add3A = arith.constant 1.000000e+00 : f32
    %add3A_149 = vector.broadcast %add3A : f32 to vector<1000x1xf32>
    %add3A_150 = arith.addf %add3A_149, %mul3A_148 : vector<1000x1xf32>
    %add3A_151 = vector.broadcast %broadcast_in_dim3A_140 : vector<1x1xf32> to vector<1000x1xf32>
    %add3A_152 = arith.addf %add3A_150, %add3A_151 : vector<1000x1xf32>
    %mul3A_153 = vector.broadcast %add3A_152 : vector<1000x1xf32> to vector<1000x128xf32>
    %mul3A_154 = arith.mulf %mul3A_153, %select_n3A_100 : vector<1000x128xf32>
    %sub3A_155 = arith.constant 1.000000e+00 : f32
    %sub3A_156 = vector.broadcast %sub3A_155 : f32 to vector<1000x1xf32>
    %sub3A_157 = arith.subf %sub3A_156, %broadcast_in_dim3A_136 : vector<1000x1xf32>
    %mul3A_158 = vector.broadcast %sub3A_157 : vector<1000x1xf32> to vector<1000x128xf32>
    %mul3A_159 = vector.broadcast %select_n3A_132 : vector<1x128xf32> to vector<1000x128xf32>
    %mul3A_160 = arith.mulf %mul3A_158, %mul3A_159 : vector<1000x128xf32>
    %add3A_161 = arith.addf %mul3A_154, %mul3A_160 : vector<1000x128xf32>
    %mul3A_162 = arith.constant 2.000000e+00 : f32
    %mul3A_163 = vector.broadcast %mul3A_162 : f32 to vector<1000x1xf32>
    %mul3A_164 = arith.mulf %mul3A_163, %broadcast_in_dim3A_145 : vector<1000x1xf32>
    %add3A_165 = arith.constant 1.000000e+00 : f32
    %add3A_166 = vector.broadcast %add3A_165 : f32 to vector<1000x1xf32>
    %add3A_167 = arith.addf %add3A_166, %mul3A_164 : vector<1000x1xf32>
    %mul3A_168 = vector.broadcast %broadcast_in_dim3A_140 : vector<1x1xf32> to vector<1000x1xf32>
    %mul3A_169 = arith.mulf %broadcast_in_dim3A_136, %mul3A_168 : vector<1000x1xf32>
    %add3A_170 = arith.addf %add3A_167, %mul3A_169 : vector<1000x1xf32>
    %max3A_171 = arith.constant 1.000000e-15 : f32
    %max3A_172 = vector.broadcast %max3A_171 : f32 to vector<1000x1xf32>
    %max3A_173 = arith.maximumf %add3A_170, %max3A_172 : vector<1000x1xf32>
    %div3A_174 = vector.broadcast %max3A_173 : vector<1000x1xf32> to vector<1000x128xf32>
    %div3A_175 = arith.divf %add3A_161, %div3A_174 : vector<1000x128xf32>
    %mul3A_176 = arith.mulf %div3A_175, %div3A_175 : vector<1000x128xf32>
    %reduce_sum3A_177 = arith.constant dense<0.000000e+00> : vector<1000xf32>
    %reduce_sum3A_178 = vector.multi_reduction <add>, %mul3A_176, %reduce_sum3A_177 [1] : vector<1000x128xf32> to vector<1000xf32>
    %broadcast_in_dim3A_179 = vector.shape_cast %reduce_sum3A_178 : vector<1000xf32> to vector<1000x1xf32>
    %sqrt3A_180 = math.sqrt %broadcast_in_dim3A_179 : vector<1000x1xf32>
    %max3A_181 = arith.constant 1.000000e-15 : f32
    %max3A_182 = vector.broadcast %max3A_181 : f32 to vector<1000x1xf32>
    %max3A_183 = arith.maximumf %sqrt3A_180, %max3A_182 : vector<1000x1xf32>
    %gt3A_184 = arith.constant 0.995999991 : f32
    %gt3A_185 = vector.broadcast %gt3A_184 : f32 to vector<1000x1xf32>
    %gt3A_186 = arith.cmpf ogt, %max3A_183, %gt3A_185 : vector<1000x1xf32>
    %div3A_187 = vector.broadcast %max3A_183 : vector<1000x1xf32> to vector<1000x128xf32>
    %div3A_188 = arith.divf %div3A_175, %div3A_187 : vector<1000x128xf32>
    %mul3A_189 = arith.constant 0.995999991 : f32
    %mul3A_190 = vector.broadcast %mul3A_189 : f32 to vector<1000x128xf32>
    %mul3A_191 = arith.mulf %div3A_188, %mul3A_190 : vector<1000x128xf32>
    %broadcast_in_dim3A_192 = vector.shape_cast %gt3A_186 : vector<1000x1xi1> to vector<1000x1xi1>
    %broadcast_in_dim3A_193 = vector.broadcast %broadcast_in_dim3A_192 : vector<1000x1xi1> to vector<1000x128xi1>
    %select_n3A_194 = arith.select %broadcast_in_dim3A_193, %mul3A_191, %div3A_175 : vector<1000x128xi1>, vector<1000x128xf32>
    %mul3A_195 = arith.mulf %select_n3A_194, %select_n3A_194 : vector<1000x128xf32>
    %reduce_sum3A_196 = arith.constant dense<0.000000e+00> : vector<1000xf32>
    %reduce_sum3A_197 = vector.multi_reduction <add>, %mul3A_195, %reduce_sum3A_196 [1] : vector<1000x128xf32> to vector<1000xf32>
    %broadcast_in_dim3A_198 = vector.shape_cast %reduce_sum3A_197 : vector<1000xf32> to vector<1000x1xf32>
    %sqrt3A_199 = math.sqrt %broadcast_in_dim3A_198 : vector<1000x1xf32>
    %max3A_200 = arith.constant 1.000000e-15 : f32
    %max3A_201 = vector.broadcast %max3A_200 : f32 to vector<1000x1xf32>
    %max3A_202 = arith.maximumf %sqrt3A_199, %max3A_201 : vector<1000x1xf32>
    %div3A_203 = vector.broadcast %max3A_202 : vector<1000x1xf32> to vector<1000x128xf32>
    %div3A_204 = arith.divf %select_n3A_194, %div3A_203 : vector<1000x128xf32>
    %jit3A_205 = arith.constant -0.99999988 : f32
    %jit3A_206 = arith.constant 0.99999988 : f32
    %max3A_207 = vector.broadcast %jit3A_205 : f32 to vector<1000x1xf32>
    %max3A_208 = arith.maximumf %max3A_207, %max3A_202 : vector<1000x1xf32>
    %min3A_209 = vector.broadcast %jit3A_206 : f32 to vector<1000x1xf32>
    %min3A_210 = arith.minimumf %min3A_209, %max3A_208 : vector<1000x1xf32>
    %log1p3A_211 = math.log1p %min3A_210 : vector<1000x1xf32>
    %neg3A_212 = arith.constant 0.000000e+00 : f32
    %neg3A_213 = vector.broadcast %neg3A_212 : f32 to vector<1000x1xf32>
    %neg3A_214 = arith.subf %neg3A_213, %min3A_210 : vector<1000x1xf32>
    %log1p3A_215 = math.log1p %neg3A_214 : vector<1000x1xf32>
    %sub3A_216 = arith.subf %log1p3A_211, %log1p3A_215 : vector<1000x1xf32>
    %mul3A_217 = arith.constant 5.000000e-01 : f32
    %mul3A_218 = vector.broadcast %mul3A_217 : f32 to vector<1000x1xf32>
    %mul3A_219 = arith.mulf %mul3A_218, %sub3A_216 : vector<1000x1xf32>
    %mul3A_220 = vector.broadcast %mul3A_219 : vector<1000x1xf32> to vector<1000x128xf32>
    %mul3A_221 = arith.mulf %div3A_204, %mul3A_220 : vector<1000x128xf32>
    %convert_element_type3A = arith.truncf %mul3A_221 : vector<1000x128xf32> to vector<1000x128xbf16>
    %swap3A = arith.constant 0 : index
    %swap3A_222 = arith.constant 0 : index
    %swap3A_223 = vector.load %arg4[%swap3A, %swap3A_222] : memref<1000x128xbf16, #tpu.memory_space<vmem>>, vector<1000x128xbf16>
    tpu.vector_store %arg4[%swap3A, %swap3A_222], %convert_element_type3A {strides = array<i32>} : memref<1000x128xbf16, #tpu.memory_space<vmem>>, vector<1000x128xbf16>,
    return
  }
  func.func @transform_0(%arg0: i32) -> (i32, i32) {
    %c0_i32 = arith.constant 0 : i32
    %c0_i32_0 = arith.constant 0 : i32
    return %arg0, %c0_i32 : i32, i32
  }
  func.func @transform_1(%arg0: i32) -> (i32, i32) {
    %c0_i32 = arith.constant 0 : i32
    %c0_i32_0 = arith.constant 0 : i32
    %c0_i32_1 = arith.constant 0 : i32
    return %c0_i32, %c0_i32_0 : i32, i32
  }
  func.func @transform_2(%arg0: i32) -> (i32, i32) {
    %c0_i32 = arith.constant 0 : i32
    %c0_i32_0 = arith.constant 0 : i32
    %c0_i32_1 = arith.constant 0 : i32
    return %c0_i32, %c0_i32_0 : i32, i32
  }
  func.func @transform_3(%arg0: i32) -> (i32, i32) {
    %c0_i32 = arith.constant 0 : i32
    %c0_i32_0 = arith.constant 0 : i32
    return %arg0, %c0_i32 : i32, i32
  }
}

module attributes {stable_mosaic.version = 14 : i64} {
  func.func @_phase_c_body(%arg0: i32, %arg1: memref<1x1000x128xbf16, #tpu.memory_space<vmem>>, %arg2: memref<1x1000x128xbf16, #tpu.memory_space<vmem>>, %arg3: memref<1x1000x16xf32, #tpu.memory_space<vmem>>, %arg4: memref<1x1000x16xf32, #tpu.memory_space<vmem>>, %arg5: memref<1000x128xf32, #tpu.memory_space<vmem>>) attributes {dimension_semantics = [#tpu.dimension_semantics<arbitrary>], iteration_bounds = array<i64: 10>, scalar_prefetch = 0 : i64, scratch_operands = 0 : i64, tpu.core_type = #tpu.core_type<tc>, window_params = [{transform_indices = @transform_0, window_bounds = array<i64: 1, 1000, 128>}, {transform_indices = @transform_1, window_bounds = array<i64: 1, 1000, 128>}, {transform_indices = @transform_2, window_bounds = array<i64: 1, 1000, 16>}, {transform_indices = @transform_3, window_bounds = array<i64: 1, 1000, 16>}, {transform_indices = @transform_4, window_bounds = array<i64: 1000, 128>}]} {
    %get3A = arith.constant 0 : index
    %get3A_0 = arith.constant 0 : index
    %get3A_1 = arith.constant 0 : index
    %get3A_2 = vector.load %arg1[%get3A, %get3A_0, %get3A_1] : memref<1x1000x128xbf16, #tpu.memory_space<vmem>>, vector<1x1000x128xbf16>
    %get3A_3 = vector.shape_cast %get3A_2 : vector<1x1000x128xbf16> to vector<1000x128xbf16>
    %convert_element_type3A = arith.extf %get3A_3 : vector<1000x128xbf16> to vector<1000x128xf32>
    %get3A_4 = arith.constant 0 : index
    %get3A_5 = arith.constant 0 : index
    %get3A_6 = arith.constant 0 : index
    %get3A_7 = vector.load %arg2[%get3A_4, %get3A_5, %get3A_6] : memref<1x1000x128xbf16, #tpu.memory_space<vmem>>, vector<1x1000x128xbf16>
    %get3A_8 = vector.shape_cast %get3A_7 : vector<1x1000x128xbf16> to vector<1000x128xbf16>
    %convert_element_type3A_9 = arith.extf %get3A_8 : vector<1000x128xbf16> to vector<1000x128xf32>
    %add3A = arith.addf %convert_element_type3A, %convert_element_type3A_9 : vector<1000x128xf32>
    %get3A_10 = arith.constant 0 : index
    %get3A_11 = arith.constant 0 : index
    %get3A_12 = arith.constant 0 : index
    %get3A_13 = vector.load %arg3[%get3A_10, %get3A_11, %get3A_12] : memref<1x1000x16xf32, #tpu.memory_space<vmem>>, vector<1x1000x16xf32>
    %get3A_14 = vector.shape_cast %get3A_13 : vector<1x1000x16xf32> to vector<1000x16xf32>
    %slice3A = vector.extract_strided_slice %get3A_14 {offsets = [0, 0], sizes = [1000, 1], strides = [1, 1]} : vector<1000x16xf32> to vector<1000x1xf32>
    %get3A_15 = arith.constant 0 : index
    %get3A_16 = arith.constant 0 : index
    %get3A_17 = arith.constant 0 : index
    %get3A_18 = vector.load %arg4[%get3A_15, %get3A_16, %get3A_17] : memref<1x1000x16xf32, #tpu.memory_space<vmem>>, vector<1x1000x16xf32>
    %get3A_19 = vector.shape_cast %get3A_18 : vector<1x1000x16xf32> to vector<1000x16xf32>
    %slice3A_20 = vector.extract_strided_slice %get3A_19 {offsets = [0, 0], sizes = [1000, 1], strides = [1, 1]} : vector<1000x16xf32> to vector<1000x1xf32>
    %add3A_21 = arith.addf %slice3A, %slice3A_20 : vector<1000x1xf32>
    %max3A = arith.constant 1.000000e+00 : f32
    %max3A_22 = vector.broadcast %max3A : f32 to vector<1000x1xf32>
    %max3A_23 = arith.maximumf %add3A_21, %max3A_22 : vector<1000x1xf32>
    %div3A = vector.broadcast %max3A_23 : vector<1000x1xf32> to vector<1000x128xf32>
    %div3A_24 = arith.divf %add3A, %div3A : vector<1000x128xf32>
    %mul3A = arith.mulf %div3A_24, %div3A_24 : vector<1000x128xf32>
    %reduce_sum3A = arith.constant dense<0.000000e+00> : vector<1000xf32>
    %reduce_sum3A_25 = vector.multi_reduction <add>, %mul3A, %reduce_sum3A [1] : vector<1000x128xf32> to vector<1000xf32>
    %broadcast_in_dim3A = vector.shape_cast %reduce_sum3A_25 : vector<1000xf32> to vector<1000x1xf32>
    %sqrt3A = math.sqrt %broadcast_in_dim3A : vector<1000x1xf32>
    %max3A_26 = arith.constant 1.000000e-15 : f32
    %max3A_27 = vector.broadcast %max3A_26 : f32 to vector<1000x1xf32>
    %max3A_28 = arith.maximumf %sqrt3A, %max3A_27 : vector<1000x1xf32>
    %tanh3A = math.tanh %max3A_28 : vector<1000x1xf32>
    %mul3A_29 = vector.broadcast %tanh3A : vector<1000x1xf32> to vector<1000x128xf32>
    %mul3A_30 = arith.mulf %mul3A_29, %div3A_24 : vector<1000x128xf32>
    %div3A_31 = vector.broadcast %max3A_28 : vector<1000x1xf32> to vector<1000x128xf32>
    %div3A_32 = arith.divf %mul3A_30, %div3A_31 : vector<1000x128xf32>
    %mul3A_33 = arith.mulf %div3A_32, %div3A_32 : vector<1000x128xf32>
    %reduce_sum3A_34 = arith.constant dense<0.000000e+00> : vector<1000xf32>
    %reduce_sum3A_35 = vector.multi_reduction <add>, %mul3A_33, %reduce_sum3A_34 [1] : vector<1000x128xf32> to vector<1000xf32>
    %broadcast_in_dim3A_36 = vector.shape_cast %reduce_sum3A_35 : vector<1000xf32> to vector<1000x1xf32>
    %sqrt3A_37 = math.sqrt %broadcast_in_dim3A_36 : vector<1000x1xf32>
    %max3A_38 = arith.constant 1.000000e-15 : f32
    %max3A_39 = vector.broadcast %max3A_38 : f32 to vector<1000x1xf32>
    %max3A_40 = arith.maximumf %sqrt3A_37, %max3A_39 : vector<1000x1xf32>
    %gt3A = arith.constant 0.995999991 : f32
    %gt3A_41 = vector.broadcast %gt3A : f32 to vector<1000x1xf32>
    %gt3A_42 = arith.cmpf ogt, %max3A_40, %gt3A_41 : vector<1000x1xf32>
    %div3A_43 = vector.broadcast %max3A_40 : vector<1000x1xf32> to vector<1000x128xf32>
    %div3A_44 = arith.divf %div3A_32, %div3A_43 : vector<1000x128xf32>
    %mul3A_45 = arith.constant 0.995999991 : f32
    %mul3A_46 = vector.broadcast %mul3A_45 : f32 to vector<1000x128xf32>
    %mul3A_47 = arith.mulf %div3A_44, %mul3A_46 : vector<1000x128xf32>
    %broadcast_in_dim3A_48 = vector.shape_cast %gt3A_42 : vector<1000x1xi1> to vector<1000x1xi1>
    %broadcast_in_dim3A_49 = vector.broadcast %broadcast_in_dim3A_48 : vector<1000x1xi1> to vector<1000x128xi1>
    %select_n3A = arith.select %broadcast_in_dim3A_49, %mul3A_47, %div3A_32 : vector<1000x128xi1>, vector<1000x128xf32>
    %mul3A_50 = arith.mulf %select_n3A, %select_n3A : vector<1000x128xf32>
    %reduce_sum3A_51 = arith.constant dense<0.000000e+00> : vector<1000xf32>
    %reduce_sum3A_52 = vector.multi_reduction <add>, %mul3A_50, %reduce_sum3A_51 [1] : vector<1000x128xf32> to vector<1000xf32>
    %broadcast_in_dim3A_53 = vector.shape_cast %reduce_sum3A_52 : vector<1000xf32> to vector<1000x1xf32>
    %sqrt3A_54 = math.sqrt %broadcast_in_dim3A_53 : vector<1000x1xf32>
    %max3A_55 = arith.constant 1.000000e-15 : f32
    %max3A_56 = vector.broadcast %max3A_55 : f32 to vector<1000x1xf32>
    %max3A_57 = arith.maximumf %sqrt3A_54, %max3A_56 : vector<1000x1xf32>
    %div3A_58 = vector.broadcast %max3A_57 : vector<1000x1xf32> to vector<1000x128xf32>
    %div3A_59 = arith.divf %select_n3A, %div3A_58 : vector<1000x128xf32>
    %jit3A = arith.constant -0.99999988 : f32
    %jit3A_60 = arith.constant 0.99999988 : f32
    %max3A_61 = vector.broadcast %jit3A : f32 to vector<1000x1xf32>
    %max3A_62 = arith.maximumf %max3A_61, %max3A_57 : vector<1000x1xf32>
    %min3A = vector.broadcast %jit3A_60 : f32 to vector<1000x1xf32>
    %min3A_63 = arith.minimumf %min3A, %max3A_62 : vector<1000x1xf32>
    %log1p3A = math.log1p %min3A_63 : vector<1000x1xf32>
    %neg3A = arith.constant 0.000000e+00 : f32
    %neg3A_64 = vector.broadcast %neg3A : f32 to vector<1000x1xf32>
    %neg3A_65 = arith.subf %neg3A_64, %min3A_63 : vector<1000x1xf32>
    %log1p3A_66 = math.log1p %neg3A_65 : vector<1000x1xf32>
    %sub3A = arith.subf %log1p3A, %log1p3A_66 : vector<1000x1xf32>
    %mul3A_67 = arith.constant 5.000000e-01 : f32
    %mul3A_68 = vector.broadcast %mul3A_67 : f32 to vector<1000x1xf32>
    %mul3A_69 = arith.mulf %mul3A_68, %sub3A : vector<1000x1xf32>
    %mul3A_70 = vector.broadcast %mul3A_69 : vector<1000x1xf32> to vector<1000x128xf32>
    %mul3A_71 = arith.mulf %div3A_59, %mul3A_70 : vector<1000x128xf32>
    %max3A_72 = arith.constant 0.000000e+00 : f32
    %max3A_73 = vector.broadcast %max3A_72 : f32 to vector<1000x128xf32>
    %max3A_74 = arith.maximumf %mul3A_71, %max3A_73 : vector<1000x128xf32>
    %mul3A_75 = arith.mulf %max3A_74, %max3A_74 : vector<1000x128xf32>
    %reduce_sum3A_76 = arith.constant dense<0.000000e+00> : vector<1000xf32>
    %reduce_sum3A_77 = vector.multi_reduction <add>, %mul3A_75, %reduce_sum3A_76 [1] : vector<1000x128xf32> to vector<1000xf32>
    %broadcast_in_dim3A_78 = vector.shape_cast %reduce_sum3A_77 : vector<1000xf32> to vector<1000x1xf32>
    %sqrt3A_79 = math.sqrt %broadcast_in_dim3A_78 : vector<1000x1xf32>
    %max3A_80 = arith.constant 1.000000e-15 : f32
    %max3A_81 = vector.broadcast %max3A_80 : f32 to vector<1000x1xf32>
    %max3A_82 = arith.maximumf %sqrt3A_79, %max3A_81 : vector<1000x1xf32>
    %tanh3A_83 = math.tanh %max3A_82 : vector<1000x1xf32>
    %mul3A_84 = vector.broadcast %tanh3A_83 : vector<1000x1xf32> to vector<1000x128xf32>
    %mul3A_85 = arith.mulf %mul3A_84, %max3A_74 : vector<1000x128xf32>
    %div3A_86 = vector.broadcast %max3A_82 : vector<1000x1xf32> to vector<1000x128xf32>
    %div3A_87 = arith.divf %mul3A_85, %div3A_86 : vector<1000x128xf32>
    %mul3A_88 = arith.mulf %div3A_87, %div3A_87 : vector<1000x128xf32>
    %reduce_sum3A_89 = arith.constant dense<0.000000e+00> : vector<1000xf32>
    %reduce_sum3A_90 = vector.multi_reduction <add>, %mul3A_88, %reduce_sum3A_89 [1] : vector<1000x128xf32> to vector<1000xf32>
    %broadcast_in_dim3A_91 = vector.shape_cast %reduce_sum3A_90 : vector<1000xf32> to vector<1000x1xf32>
    %sqrt3A_92 = math.sqrt %broadcast_in_dim3A_91 : vector<1000x1xf32>
    %max3A_93 = arith.constant 1.000000e-15 : f32
    %max3A_94 = vector.broadcast %max3A_93 : f32 to vector<1000x1xf32>
    %max3A_95 = arith.maximumf %sqrt3A_92, %max3A_94 : vector<1000x1xf32>
    %gt3A_96 = arith.constant 0.995999991 : f32
    %gt3A_97 = vector.broadcast %gt3A_96 : f32 to vector<1000x1xf32>
    %gt3A_98 = arith.cmpf ogt, %max3A_95, %gt3A_97 : vector<1000x1xf32>
    %div3A_99 = vector.broadcast %max3A_95 : vector<1000x1xf32> to vector<1000x128xf32>
    %div3A_100 = arith.divf %div3A_87, %div3A_99 : vector<1000x128xf32>
    %mul3A_101 = arith.constant 0.995999991 : f32
    %mul3A_102 = vector.broadcast %mul3A_101 : f32 to vector<1000x128xf32>
    %mul3A_103 = arith.mulf %div3A_100, %mul3A_102 : vector<1000x128xf32>
    %broadcast_in_dim3A_104 = vector.shape_cast %gt3A_98 : vector<1000x1xi1> to vector<1000x1xi1>
    %broadcast_in_dim3A_105 = vector.broadcast %broadcast_in_dim3A_104 : vector<1000x1xi1> to vector<1000x128xi1>
    %select_n3A_106 = arith.select %broadcast_in_dim3A_105, %mul3A_103, %div3A_87 : vector<1000x128xi1>, vector<1000x128xf32>
    %swap3A = arith.constant 0 : index
    %swap3A_107 = arith.constant 0 : index
    %swap3A_108 = vector.load %arg5[%swap3A, %swap3A_107] : memref<1000x128xf32, #tpu.memory_space<vmem>>, vector<1000x128xf32>
    tpu.vector_store %arg5[%swap3A, %swap3A_107], %select_n3A_106 {strides = array<i32>} : memref<1000x128xf32, #tpu.memory_space<vmem>>, vector<1000x128xf32>,
    return
  }
  func.func @transform_0(%arg0: i32) -> (i32, i32, i32) {
    %c0_i32 = arith.constant 0 : i32
    %c0_i32_0 = arith.constant 0 : i32
    %c0_i32_1 = arith.constant 0 : i32
    return %c0_i32, %arg0, %c0_i32_0 : i32, i32, i32
  }
  func.func @transform_1(%arg0: i32) -> (i32, i32, i32) {
    %c1_i32 = arith.constant 1 : i32
    %c0_i32 = arith.constant 0 : i32
    %c0_i32_0 = arith.constant 0 : i32
    return %c1_i32, %arg0, %c0_i32 : i32, i32, i32
  }
  func.func @transform_2(%arg0: i32) -> (i32, i32, i32) {
    %c0_i32 = arith.constant 0 : i32
    %c0_i32_0 = arith.constant 0 : i32
    %c0_i32_1 = arith.constant 0 : i32
    return %c0_i32, %arg0, %c0_i32_0 : i32, i32, i32
  }
  func.func @transform_3(%arg0: i32) -> (i32, i32, i32) {
    %c1_i32 = arith.constant 1 : i32
    %c0_i32 = arith.constant 0 : i32
    %c0_i32_0 = arith.constant 0 : i32
    return %c1_i32, %arg0, %c0_i32 : i32, i32, i32
  }
  func.func @transform_4(%arg0: i32) -> (i32, i32) {
    %c0_i32 = arith.constant 0 : i32
    %c0_i32_0 = arith.constant 0 : i32
    return %arg0, %c0_i32 : i32, i32
  }
}

</mosaic_0001>

<sc_bundles>
// kernel: kernel.5.cloned.1.call-start
scs
__scs_entry_jumppad:
0x0: {  	(pc) =	sbr.rel $0x88, $3  }
0x1: {  	(tag) =	ssettag $0x0;
	lr =	simm.s32 $0x1  }
0x2: {  	[smem:$0x3F9D] =	sst lr;
	_ =	strace $0xD0000000  }
0x3: {  	_ = 	snop  }
0x4: {  	_ = 	snop  }
0x5: {  	_ = 	snop  }
0x6: {  	_ = 	snop  }
0x7: {  	_ = 	snop  }
__scs_overlays_trampoline_lowered:
0x8: {  	[smem:$0x3FAC] =	sst s0  }
0x9: {  	[smem:$0x3FAD] =	sst s1  }
0xa: {  	[smem:$0x3FAE] =	sst s2  }
0xb: {  	[smem:$0x3FAF] =	sst s3  }
0xc: {  	[smem:$0x3FB0] =	sst s4  }
0xd: {  	[smem:$0x3FB1] =	sst s5  }
0xe: {  	[smem:$0x3FB2] =	sst s6  }
0xf: {  	[smem:$0x3FB3] =	sst s7  }
0x10: {  	[smem:$0x3FB4] =	sst s8  }
0x11: {  	[smem:$0x3FB5] =	sst s9;
	s0 =	simm.s32 @!p0 $0x0  }
0x12: {  	s1 =	sld [smem:$0x3F9B];
	s0 =	simm.s32 @p0 $0x1  }
0x13: {  	[smem:$0x3FB6] =	sst s0;
	s0 =	simm.s32 @!p1 $0x0  }
0x14: {  	s2 =	sld [smem:$0x3F9A];
	s0 =	simm.s32 @p1 $0x1  }
0x15: {  	[smem:$0x3FB7] =	sst s0;
	s0 =	simm.s32 @!p2 $0x0  }
0x16: {  	s3 =	sld [smem:$0x3FDB];
	s0 =	simm.s32 @p2 $0x1  }
0x17: {  	s4 =	simm.s32 $0x1BF5;
	[smem:$0x3FB9] =	sst s0  }
0x18: {  	s0 =	sld [smem:$0x3F9C];
	_ =	swait.ge [sflag:s4], $0x0  }
0x19: {  	s7 =	sld [smem:$0x3F9D]  }
0x1a: {  	s8 =	sadd.s32 $0xFFFFE003, lr  }
0x1b: {  	s9 =	sadd.s32 $0xFFFFFEF7, lr;
	s5 =	simm.s32 $0xFFFFFFFF;
	p2 =	slt.u32 s8, $0xFFFFF086  }
0x1c: {  	p1 =	slt.u32 s9, $0xF7A;
	s5 =	simm.s32 @!p2 $0x0  }
0x1d: {  	s5 =	simm.s32 @p1 $0x1;
	p0 =	seq.s32 s7, s2  }
0x1e: {  	s7 =	smul.u32 @!p0 $0xF7A, s2;
	p2 =	seq.s32 @!p0 s5, $0x0  }
0x1f: {  	s9 =	smul.u32 $0xF7A, s1;
	s8 =	simm.s32 @!p0 $0x1BF5;
	p2 =	por !p2, p0  }
0x20: {  	[sflag:s8] =	ssyncset.s32 @!p0 $0xFFFFF086;
	s6 =	sadd.s32 @!p0 s3, s7;
	s7 =	simm.s32 @!p0 $0x108  }
0x21: {  	s3 =	sadd.s32 s3, s9;
	s6 =	sadd.s32 @!p0 $0x88, s6;
	s7 =	simm.s32 @p2 $0x1082  }
0x22: {  	[simem:s7], [sflag:s8] =	dma.local @!p0 [hbm:s6], $0xF7A  }
0x23: {  	s9 =	sor.u32 $0xD0000000, s2;
	s6 =	simm.s32 $0x108;
	_ =	swait.ge @!p0 [sflag:s8], $0x0  }
0x24: {  	s3 =	sadd.s32 $0x88, s3;
	s6 =	simm.s32 @!p1 $0x1082;
	[sflag:s4] =	ssyncset.s32 $0xFFFFF086  }
0x25: {  	[simem:s6], [sflag:s4] =	dma.local [hbm:s3], $0xF7A  }
0x26: {  	[smem:$0x3F9D] =	sst s1;
	(tag) =	ssettag s2;
	_ =	strace s9  }
0x27: {  	s1 =	sld [smem:$0x3FAD]  }
0x28: {  	s2 =	sld [smem:$0x3FAE]  }
0x29: {  	s4 =	sld [smem:$0x3FB0]  }
0x2a: {  	p0 =	seq.s32 s5, $0x0;
	s5 =	sld [smem:$0x3FB1]  }
0x2b: {  	s6 =	sld [smem:$0x3FB2]  }
0x2c: {  	s7 =	sld [smem:$0x3FB3]  }
0x2d: {  	s3 =	simm.s32 $0x108;
	s8 =	sld [smem:$0x3FB4]  }
0x2e: {  	s3 =	simm.s32 @!p0 $0x1082;
	s9 =	sld [smem:$0x3FB5]  }
0x2f: {  	lr =	sadd.s32 s0, s3;
	s0 =	sld [smem:$0x3FAC]  }
0x30: {  	s3 =	sld [smem:$0x3FAF]  }
0x31: {  	[smem:$0x3FB8] =	sst s10  }
0x32: {  	s10 =	sld [smem:$0x3FB6];
	_ =	sdelay $0x3  }
0x33: {  	p0 =	seq.s32 s10, $0x1;
	s10 =	sld [smem:$0x3FB8];
	_ =	sdelay $0x3  }
0x34: {  	[smem:$0x3FB8] =	sst s10  }
0x35: {  	s10 =	sld [smem:$0x3FB7];
	_ =	sdelay $0x3  }
0x36: {  	p1 =	seq.s32 s10, $0x1;
	s10 =	sld [smem:$0x3FB8];
	_ =	sdelay $0x3  }
0x37: {  	[smem:$0x3FB8] =	sst s10  }
0x38: {  	s10 =	sld [smem:$0x3FB9]  }
0x39: {  	_ = 	snop;
	(pc) =	sbr.ind lr, $3  }
0x3a: {  	_ = 	snop  }
0x3b: {  	_ = 	snop  }
0x3c: {  	p2 =	seq.s32 s10, $0x1;
	s10 =	sld [smem:$0x3FB8]  }
0x3d: {  	_ =	shalt  }
0x3e: {  	_ =	shalt  }
0x3f: {  	_ =	shalt  }
0x40: {  	_ =	shalt  }
0x41: {  	_ =	shalt  }
0x42: {  	_ =	shalt  }
0x43: {  	_ =	shalt  }
0x44: {  	_ =	shalt  }
0x45: {  	_ =	shalt  }
0x46: {  	_ =	shalt  }
0x47: {  	_ =	shalt  }
0x48: {  	_ =	shalt  }
0x49: {  	_ =	shalt  }
0x4a: {  	_ =	shalt  }
0x4b: {  	_ =	shalt  }
0x4c: {  	_ =	shalt  }
0x4d: {  	_ =	shalt  }
0x4e: {  	_ =	shalt  }
0x4f: {  	_ =	shalt  }
0x50: {  	_ =	shalt  }
0x51: {  	_ =	shalt  }
0x52: {  	_ =	shalt  }
0x53: {  	_ =	shalt  }
0x54: {  	_ =	shalt  }
0x55: {  	_ =	shalt  }
0x56: {  	_ =	shalt  }
0x57: {  	_ =	shalt  }
0x58: {  	_ =	shalt  }
0x59: {  	_ =	shalt  }
0x5a: {  	_ =	shalt  }
0x5b: {  	_ =	shalt  }
0x5c: {  	_ =	shalt  }
0x5d: {  	_ =	shalt  }
0x5e: {  	_ =	shalt  }
0x5f: {  	_ =	shalt  }
0x60: {  	_ =	shalt  }
0x61: {  	_ =	shalt  }
0x62: {  	_ =	shalt  }
0x63: {  	_ =	shalt  }
0x64: {  	_ =	shalt  }
0x65: {  	_ =	shalt  }
0x66: {  	_ =	shalt  }
0x67: {  	_ =	shalt  }
0x68: {  	_ =	shalt  }
0x69: {  	_ =	shalt  }
0x6a: {  	_ =	shalt  }
0x6b: {  	_ =	shalt  }
0x6c: {  	_ =	shalt  }
0x6d: {  	_ =	shalt  }
0x6e: {  	_ =	shalt  }
0x6f: {  	_ =	shalt  }
0x70: {  	_ =	shalt  }
0x71: {  	_ =	shalt  }
0x72: {  	_ =	shalt  }
0x73: {  	_ =	shalt  }
0x74: {  	_ =	shalt  }
0x75: {  	_ =	shalt  }
0x76: {  	_ =	shalt  }
0x77: {  	_ =	shalt  }
0x78: {  	_ =	shalt  }
0x79: {  	_ =	shalt  }
0x7a: {  	_ =	shalt  }
0x7b: {  	_ =	shalt  }
0x7c: {  	_ =	shalt  }
0x7d: {  	_ =	shalt  }
0x7e: {  	_ =	shalt  }
0x7f: {  	_ =	shalt  }
0x80: {  	_ =	shalt  }
0x81: {  	_ =	shalt  }
0x82: {  	_ =	shalt  }
0x83: {  	_ =	shalt  }
0x84: {  	_ =	shalt  }
0x85: {  	_ =	shalt  }
0x86: {  	_ =	shalt  }
0x87: {  	_ =	shalt  }
.Lfunc_end0:
.L_simem_size_0:
called_computation_lowered:
.L_overlay_start_0:
0x88: {  	s2 =	sld [smem:$0x3FD9]  }
0x89: {  	s3 =	sld [smem:$0x3FFE];
	_ =	sdelay $0x1  }
0x8a: {  	s1 =	srdreg.scid  }
0x8b: {  	s0 =	sand.u32 $0x1, s1  }
0x8c: {  	s17 =	sshll.u32 s0, $0xA;
	s2 =	sadd.s32 s3, s2  }
0x8d: {  	s2 =	sadd.s32 s2, s17  }
0x8e: {  	[smem:$0x3FC4] =	sst s2  }
0x8f: {  	_ = 	snop  }
0x90: {  	s2 =	sld [smem:$0x3FD0];
	(tm) =	ssettm $0x1  }
0x91: {  	s18 =	sld [smem:$0x3FFB];
	_ =	sdelay $0x3  }
0x92: {  	_ =	strace s18  }
0x93: {  	s3 =	sld [smem:$0x3FFC];
	_ =	sdelay $0x3  }
0x94: {  	_ =	strace s3  }
0x95: {  	s3 =	sld [smem:$0x3FFD];
	_ =	sdelay $0x3  }
0x96: {  	_ =	strace s3  }
0x97: {  	_ =	strace $0x8FFFFFFF  }
0x98: {  	s19 =	sld [smem:$0x3FDB];
	_ =	sdelay $0x1  }
0x99: {  	s4 =	simm.s32 $_scs_section_size  }
0x9a: {  	s5 =	simm.s32 $_size__tile_overlayer_lowered;
	s6 =	simm.s32 $_tile_overlayer_lowered  }
0x9b: {  	s22 =	simm.s32 $0x1BFF;
	s21 =	sshll.u32 s6, $0x1;
	s3 =	sadd.s32 s4, s19  }
0x9c: {  	s7 =	simm.s32 $0x0;
	s20 =	sshll.u32 s5, $0x1;
	s5 =	sadd.s32 s21, s3  }
0x9d: {  	[timem:s7], [sflag:s22] =	dma.local [hbm:s5], s20  }
0x9e: {  	_ =	swait.ge [sflag:s22], s20  }
0x9f: {  	s4 =	ssub.s32 $0x0, s20;
	[sflag:s22] =	ssyncset.done $0x0  }
0xa0: {  	[sflag:s22] =	ssyncadd.s32 s4;
	_ =	sdelay $0x1  }
0xa1: {  	s23 =	simm.s32 $0x1B8B  }
0xa2: {  	_ =	swait.ge [sflag:s23], $0x1  }
0xa3: {  	[sflag:s23] =	ssyncset.done $0x0  }
0xa4: {  	s25 =	simm.s32 $0x1B8E;
	s24 =	sld [smem:$0x3FFE];
	[sflag:s23] =	ssyncadd.s32 $0xFFFFFFFF  }
0xa5: {  	s26 =	simm.s32 $execute0_lowered;
	[smem:$0x3FD2] =	sst s25  }
0xa6: {  	s5 =	sshll.u32 s26, $0x1;
	_ =	strace $0x80000046;
	[dreg:$0x1] =	wrdreg $0xFFFFFFFF  }
0xa7: {  	s28 =	simm.s32 $_size_execute0_lowered;
	s3 =	sadd.s32 s3, s5;
	[dreg:$0x0] =	wrdreg $0x0  }
0xa8: {  	s5 =	sshll.u32 s28, $0x1;
	[dreg:$0x2] =	wrdreg s3  }
0xa9: {  	[dreg:$0x3] =	wrdreg s5  }
0xaa: {  	[dreg:$0x4] =	wrdreg $0xC0  }
0xab: {  	_ =	task [dreg:s7], $0x5FFFF  }
0xac: {  	[dreg:$0x1] =	wrdreg $0xFFFFFFFF  }
0xad: {  	[dreg:$0x0] =	wrdreg $0x60  }
0xae: {  	[dreg:$0x2] =	wrdreg s2  }
0xaf: {  	[dreg:$0x3] =	wrdreg s24  }
0xb0: {  	[dreg:$0x4] =	wrdreg $0x0  }
0xb1: {  	[dreg:$0x5] =	wrdreg $0xA0000  }
0xb2: {  	[dreg:$0x6] =	wrdreg $0x9  }
0xb3: {  	_ =	task.clear_ibuf [dreg:s7], $0x7FFFF;
	_ =	strace $0x90000046  }
0xb4: {  	s29 =	simm.s32 $0x9;
	_ =	strace $0x80000048  }
0xb5: {  	_ =	swait.ge [sflag:s29], $0x1  }
0xb6: {  	[sflag:s29] =	ssyncadd.s32 $0xFFFFFFFF  }
0xb7: {  	_ =	strace $0x90000048  }
0xb8: {  	_ =	sfence  }
0xb9: {  	s30 =	sld [smem:$0x0];
	_ =	sdelay $0x2  }
0xba: {  	s31 =	sshll.u32 s1, $0xD;
	s1 =	sshrl.u32 s1, $0x2  }
0xbb: {  	s3 =	sand.u32 $0x4000, s31;
	s1 =	sadd.s32 s1, s30  }
0xbc: {  	s0 =	sor.u32 s3, s0;
	s1 =	sshll.u32 s1, $0x11  }
0xbd: {  	s0 =	sor.u32 s1, s0  }
0xbe: {  	s0 =	sadd.s32 $0x8F2B, s0  }
0xbf: {  	[sflag:s0] =	ssyncadd.remote.s32 $0x1  }
0xc0: {  	_ =	sfence.sel $0xFFFF  }
0xc1: {  	[dreg:$0x0] =	wrdreg $0xFFFFFFFF;
	(pc) =	sbr.abs _section_cstart, $3  }
0xc2: {  	[dreg:$0x1] =	wrdreg $0xFFFFFFFF  }
0xc3: {  	_ =	task.clear_ibuf [dreg:s7], $0x2FFFF;
	_ =	strace $0x9FFFFFFF  }
0xc4: {  	(tm) =	ssettm $0x7FFFFFFF  }
0xc5: {  	_ =	shalt  }
tec
execute0_lowered:
.L_overlay_start_1:
0x0: {  	(tag) =	ssettag $0x1  }
0x1: {  	s1 =	rddreg [dreg:$0x0]  }
0x2: {  	s0 =	rddreg [dreg:$0x1];
	s2 =	srdreg.scid  }
0x3: {  	s13 =	stileid.u32;
	s3 =	rddreg [dreg:$0x2]  }
0x4: {  	s4 =	rddreg [dreg:$0x3];
	s5 =	smul.u32 $0x14000, s13  }
0x5: {  	s14 =	simm.s32 $0x0;
	s28 =	simm.s32 $0x6;
	s7 =	smul.u32 $0x2800, s13  }
0x6: {  	s31 =	simm.s32 $0x7;
	s2 =	sand.u32 $0x1, s2;
	s11 =	smul.u32 $0x280, s13  }
0x7: {  	s30 =	simm.s32 $0xB;
	[smem:$0x7FF] =	sst s14;
	s6 =	smul.u32 $0x140000, s2  }
0x8: {  	s9 =	sadd.s32 $0x1200, s0;
	s8 =	smul.u32 $0x28000, s2;
	_ =	strace $0x80000047  }
0x9: {  	s10 =	ssub.s32 $0x2, s2;
	s23 =	sshll.u32 s2, $0x4;
	s2 =	smul.u32 $0x4E20, s2  }
0xa: {  	s25 =	sshrl.u32 s10, $0x1;
	s26 =	sor.u32 $0x50, s11;
	s12 =	sadd.s32 s7, s4  }
0xb: {  	s17 =	sadd.s32 $0xA0, s11;
	s19 =	sadd.s32 $0xF0, s11;
	s6 =	sadd.s32 s5, s6  }
0xc: {  	s8 =	sadd.s32 s7, s8;
	s5 =	sshrl.u32 s5, $0x1;
	[dreg:$0x7] =	wrdreg s12  }
0xd: {  	s15 =	sshll.u32 s26, $0x6;
	s16 =	sshll.u32 s26, $0x4;
	s18 =	sshll.u32 s17, $0x6  }
0xe: {  	s20 =	sshll.u32 s17, $0x4;
	s21 =	sshll.u32 s19, $0x6;
	s24 =	sshll.u32 s19, $0x4  }
0xf: {  	s17 =	smul.u32 $0x4E2, s13;
	s2 =	sadd.s32 s2, s9;
	s19 =	sadd.s32 $0x1E0, s11  }
0x10: {  	s6 =	sshrl.u32 s6, $0x4;
	s8 =	sshrl.u32 s8, $0x3;
	s29 =	sadd.s32 s5, s3  }
0x11: {  	s5 =	sadd.s32 s15, s3;
	s22 =	sadd.s32 s21, s3;
	s7 =	sadd.s32 s24, s4  }
0x12: {  	s15 =	sadd.s32 $0x190, s11;
	s21 =	sadd.s32 $0x230, s11;
	s6 =	sadd.s32 s6, s0  }
0x13: {  	s0 =	sadd.s32 s8, s0;
	s8 =	ssub.s32 s10, s25;
	[dreg:$0x8] =	wrdreg s5  }
0x14: {  	s5 =	sadd.s32 s16, s4;
	[dreg:$0xc] =	wrdreg s22;
	s25 =	sadd.s32 $0x140, s11  }
0x15: {  	[dreg:$0xd] =	wrdreg s7;
	s17 =	sadd.s32 s17, s2;
	s2 =	sshll.u32 s19, $0x4  }
0x16: {  	s22 =	sshll.u32 s21, $0x6;
	s11 =	simm.s32 $0x9;
	[dreg:$0x6] =	wrdreg s29  }
0x17: {  	[dreg:$0x9] =	wrdreg s5;
	s5 =	sadd.s32 s18, s3;
	s26 =	sshll.u32 s25, $0x6  }
0x18: {  	s10 =	sshll.u32 s25, $0x4;
	s2 =	sadd.s32 s2, s4;
	[dreg:$0xa] =	wrdreg s5  }
0x19: {  	s18 =	sshll.u32 s15, $0x6;
	s25 =	sadd.s32 $0x14C00, s6;
	[dreg:$0x14] =	wrdreg s2  }
0x1a: {  	s0 =	sadd.s32 $0x3CC00, s0;
	s6 =	simm.s32 $0x8;
	[dreg:$0x18] =	wrdreg s25  }
0x1b: {  	s5 =	sadd.s32 s20, s4;
	s7 =	sadd.s32 s26, s3;
	[dreg:$0x19] =	wrdreg s0  }
0x1c: {  	s20 =	sshll.u32 s19, $0x6;
	s2 =	sadd.s32 s22, s3;
	[dreg:$0xb] =	wrdreg s5  }
0x1d: {  	s26 =	smax.u32 s8, $0x1;
	s19 =	simm.s32 $0x4;
	[dreg:$0xe] =	wrdreg s7  }
0x1e: {  	s22 =	simm.s32 $0x10A40;
	s8 =	simm.s32 $0x10;
	[dreg:$0x15] =	wrdreg s2  }
0x1f: {  	s5 =	sor.u32 s13, s23;
	s7 =	sadd.s32 s10, s4;
	[dreg:$0x1a] =	wrdreg s26  }
0x20: {  	s10 =	simm.s32 $0x50;
	s13 =	simm.s32 $0x3;
	s12 =	smul.u32 $0x4E2, s5  }
0x21: {  	s26 =	simm.s32 $0x11E40;
	s2 =	simm.s32 $0xF;
	s5 =	smul.u32 $0x2710, s5  }
0x22: {  	[dreg:$0xf] =	wrdreg s7;
	s7 =	sshll.u32 s15, $0x4;
	s15 =	simm.s32 $0x13740  }
0x23: {  	s7 =	sadd.s32 s7, s4;
	s16 =	sadd.s32 s9, s12;
	s5 =	sshrl.u32 s5, $0x3  }
0x24: {  	[dreg:$0x12] =	wrdreg s7;
	s7 =	sadd.s32 s20, s3;
	s12 =	simm.s32 $0xE240  }
0x25: {  	s20 =	simm.s32 $0xC;
	[dreg:$0x10] =	wrdreg s16;
	s5 =	sadd.s32 s9, s5  }
.Ltmp0:
0x26: {  	s9 =	sadd.s32 s18, s3;
	[dreg:$0x13] =	wrdreg s7;
	(pc) =	sbr.rel .LBB2_1-.Ltmp0, $4  }
0x27: {  	s7 =	sshll.u32 s21, $0x4;
	s18 =	simm.s32 $0xF640;
	s16 =	simm.s32 $0xE  }
0x28: {  	s21 =	simm.s32 $0xA;
	[dreg:$0x11] =	wrdreg s9;
	s23 =	sadd.s32 s7, s4  }
0x29: {  	s24 =	sadd.s32 $0x32, s5;
	s7 =	simm.s32 $0xD;
	[dreg:$0x16] =	wrdreg s23  }
0x2a: {  	v0 =	vimm.bf16 $0.0e+00;
	v1 =	vimm.f32 $0.0e+00;
	v2 =	vimm.f32 $1.000000000e+00;
	[dreg:$0x17] =	wrdreg s24;
	s23 =	simm.s32 $0x5;
	s24 =	simm.s32 $0x11  }
.LBB2_6:
0x2b: {  	_ =	swait.ge [sflag:s21], $0x1400  }
0x2c: {  	[sflag:s21] =	ssyncset.done $0x0  }
0x2d: {  	[sflag:s21] =	ssyncadd.s32 $0xFFFFEC00  }
0x2e: {  	_ =	swait.ge [sflag:s2], $0x500  }
0x2f: {  	[sflag:s2] =	ssyncset.done $0x0  }
0x30: {  	[sflag:s2] =	ssyncadd.s32 $0xFFFFFB00  }
0x31: {  	_ =	swait.ge [sflag:s30], $0x1400  }
0x32: {  	[sflag:s30] =	ssyncset.done $0x0  }
0x33: {  	[sflag:s30] =	ssyncadd.s32 $0xFFFFEC00  }
0x34: {  	_ =	swait.ge [sflag:s8], $0x500  }
0x35: {  	[sflag:s8] =	ssyncset.done $0x0  }
0x36: {  	[sflag:s8] =	ssyncadd.s32 $0xFFFFFB00  }
0x37: {  	_ =	swait.ge [sflag:s20], $0x1400  }
0x38: {  	[sflag:s20] =	ssyncset.done $0x0  }
0x39: {  	[sflag:s20] =	ssyncadd.s32 $0xFFFFEC00  }
0x3a: {  	_ =	swait.ge [sflag:s24], $0x500  }
0x3b: {  	[sflag:s24] =	ssyncset.done $0x0  }
0x3c: {  	[sflag:s24] =	ssyncadd.s32 $0xFFFFFB00  }
0x3d: {  	s0 =	stileid.u32;
	[bflag:$0x0] =	sbarrier.arrive $0xFFFF  }
0x3e: {  	s25 =	simm.s32 $0x12;
	s0 =	sshll.u32 s0, $0x6;
	s29 =	rddreg [dreg:$0x6]  }
0x3f: {  	s0 =	sor.u32 $0x1C12, s0;
	s14 =	rddreg [dreg:$0x18];
	s5 =	sshrl.u32 s29, $0x3  }
0x40: {  	[hbm:s14], [sflag:s0] =	dma.local [spmem:s5], $0x1400  }
0x41: {  	_ =	swait.ge [sflag:s25], $0x1400  }
0x42: {  	[sflag:s25] =	ssyncset.done $0x0;
	s14 =	rddreg [dreg:$0x7]  }
0x43: {  	s9 =	rddreg [dreg:$0x19];
	[sflag:s25] =	ssyncadd.s32 $0xFFFFEC00;
	s5 =	sshrl.u32 s14, $0x3  }
0x44: {  	[hbm:s9], [sflag:s0] =	dma.local [spmem:s5], $0x500  }
0x45: {  	_ =	swait.ge [sflag:s25], $0x500  }
0x46: {  	s5 =	rddreg [dreg:$0x5]  }
0x47: {  	s9 =	rddreg [dreg:$0x1a];
	s14 =	sadd.s32 $0x1, s5  }
0x48: {  	p0 =	sne.s32 s14, s9  }
.Ltmp1:
0x49: {  	_ = 	snop;
	(pc) =	sbr.rel @!p0 .LBB2_7-.Ltmp1, $3  }
0x4a: {  	_ =	sdelay $0x1  }
0x4b: {  	[sflag:s25] =	ssyncset.done $0x0  }
0x4c: {  	[sflag:s25] =	ssyncadd.s32 $0xFFFFFB00  }
.LBB2_1:
0x4d: {  	s5 =	simm.s32 $0xCE60  }
0x4e: {  	[tilespmem:s5+$0xFFFFFFE0] =	vst v0  }
0x4f: {  	[tilespmem:s5+$0x10] =	vst v0  }
0x50: {  	[tilespmem:s5+$0x0] =	vst v0  }
0x51: {  	[dreg:$0x5] =	wrdreg s14;
	s14 =	simm.s32 $0x40;
	s0 =	simm.s32 $0x0;
	[tilespmem:s5+$0xFFFFFFF0] =	vst v0  }
.LBB2_2:
0x52: {  	p0 =	sne.s32 s14, $0x13C0  }
0x53: {  	[tilespmem:s0+$0x13240] =	vst v1;
	s5 =	sadd.s32 $0x40, s5;
	s25 =	smov.u32 s14;
	s14 =	sadd.s32 $0x40, s14  }
.Ltmp2:
0x54: {  	[tilespmem:s0+$0x13740] =	vst v2;
	(pc) =	sbr.rel @p0 .LBB2_2-.Ltmp2, $4  }
0x55: {  	[tilespmem:s5+$0xFFFFFFE0] =	vst v0  }
0x56: {  	[tilespmem:s5+$0x10] =	vst v0  }
0x57: {  	[tilespmem:s5+$0x0] =	vst v0  }
0x58: {  	s0 =	sshra.s32 s25, $0x2;
	[tilespmem:s5+$0xFFFFFFF0] =	vst v0  }
0x59: {  	[tilespmem:s0+$0x13240] =	vst v1  }
0x5a: {  	[tilespmem:s0+$0x13740] =	vst v2;
	s5 =	simm.s32 $0xCE40;
	s14 =	simm.s32 $0x12  }
0x5b: {  	[spmem:s29] =	stream.linear.scatter [tilespmem:s5], [sflag:$0x12], $0x1400, $0x38;
	[tilespmem:$0x13C40] =	vst v63  }
0x5c: {  	_ =	swait.ge [sflag:s14], $0x1400  }
0x5d: {  	[sflag:s14] =	ssyncset.done $0x0  }
0x5e: {  	s25 =	simm.s32 $0x13240;
	s9 =	rddreg [dreg:$0x7];
	[sflag:s14] =	ssyncadd.s32 $0xFFFFEC00  }
0x5f: {  	[spmem:s9] =	stream.linear.scatter [tilespmem:s25], [sflag:$0x12], $0x500, $0x38;
	[tilespmem:$0x13C40] =	vst v63  }
0x60: {  	_ =	swait.ge [sflag:s14], $0x500  }
0x61: {  	[sflag:s14] =	ssyncset.done $0x0  }
0x62: {  	s29 =	rddreg [dreg:$0x8];
	[sflag:s14] =	ssyncadd.s32 $0xFFFFFB00  }
0x63: {  	[spmem:s29] =	stream.linear.scatter [tilespmem:s5], [sflag:$0x12], $0x1400, $0x38;
	[tilespmem:$0x13C40] =	vst v63  }
0x64: {  	_ =	swait.ge [sflag:s14], $0x1400  }
0x65: {  	[sflag:s14] =	ssyncset.done $0x0  }
0x66: {  	s9 =	rddreg [dreg:$0x9];
	[sflag:s14] =	ssyncadd.s32 $0xFFFFEC00  }
0x67: {  	[spmem:s9] =	stream.linear.scatter [tilespmem:s25], [sflag:$0x12], $0x500, $0x38;
	[tilespmem:$0x13C40] =	vst v63  }
0x68: {  	_ =	swait.ge [sflag:s14], $0x500  }
0x69: {  	[sflag:s14] =	ssyncset.done $0x0  }
0x6a: {  	s29 =	rddreg [dreg:$0xa];
	[sflag:s14] =	ssyncadd.s32 $0xFFFFFB00  }
0x6b: {  	[spmem:s29] =	stream.linear.scatter [tilespmem:s5], [sflag:$0x12], $0x1400, $0x38;
	[tilespmem:$0x13C40] =	vst v63  }
0x6c: {  	_ =	swait.ge [sflag:s14], $0x1400  }
0x6d: {  	[sflag:s14] =	ssyncset.done $0x0  }
0x6e: {  	s9 =	rddreg [dreg:$0xb];
	[sflag:s14] =	ssyncadd.s32 $0xFFFFEC00  }
0x6f: {  	[spmem:s9] =	stream.linear.scatter [tilespmem:s25], [sflag:$0x12], $0x500, $0x38;
	[tilespmem:$0x13C40] =	vst v63  }
0x70: {  	_ =	swait.ge [sflag:s14], $0x500  }
0x71: {  	[sflag:s14] =	ssyncset.done $0x0  }
0x72: {  	s29 =	rddreg [dreg:$0xc];
	[sflag:s14] =	ssyncadd.s32 $0xFFFFFB00  }
0x73: {  	[spmem:s29] =	stream.linear.scatter [tilespmem:s5], [sflag:$0x12], $0x1400, $0x38;
	[tilespmem:$0x13C40] =	vst v63  }
0x74: {  	_ =	swait.ge [sflag:s14], $0x1400  }
0x75: {  	[sflag:s14] =	ssyncset.done $0x0  }
0x76: {  	s9 =	rddreg [dreg:$0xd];
	[sflag:s14] =	ssyncadd.s32 $0xFFFFEC00  }
0x77: {  	[spmem:s9] =	stream.linear.scatter [tilespmem:s25], [sflag:$0x12], $0x500, $0x38;
	[tilespmem:$0x13C40] =	vst v63  }
0x78: {  	_ =	swait.ge [sflag:s14], $0x500  }
0x79: {  	[sflag:s14] =	ssyncset.done $0x0  }
0x7a: {  	s29 =	rddreg [dreg:$0xe];
	[sflag:s14] =	ssyncadd.s32 $0xFFFFFB00  }
0x7b: {  	[spmem:s29] =	stream.linear.scatter [tilespmem:s5], [sflag:$0x12], $0x1400, $0x38;
	[tilespmem:$0x13C40] =	vst v63  }
0x7c: {  	_ =	swait.ge [sflag:s14], $0x1400  }
0x7d: {  	[sflag:s14] =	ssyncset.done $0x0  }
0x7e: {  	s9 =	rddreg [dreg:$0xf];
	[sflag:s14] =	ssyncadd.s32 $0xFFFFEC00  }
0x7f: {  	[spmem:s9] =	stream.linear.scatter [tilespmem:s25], [sflag:$0x12], $0x500, $0x38;
	[tilespmem:$0x13C40] =	vst v63  }
0x80: {  	_ =	swait.ge [sflag:s14], $0x500  }
0x81: {  	[sflag:s14] =	ssyncset.done $0x0  }
0x82: {  	s29 =	rddreg [dreg:$0x11];
	[sflag:s14] =	ssyncadd.s32 $0xFFFFFB00  }
0x83: {  	[spmem:s29] =	stream.linear.scatter [tilespmem:s5], [sflag:$0x12], $0x1400, $0x38;
	[tilespmem:$0x13C40] =	vst v63  }
0x84: {  	_ =	swait.ge [sflag:s14], $0x1400  }
0x85: {  	[sflag:s14] =	ssyncset.done $0x0  }
0x86: {  	s9 =	rddreg [dreg:$0x12];
	[sflag:s14] =	ssyncadd.s32 $0xFFFFEC00  }
0x87: {  	[spmem:s9] =	stream.linear.scatter [tilespmem:s25], [sflag:$0x12], $0x500, $0x38;
	[tilespmem:$0x13C40] =	vst v63  }
0x88: {  	_ =	swait.ge [sflag:s14], $0x500  }
0x89: {  	[sflag:s14] =	ssyncset.done $0x0  }
0x8a: {  	s29 =	rddreg [dreg:$0x13];
	[sflag:s14] =	ssyncadd.s32 $0xFFFFFB00  }
0x8b: {  	[spmem:s29] =	stream.linear.scatter [tilespmem:s5], [sflag:$0x12], $0x1400, $0x38;
	[tilespmem:$0x13C40] =	vst v63  }
0x8c: {  	_ =	swait.ge [sflag:s14], $0x1400  }
0x8d: {  	[sflag:s14] =	ssyncset.done $0x0  }
0x8e: {  	s9 =	rddreg [dreg:$0x14];
	[sflag:s14] =	ssyncadd.s32 $0xFFFFEC00  }
0x8f: {  	[spmem:s9] =	stream.linear.scatter [tilespmem:s25], [sflag:$0x12], $0x500, $0x38;
	[tilespmem:$0x13C40] =	vst v63  }
0x90: {  	_ =	swait.ge [sflag:s14], $0x500  }
0x91: {  	[sflag:s14] =	ssyncset.done $0x0  }
0x92: {  	s29 =	rddreg [dreg:$0x15];
	[sflag:s14] =	ssyncadd.s32 $0xFFFFFB00  }
0x93: {  	[spmem:s29] =	stream.linear.scatter [tilespmem:s5], [sflag:$0x12], $0x1400, $0x38;
	[tilespmem:$0x13C40] =	vst v63  }
0x94: {  	_ =	swait.ge [sflag:s14], $0x1400  }
0x95: {  	[sflag:s14] =	ssyncset.done $0x0  }
0x96: {  	s5 =	rddreg [dreg:$0x16];
	[sflag:s14] =	ssyncadd.s32 $0xFFFFEC00  }
0x97: {  	[spmem:s5] =	stream.linear.scatter [tilespmem:s25], [sflag:$0x12], $0x500, $0x38;
	[tilespmem:$0x13C40] =	vst v63  }
0x98: {  	_ =	swait.ge [sflag:s14], $0x500  }
0x99: {  	[sflag:s14] =	ssyncset.done $0x0  }
0x9a: {  	[sflag:s14] =	ssyncadd.s32 $0xFFFFFB00  }
0x9b: {  	s29 =	simm.s32 $0x4E200;
	[bflag:$0x0] =	sbarrier.arrive $0xFFFF  }
0x9c: {  	s25 =	simm.s32 $0x190;
	s5 =	simm.s32 $0xC800;
	s9 =	rddreg [dreg:$0x10]  }
0x9d: {  	[tilespmem:s5], [sflag:$0x12] =	stream.strided.gather [hbm4b:s9+s25], $0x320, s29, s25, $0x38;
	[tilespmem:$0x13C40] =	vst v63  }
0x9e: {  	_ =	swait.ge [sflag:s14], $0x320  }
0x9f: {  	[sflag:s14] =	ssyncset.done $0x0  }
0xa0: {  	s9 =	simm.s32 $0xCB20;
	[sflag:s14] =	ssyncadd.s32 $0xFFFFFCE0;
	s14 =	rddreg [dreg:$0x17]  }
0xa1: {  	[tilespmem:s9], [sflag:$0x2] =	stream.strided.gather [hbm4b:s14+s25], $0x320, s29, s25, $0x38;
	[tilespmem:$0x13C40] =	vst v63  }
0xa2: {  	s14 =	simm.s32 $0xCE40  }
0xa3: {  	[tilespmem:s14], [sflag:$0x3] =	stream.indirect.gather [hbm4b:s1+s10], $0x40, s5, s10, $0xb8;
	[tilespmem:$0x13C40] =	vst v63  }
0xa4: {  	s25 =	simm.s32 $0xC850  }
0xa5: {  	[tilespmem:s12], [sflag:$0x4] =	stream.indirect.gather [hbm4b:s1+s10], $0x40, s25, s10, $0xb8;
	[tilespmem:$0x13C40] =	vst v63  }
0xa6: {  	_ =	swait.ge [sflag:s13], $0x1400  }
0xa7: {  	[sflag:s13] =	ssyncset.done $0x0  }
0xa8: {  	s29 =	simm.s32 $0xC990;
	[sflag:s13] =	ssyncadd.s32 $0xFFFFEC00  }
0xa9: {  	[spmem:s3] =	stream.indirect.scatter.add.bf16 [tilespmem:s14], [sflag:$0x8], $0x40, s29, s10, $0xb8;
	[tilespmem:$0x13C40] =	vst v63  }
0xaa: {  	_ = 	snop  }
0xab: {  	[spmem:s4] =	stream.indirect.scatter.add.f32 [tilespmem:s15], [sflag:$0xD], $0x10, s29, s10, $0xb8;
	[tilespmem:$0x13C40] =	vst v63  }
0xac: {  	s14 =	simm.s32 $0xC8A0  }
0xad: {  	[tilespmem:s18], [sflag:$0x5] =	stream.indirect.gather [hbm4b:s1+s10], $0x40, s14, s10, $0xb8;
	[tilespmem:$0x13C40] =	vst v63  }
0xae: {  	_ =	swait.ge [sflag:s19], $0x1400  }
0xaf: {  	[sflag:s19] =	ssyncset.done $0x0  }
0xb0: {  	s25 =	simm.s32 $0xC9E0;
	[sflag:s19] =	ssyncadd.s32 $0xFFFFEC00  }
0xb1: {  	[spmem:s3] =	stream.indirect.scatter.add.bf16 [tilespmem:s12], [sflag:$0x9], $0x40, s25, s10, $0xb8;
	[tilespmem:$0x13C40] =	vst v63  }
0xb2: {  	_ = 	snop  }
0xb3: {  	[spmem:s4] =	stream.indirect.scatter.add.f32 [tilespmem:s15], [sflag:$0xE], $0x10, s25, s10, $0xb8;
	[tilespmem:$0x13C40] =	vst v63  }
0xb4: {  	s29 =	simm.s32 $0xC8F0  }
0xb5: {  	[tilespmem:s22], [sflag:$0x6] =	stream.indirect.gather [hbm4b:s1+s10], $0x40, s29, s10, $0xb8;
	[tilespmem:$0x13C40] =	vst v63  }
0xb6: {  	_ =	swait.ge [sflag:s23], $0x1400  }
0xb7: {  	[sflag:s23] =	ssyncset.done $0x0  }
0xb8: {  	s14 =	simm.s32 $0xCA30;
	[sflag:s23] =	ssyncadd.s32 $0xFFFFEC00  }
0xb9: {  	[spmem:s3] =	stream.indirect.scatter.add.bf16 [tilespmem:s18], [sflag:$0xA], $0x40, s14, s10, $0xb8;
	[tilespmem:$0x13C40] =	vst v63  }
0xba: {  	_ = 	snop  }
0xbb: {  	[spmem:s4] =	stream.indirect.scatter.add.f32 [tilespmem:s15], [sflag:$0xF], $0x10, s14, s10, $0xb8;
	[tilespmem:$0x13C40] =	vst v63  }
0xbc: {  	s25 =	simm.s32 $0xC940  }
0xbd: {  	[tilespmem:s26], [sflag:$0x7] =	stream.indirect.gather [hbm4b:s1+s10], $0x40, s25, s10, $0xb8;
	[tilespmem:$0x13C40] =	vst v63  }
0xbe: {  	_ =	swait.ge [sflag:s28], $0x1400  }
0xbf: {  	[sflag:s28] =	ssyncset.done $0x0  }
0xc0: {  	s29 =	simm.s32 $0xCA80;
	[sflag:s28] =	ssyncadd.s32 $0xFFFFEC00  }
0xc1: {  	[spmem:s3] =	stream.indirect.scatter.add.bf16 [tilespmem:s22], [sflag:$0xB], $0x40, s29, s10, $0xb8;
	[tilespmem:$0x13C40] =	vst v63  }
0xc2: {  	_ = 	snop  }
0xc3: {  	[spmem:s4] =	stream.indirect.scatter.add.f32 [tilespmem:s15], [sflag:$0x10], $0x10, s29, s10, $0xb8;
	[tilespmem:$0x13C40] =	vst v63  }
0xc4: {  	_ =	swait.ge [sflag:s6], $0x1400  }
0xc5: {  	[sflag:s6] =	ssyncset.done $0x0  }
0xc6: {  	[sflag:s6] =	ssyncadd.s32 $0xFFFFEC00  }
0xc7: {  	_ =	swait.ge [sflag:s7], $0x500  }
0xc8: {  	[sflag:s7] =	ssyncset.done $0x0  }
0xc9: {  	s14 =	simm.s32 $0x2;
	[sflag:s7] =	ssyncadd.s32 $0xFFFFFB00  }
0xca: {  	_ =	swait.ge [sflag:s14], $0x320  }
0xcb: {  	[sflag:s14] =	ssyncset.done $0x0  }
0xcc: {  	s5 =	simm.s32 $0xCE40;
	[sflag:s14] =	ssyncadd.s32 $0xFFFFFCE0  }
0xcd: {  	[tilespmem:s5], [sflag:$0x3] =	stream.indirect.gather [hbm4b:s1+s10], $0x40, s9, s10, $0xb8;
	[tilespmem:$0x13C40] =	vst v63  }
0xce: {  	_ =	swait.ge [sflag:s31], $0x1400  }
0xcf: {  	[sflag:s31] =	ssyncset.done $0x0  }
0xd0: {  	s25 =	simm.s32 $0xCAD0;
	[sflag:s31] =	ssyncadd.s32 $0xFFFFEC00  }
0xd1: {  	[spmem:s3] =	stream.indirect.scatter.add.bf16 [tilespmem:s26], [sflag:$0xC], $0x40, s25, s10, $0xb8;
	[tilespmem:$0x13C40] =	vst v63  }
0xd2: {  	_ = 	snop  }
0xd3: {  	[spmem:s4] =	stream.indirect.scatter.add.f32 [tilespmem:s15], [sflag:$0x11], $0x10, s25, s10, $0xb8;
	[tilespmem:$0x13C40] =	vst v63  }
0xd4: {  	_ =	swait.ge [sflag:s11], $0x1400  }
0xd5: {  	[sflag:s11] =	ssyncset.done $0x0  }
0xd6: {  	[sflag:s11] =	ssyncadd.s32 $0xFFFFEC00  }
0xd7: {  	_ =	swait.ge [sflag:s16], $0x500  }
0xd8: {  	[sflag:s16] =	ssyncset.done $0x0  }
0xd9: {  	s29 =	simm.s32 $0xCB70;
	s5 =	simm.s32 $0xFFFFFBB4;
	[sflag:s16] =	ssyncadd.s32 $0xFFFFFB00  }
0xda: {  	[tilespmem:s12], [sflag:$0x4] =	stream.indirect.gather [hbm4b:s1+s10], $0x40, s29, s10, $0xb8;
	[tilespmem:$0x13C40] =	vst v63  }
.LBB2_4:
0xdb: {  	_ =	swait.ge [sflag:s13], $0x1400  }
0xdc: {  	[sflag:s13] =	ssyncset.done $0x0  }
0xdd: {  	s14 =	simm.s32 $0xCE40;
	s0 =	simm.s32 $0xCCB0;
	[sflag:s13] =	ssyncadd.s32 $0xFFFFEC00  }
0xde: {  	[spmem:s3] =	stream.indirect.scatter.add.bf16 [tilespmem:s14], [sflag:$0x8], $0x40, s0, s10, $0xb8;
	[tilespmem:$0x13C40] =	vst v63  }
0xdf: {  	_ = 	snop  }
0xe0: {  	[spmem:s4] =	stream.indirect.scatter.add.f32 [tilespmem:s15], [sflag:$0xD], $0x10, s0, s10, $0xb8;
	[tilespmem:$0x13C40] =	vst v63  }
0xe1: {  	_ =	swait.ge [sflag:s21], $0x1400  }
0xe2: {  	[sflag:s21] =	ssyncset.done $0x0  }
0xe3: {  	[sflag:s21] =	ssyncadd.s32 $0xFFFFEC00  }
0xe4: {  	_ =	swait.ge [sflag:s2], $0x500  }
0xe5: {  	[sflag:s2] =	ssyncset.done $0x0  }
0xe6: {  	s9 =	simm.s32 $0xCBC0;
	[sflag:s2] =	ssyncadd.s32 $0xFFFFFB00  }
0xe7: {  	[tilespmem:s18], [sflag:$0x5] =	stream.indirect.gather [hbm4b:s1+s10], $0x40, s9, s10, $0xb8;
	[tilespmem:$0x13C40] =	vst v63  }
0xe8: {  	_ =	swait.ge [sflag:s19], $0x1400  }
0xe9: {  	[sflag:s19] =	ssyncset.done $0x0  }
0xea: {  	s25 =	simm.s32 $0xCD00;
	[sflag:s19] =	ssyncadd.s32 $0xFFFFEC00  }
0xeb: {  	[spmem:s3] =	stream.indirect.scatter.add.bf16 [tilespmem:s12], [sflag:$0x9], $0x40, s25, s10, $0xb8;
	[tilespmem:$0x13C40] =	vst v63  }
0xec: {  	_ = 	snop  }
0xed: {  	[spmem:s4] =	stream.indirect.scatter.add.f32 [tilespmem:s15], [sflag:$0xE], $0x10, s25, s10, $0xb8;
	[tilespmem:$0x13C40] =	vst v63  }
0xee: {  	_ =	swait.ge [sflag:s30], $0x1400  }
0xef: {  	[sflag:s30] =	ssyncset.done $0x0  }
0xf0: {  	[sflag:s30] =	ssyncadd.s32 $0xFFFFEC00  }
0xf1: {  	_ =	swait.ge [sflag:s8], $0x500  }
0xf2: {  	[sflag:s8] =	ssyncset.done $0x0  }
0xf3: {  	s29 =	simm.s32 $0xCC10;
	[sflag:s8] =	ssyncadd.s32 $0xFFFFFB00  }
0xf4: {  	[tilespmem:s22], [sflag:$0x6] =	stream.indirect.gather [hbm4b:s1+s10], $0x40, s29, s10, $0xb8;
	[tilespmem:$0x13C40] =	vst v63  }
0xf5: {  	_ =	swait.ge [sflag:s23], $0x1400  }
0xf6: {  	[sflag:s23] =	ssyncset.done $0x0  }
0xf7: {  	s9 =	simm.s32 $0xCD50;
	[sflag:s23] =	ssyncadd.s32 $0xFFFFEC00  }
0xf8: {  	[spmem:s3] =	stream.indirect.scatter.add.bf16 [tilespmem:s18], [sflag:$0xA], $0x40, s9, s10, $0xb8;
	[tilespmem:$0x13C40] =	vst v63  }
0xf9: {  	_ = 	snop  }
0xfa: {  	[spmem:s4] =	stream.indirect.scatter.add.f32 [tilespmem:s15], [sflag:$0xF], $0x10, s9, s10, $0xb8;
	[tilespmem:$0x13C40] =	vst v63  }
0xfb: {  	_ =	swait.ge [sflag:s20], $0x1400  }
0xfc: {  	[sflag:s20] =	ssyncset.done $0x0  }
0xfd: {  	[sflag:s20] =	ssyncadd.s32 $0xFFFFEC00  }
0xfe: {  	s25 =	sadd.s32 s5, s17;
	_ =	swait.ge [sflag:s24], $0x500  }
0xff: {  	s0 =	sadd.s32 $0x4B0, s25;
	s25 =	simm.s32 $0x190;
	[sflag:s24] =	ssyncset.done $0x0  }
0x100: {  	s29 =	simm.s32 $0x4E200;
	s9 =	simm.s32 $0xC800;
	[sflag:s24] =	ssyncadd.s32 $0xFFFFFB00  }
0x101: {  	[tilespmem:s9], [sflag:$0x1] =	stream.strided.gather [hbm4b:s0+s25], $0x320, s29, s25, $0x38;
	[tilespmem:$0x13C40] =	vst v63  }
0x102: {  	s29 =	simm.s32 $0xCC60  }
0x103: {  	[tilespmem:s26], [sflag:$0x7] =	stream.indirect.gather [hbm4b:s1+s10], $0x40, s29, s10, $0xb8;
	[tilespmem:$0x13C40] =	vst v63  }
0x104: {  	_ =	swait.ge [sflag:s28], $0x1400  }
0x105: {  	[sflag:s28] =	ssyncset.done $0x0  }
0x106: {  	s25 =	simm.s32 $0xCDA0;
	[sflag:s28] =	ssyncadd.s32 $0xFFFFEC00  }
0x107: {  	[spmem:s3] =	stream.indirect.scatter.add.bf16 [tilespmem:s22], [sflag:$0xB], $0x40, s25, s10, $0xb8;
	[tilespmem:$0x13C40] =	vst v63  }
0x108: {  	_ = 	snop  }
0x109: {  	[spmem:s4] =	stream.indirect.scatter.add.f32 [tilespmem:s15], [sflag:$0x10], $0x10, s25, s10, $0xb8;
	[tilespmem:$0x13C40] =	vst v63  }
0x10a: {  	_ =	swait.ge [sflag:s6], $0x1400  }
0x10b: {  	[sflag:s6] =	ssyncset.done $0x0  }
0x10c: {  	[sflag:s6] =	ssyncadd.s32 $0xFFFFEC00  }
0x10d: {  	_ =	swait.ge [sflag:s7], $0x500  }
0x10e: {  	[sflag:s7] =	ssyncset.done $0x0  }
0x10f: {  	s29 =	simm.s32 $0x1;
	[sflag:s7] =	ssyncadd.s32 $0xFFFFFB00  }
0x110: {  	_ =	swait.ge [sflag:s29], $0x320  }
0x111: {  	[sflag:s29] =	ssyncset.done $0x0  }
0x112: {  	[sflag:s29] =	ssyncadd.s32 $0xFFFFFCE0  }
0x113: {  	[tilespmem:s14], [sflag:$0x3] =	stream.indirect.gather [hbm4b:s1+s10], $0x40, s9, s10, $0xb8;
	[tilespmem:$0x13C40] =	vst v63  }
0x114: {  	_ =	swait.ge [sflag:s31], $0x1400  }
0x115: {  	[sflag:s31] =	ssyncset.done $0x0  }
0x116: {  	s25 =	simm.s32 $0xCDF0;
	[sflag:s31] =	ssyncadd.s32 $0xFFFFEC00  }
0x117: {  	[spmem:s3] =	stream.indirect.scatter.add.bf16 [tilespmem:s26], [sflag:$0xC], $0x40, s25, s10, $0xb8;
	[tilespmem:$0x13C40] =	vst v63  }
0x118: {  	_ = 	snop  }
0x119: {  	[spmem:s4] =	stream.indirect.scatter.add.f32 [tilespmem:s15], [sflag:$0x11], $0x10, s25, s10, $0xb8;
	[tilespmem:$0x13C40] =	vst v63  }
0x11a: {  	_ =	swait.ge [sflag:s11], $0x1400  }
0x11b: {  	[sflag:s11] =	ssyncset.done $0x0  }
0x11c: {  	[sflag:s11] =	ssyncadd.s32 $0xFFFFEC00  }
0x11d: {  	_ =	swait.ge [sflag:s16], $0x500  }
0x11e: {  	[sflag:s16] =	ssyncset.done $0x0  }
0x11f: {  	s29 =	simm.s32 $0xC850;
	[sflag:s16] =	ssyncadd.s32 $0xFFFFFB00  }
0x120: {  	[tilespmem:s12], [sflag:$0x4] =	stream.indirect.gather [hbm4b:s1+s10], $0x40, s29, s10, $0xb8;
	[tilespmem:$0x13C40] =	vst v63  }
0x121: {  	_ =	swait.ge [sflag:s13], $0x1400  }
0x122: {  	[sflag:s13] =	ssyncset.done $0x0  }
0x123: {  	s9 =	simm.s32 $0xC990;
	[sflag:s13] =	ssyncadd.s32 $0xFFFFEC00  }
0x124: {  	[spmem:s3] =	stream.indirect.scatter.add.bf16 [tilespmem:s14], [sflag:$0x8], $0x40, s9, s10, $0xb8;
	[tilespmem:$0x13C40] =	vst v63  }
0x125: {  	_ = 	snop  }
0x126: {  	[spmem:s4] =	stream.indirect.scatter.add.f32 [tilespmem:s15], [sflag:$0xD], $0x10, s9, s10, $0xb8;
	[tilespmem:$0x13C40] =	vst v63  }
0x127: {  	_ =	swait.ge [sflag:s21], $0x1400  }
0x128: {  	[sflag:s21] =	ssyncset.done $0x0  }
0x129: {  	[sflag:s21] =	ssyncadd.s32 $0xFFFFEC00  }
0x12a: {  	_ =	swait.ge [sflag:s2], $0x500  }
0x12b: {  	[sflag:s2] =	ssyncset.done $0x0  }
0x12c: {  	s14 =	simm.s32 $0xC8A0;
	[sflag:s2] =	ssyncadd.s32 $0xFFFFFB00  }
0x12d: {  	[tilespmem:s18], [sflag:$0x5] =	stream.indirect.gather [hbm4b:s1+s10], $0x40, s14, s10, $0xb8;
	[tilespmem:$0x13C40] =	vst v63  }
0x12e: {  	_ =	swait.ge [sflag:s19], $0x1400  }
0x12f: {  	[sflag:s19] =	ssyncset.done $0x0  }
0x130: {  	s25 =	simm.s32 $0xC9E0;
	[sflag:s19] =	ssyncadd.s32 $0xFFFFEC00  }
0x131: {  	[spmem:s3] =	stream.indirect.scatter.add.bf16 [tilespmem:s12], [sflag:$0x9], $0x40, s25, s10, $0xb8;
	[tilespmem:$0x13C40] =	vst v63  }
0x132: {  	_ = 	snop  }
0x133: {  	[spmem:s4] =	stream.indirect.scatter.add.f32 [tilespmem:s15], [sflag:$0xE], $0x10, s25, s10, $0xb8;
	[tilespmem:$0x13C40] =	vst v63  }
0x134: {  	_ =	swait.ge [sflag:s30], $0x1400  }
0x135: {  	[sflag:s30] =	ssyncset.done $0x0  }
0x136: {  	[sflag:s30] =	ssyncadd.s32 $0xFFFFEC00  }
0x137: {  	_ =	swait.ge [sflag:s8], $0x500  }
0x138: {  	[sflag:s8] =	ssyncset.done $0x0  }
0x139: {  	s29 =	simm.s32 $0xC8F0;
	[sflag:s8] =	ssyncadd.s32 $0xFFFFFB00  }
0x13a: {  	[tilespmem:s22], [sflag:$0x6] =	stream.indirect.gather [hbm4b:s1+s10], $0x40, s29, s10, $0xb8;
	[tilespmem:$0x13C40] =	vst v63  }
0x13b: {  	_ =	swait.ge [sflag:s23], $0x1400  }
0x13c: {  	[sflag:s23] =	ssyncset.done $0x0  }
0x13d: {  	s9 =	simm.s32 $0xCA30;
	[sflag:s23] =	ssyncadd.s32 $0xFFFFEC00  }
0x13e: {  	[spmem:s3] =	stream.indirect.scatter.add.bf16 [tilespmem:s18], [sflag:$0xA], $0x40, s9, s10, $0xb8;
	[tilespmem:$0x13C40] =	vst v63  }
0x13f: {  	_ = 	snop  }
0x140: {  	[spmem:s4] =	stream.indirect.scatter.add.f32 [tilespmem:s15], [sflag:$0xF], $0x10, s9, s10, $0xb8;
	[tilespmem:$0x13C40] =	vst v63  }
0x141: {  	_ =	swait.ge [sflag:s20], $0x1400  }
0x142: {  	[sflag:s20] =	ssyncset.done $0x0  }
0x143: {  	p0 =	seq.s32 s5, $0x0;
	[sflag:s20] =	ssyncadd.s32 $0xFFFFEC00  }
0x144: {  	s0 =	sadd.s32 @!p0 s5, s17;
	_ =	swait.ge [sflag:s24], $0x500  }
0x145: {  	s0 =	sadd.s32 @!p0 $0x4E2, s0;
	s14 =	simm.s32 @!p0 $0x190;
	[sflag:s24] =	ssyncset.done $0x0  }
0x146: {  	s25 =	simm.s32 @!p0 $0x4E200;
	s29 =	simm.s32 @!p0 $0xCB20;
	[sflag:s24] =	ssyncadd.s32 $0xFFFFFB00  }
0x147: {  	[tilespmem:s29], [sflag:$0x2] =	stream.strided.gather @!p0 [hbm4b:s0+s14], $0x320, s25, s14, $0x38;
	[tilespmem:$0x13C40] =	vst v63  }
0x148: {  	s14 =	simm.s32 $0xC940  }
0x149: {  	[tilespmem:s26], [sflag:$0x7] =	stream.indirect.gather [hbm4b:s1+s10], $0x40, s14, s10, $0xb8;
	[tilespmem:$0x13C40] =	vst v63  }
0x14a: {  	_ =	swait.ge [sflag:s28], $0x1400  }
0x14b: {  	[sflag:s28] =	ssyncset.done $0x0  }
0x14c: {  	s25 =	simm.s32 $0xCA80;
	[sflag:s28] =	ssyncadd.s32 $0xFFFFEC00  }
0x14d: {  	[spmem:s3] =	stream.indirect.scatter.add.bf16 [tilespmem:s22], [sflag:$0xB], $0x40, s25, s10, $0xb8;
	[tilespmem:$0x13C40] =	vst v63  }
0x14e: {  	_ = 	snop  }
0x14f: {  	[spmem:s4] =	stream.indirect.scatter.add.f32 [tilespmem:s15], [sflag:$0x10], $0x10, s25, s10, $0xb8;
	[tilespmem:$0x13C40] =	vst v63  }
0x150: {  	_ =	swait.ge [sflag:s6], $0x1400  }
0x151: {  	[sflag:s6] =	ssyncset.done $0x0  }
0x152: {  	[sflag:s6] =	ssyncadd.s32 $0xFFFFEC00  }
0x153: {  	_ =	swait.ge [sflag:s7], $0x500  }
0x154: {  	[sflag:s7] =	ssyncset.done $0x0  }
0x155: {  	s0 =	simm.s32 @!p0 $0x2;
	[sflag:s7] =	ssyncadd.s32 $0xFFFFFB00  }
0x156: {  	_ =	swait.ge @!p0 [sflag:s0], $0x320  }
0x157: {  	[sflag:s0] =	ssyncset.done @!p0 $0x0  }
0x158: {  	s14 =	simm.s32 @!p0 $0xCE40;
	[sflag:s0] =	ssyncadd.s32 @!p0 $0xFFFFFCE0;
	s0 =	simm.s32 @!p0 $0x50  }
0x159: {  	[tilespmem:s14], [sflag:$0x3] =	stream.indirect.gather @!p0 [hbm4b:s1+s0], $0x40, s29, s0, $0xb8;
	[tilespmem:$0x13C40] =	vst v63  }
0x15a: {  	_ =	swait.ge [sflag:s31], $0x1400  }
0x15b: {  	[sflag:s31] =	ssyncset.done $0x0  }
0x15c: {  	s29 =	simm.s32 $0xCAD0;
	[sflag:s31] =	ssyncadd.s32 $0xFFFFEC00  }
0x15d: {  	[spmem:s3] =	stream.indirect.scatter.add.bf16 [tilespmem:s26], [sflag:$0xC], $0x40, s29, s10, $0xb8;
	[tilespmem:$0x13C40] =	vst v63  }
0x15e: {  	_ = 	snop  }
0x15f: {  	[spmem:s4] =	stream.indirect.scatter.add.f32 [tilespmem:s15], [sflag:$0x11], $0x10, s29, s10, $0xb8;
	[tilespmem:$0x13C40] =	vst v63  }
0x160: {  	_ =	swait.ge [sflag:s11], $0x1400  }
.Ltmp3:
0x161: {  	[sflag:s11] =	ssyncset.done $0x0;
	(pc) =	sbr.rel @p0 .LBB2_6-.Ltmp3, $4  }
0x162: {  	[sflag:s11] =	ssyncadd.s32 $0xFFFFEC00  }
0x163: {  	_ =	swait.ge [sflag:s16], $0x500  }
0x164: {  	[sflag:s16] =	ssyncset.done $0x0  }
0x165: {  	[sflag:s16] =	ssyncadd.s32 $0xFFFFFB00  }
.Ltmp4:
0x166: {  	(pc) =	sbr.rel .LBB2_4-.Ltmp4, $3  }
0x167: {  	_ =	sdelay $0x1  }
0x168: {  	s0 =	simm.s32 $0xCB70;
	s5 =	sadd.s32 $0x64, s5  }
0x169: {  	[tilespmem:s12], [sflag:$0x4] =	stream.indirect.gather [hbm4b:s1+s10], $0x40, s0, s10, $0xb8;
	[tilespmem:$0x13C40] =	vst v63  }
.LBB2_7:
0x16a: {  	_ =	sfence.sel $0x180000  }
0x16b: {  	[bflag:$0x0] =	sbarrier.arrive $0xFFFF  }
0x16c: {  	_ =	strace $0x90000047  }
0x16d: {  	s0 =	stileid.u32;
	[bflag:$0x2] =	sbarrier.arrive $0xFFFF  }
0x16e: {  	p0 =	sne.s32 s0, $0x0;
	s0 =	rddreg [dreg:$0x4]  }
0x16f: {  	s0 =	sadd.s32 @!p0 $0x100000, s0  }
0x170: {  	[sflag:s0] =	ssyncadd.tile.s32 @!p0 $0x1;
	_ =	shalt  }
.Lfunc_end2:
_tile_overlayer_lowered:
.L_overlay_start_2:
0x171: {  	(tag) =	ssettag $0x2  }
0x172: {  	s0 =	rddreg [dreg:$0x0];
	s2 =	stileid.u32  }
0x173: {  	s1 =	rddreg [dreg:$0x1];
	p0 =	sne.s32 s2, $0x0  }
0x174: {  	s3 =	rddreg [dreg:$0x2];
	[bflag:$0x3] =	sbarrier.arrive $0xFFFF;
	s2 =	simm.s32 @!p0 $0x1C12  }
0x175: {  	[timem:s3], [sflag:s2] =	dma.local @!p0 [hbm:s0], s1  }
0x176: {  	s0 =	simm.s32 @!p0 $0x12  }
0x177: {  	_ =	swait.ge @!p0 [sflag:s0], s1  }
0x178: {  	s1 =	ssub.s32 @!p0 $0x0, s1;
	[sflag:s0] =	ssyncset.done @!p0 $0x0  }
0x179: {  	[sflag:s0] =	ssyncadd.s32 @!p0 s1  }
0x17a: {  	[bflag:$0x3] =	sbarrier.arrive $0xFFFF  }
0x17b: {  	_ =	shalt  }

</sc_bundles>
